<compile_context>
chip_gen: v7x
topology: tpu7x:2x2x1
jax: 0.10.2.dev20260603
libtpu: 0.0.44.dev20260713+nightly
codegen_flags: <defaults>
</compile_context>

<pallas_src>
import jax
import jax.numpy as jnp
from jax import lax
from jax.experimental import pallas as pl
from jax.experimental.pallas import tpu as pltpu
from jax.experimental.pallas import tpu_sc as plsc

N = 10000
E = 320000
D = 128
H = 128
OUT = 128
G = 64
HH = H // 2

BN = 1000
NB = N // BN

NC = 2
NS = 16
EPT = E // NS
CHUNK = 500
NCHUNK = EPT // CHUNK
KB = 4
NBLK = NCHUNK // KB
ZROWS = 125
ZPT = N // NS



def _mm2_first(h_ref, w1_ref, w2_ref, s_ref, m_ref):
    h = h_ref[...]
    s_ref[...] = jnp.dot(h, w1_ref[...], preferred_element_type=jnp.float32)
    m_ref[...] = jnp.dot(h, w2_ref[...], preferred_element_type=jnp.float32)


def _mm2_mid(sp_ref, n_ref, w1_ref, w2_ref, s_ref, m_ref):
    n = jnp.concatenate([n_ref[0], n_ref[1]], axis=1)
    h = jnp.maximum(sp_ref[...] + n, 0.0)
    s_ref[...] = jnp.dot(h, w1_ref[...], preferred_element_type=jnp.float32)
    m_ref[...] = jnp.dot(h, w2_ref[...], preferred_element_type=jnp.float32)


def _final(sp_ref, n_ref, b_ref, c1w_ref, c1b_ref, c2w_ref, c2b_ref,
           out_ref, pooled):
    i = pl.program_id(0)
    n = jnp.concatenate([n_ref[0], n_ref[1]], axis=1)
    h = jnp.maximum(sp_ref[...] + n, 0.0)
    b = b_ref[0, 0, :]
    onehot = (lax.broadcasted_iota(jnp.int32, (G, BN), 0) ==
              b[None, :]).astype(jnp.float32)
    part = jnp.dot(onehot, h, preferred_element_type=jnp.float32)

    @pl.when(i == 0)
    def _():
        pooled[...] = part

    @pl.when(i > 0)
    def _():
        pooled[...] += part

    @pl.when(i == NB - 1)
    def _():
        g = jnp.maximum(
            jnp.dot(pooled[...], c1w_ref[...],
                    preferred_element_type=jnp.float32) + c1b_ref[...], 0.0)
        out_ref[...] = jnp.dot(
            g, c2w_ref[...], preferred_element_type=jnp.float32) + c2b_ref[...]


def _tc_mm2_first(h, w1, w2):
    return pl.pallas_call(
        _mm2_first,
        grid=(NB,),
        in_specs=[
            pl.BlockSpec((BN, D), lambda i: (i, 0)),
            pl.BlockSpec((D, H), lambda i: (0, 0)),
            pl.BlockSpec((D, H), lambda i: (0, 0)),
        ],
        out_specs=[
            pl.BlockSpec((BN, H), lambda i: (i, 0)),
            pl.BlockSpec((BN, H), lambda i: (i, 0)),
        ],
        out_shape=[
            jax.ShapeDtypeStruct((N, H), jnp.float32),
            jax.ShapeDtypeStruct((N, H), jnp.float32),
        ],
    )(h, w1, w2)


def _tc_mm2_mid(s_prev, n2, w1, w2):
    return pl.pallas_call(
        _mm2_mid,
        grid=(NB,),
        in_specs=[
            pl.BlockSpec((BN, H), lambda i: (i, 0)),
            pl.BlockSpec((2, BN, HH), lambda i: (0, i, 0)),
            pl.BlockSpec((H, H), lambda i: (0, 0)),
            pl.BlockSpec((H, H), lambda i: (0, 0)),
        ],
        out_specs=[
            pl.BlockSpec((BN, H), lambda i: (i, 0)),
            pl.BlockSpec((BN, H), lambda i: (i, 0)),
        ],
        out_shape=[
            jax.ShapeDtypeStruct((N, H), jnp.float32),
            jax.ShapeDtypeStruct((N, H), jnp.float32),
        ],
    )(s_prev, n2, w1, w2)


def _tc_final(s_prev, n2, batch3, c1w, c1b, c2w, c2b):
    return pl.pallas_call(
        _final,
        grid=(NB,),
        in_specs=[
            pl.BlockSpec((BN, H), lambda i: (i, 0)),
            pl.BlockSpec((2, BN, HH), lambda i: (0, i, 0)),
            pl.BlockSpec((1, 1, BN), lambda i: (i, 0, 0)),
            pl.BlockSpec((H, H), lambda i: (0, 0)),
            pl.BlockSpec((1, H), lambda i: (0, 0)),
            pl.BlockSpec((H, OUT), lambda i: (0, 0)),
            pl.BlockSpec((1, OUT), lambda i: (0, 0)),
        ],
        out_specs=pl.BlockSpec((G, OUT), lambda i: (0, 0)),
        out_shape=jax.ShapeDtypeStruct((G, OUT), jnp.float32),
        scratch_shapes=[pltpu.VMEM((G, H), jnp.float32)],
    )(s_prev, n2, batch3, c1w, c1b, c2w, c2b)



def _sc_agg_body(m2_hbm, pack_hbm, out_hbm,
                 idx_v, rows_v, zbuf, acc_sh,
                 sem_g0, sem_g1, sem_sc0, sem_sc1, sem_idx):
    c = lax.axis_index("c")
    s = lax.axis_index("s")

    zero16 = jnp.zeros((16,), jnp.float32)

    def _zfill(i, _):
        for k in range(HH // 16):
            zbuf[i, pl.ds(k * 16, 16)] = zero16
        return 0

    lax.fori_loop(0, ZROWS, _zfill, 0)

    tbl = m2_hbm
    sem_g = (sem_g0, sem_g1)
    sem_sc = (sem_sc0, sem_sc1)

    pltpu.sync_copy(pack_hbm.at[s, pl.ds(0, KB)], idx_v.at[0])
    pltpu.async_copy(tbl.at[idx_v.at[0, 0, c]], rows_v.at[0], sem_g0)

    def _zdma(j, _):
        pltpu.sync_copy(zbuf, acc_sh.at[pl.ds(s * ZPT + j * ZROWS, ZROWS)])
        return 0

    lax.fori_loop(0, ZPT // ZROWS, _zdma, 0)

    plsc.subcore_barrier()

    def _block(b, _):
        bp = b % 2
        bq = (b + 1) % 2
        for k in range(KB):
            p = k % 2
            q = 1 - p
            if k == 0:
                @pl.when(b > 0)
                def _():
                    pltpu.make_async_copy(
                        rows_v.at[q], acc_sh.at[idx_v.at[bp, k, 2]],
                        sem_sc[q]).wait()
            else:
                pltpu.make_async_copy(
                    rows_v.at[q], acc_sh.at[idx_v.at[bp, k, 2]],
                    sem_sc[q]).wait()
            if k == 1:
                @pl.when(b < NBLK - 1)
                def _():
                    pltpu.async_copy(
                        pack_hbm.at[s, pl.ds((b + 1) * KB, KB)],
                        idx_v.at[bq], sem_idx)
            if k < KB - 1:
                pltpu.async_copy(tbl.at[idx_v.at[bp, k + 1, c]],
                                 rows_v.at[q], sem_g[q])
            else:
                @pl.when(b < NBLK - 1)
                def _():
                    pltpu.make_async_copy(
                        pack_hbm.at[s, pl.ds((b + 1) * KB, KB)],
                        idx_v.at[bq], sem_idx).wait()
                    pltpu.async_copy(tbl.at[idx_v.at[bq, 0, c]],
                                     rows_v.at[q], sem_g[q])
            pltpu.make_async_copy(tbl.at[idx_v.at[bp, k, c]], rows_v.at[p],
                                  sem_g[p]).wait()
            pltpu.async_copy(rows_v.at[p], acc_sh.at[idx_v.at[bp, k, 2]],
                             sem_sc[p], add=True)
        return 0

    lax.fori_loop(0, NBLK, _block, 0)

    lastb = (NBLK - 1) % 2
    pltpu.make_async_copy(rows_v.at[1], acc_sh.at[idx_v.at[lastb, KB - 1, 2]],
                          sem_sc1).wait()

    plsc.subcore_barrier()

    pltpu.sync_copy(acc_sh.at[pl.ds(s * ZPT, ZPT)],
                    out_hbm.at[pl.ds(c * N + s * ZPT, ZPT)])


def _sc_aggregate(m2, pack):
    mesh = plsc.VectorSubcoreMesh(
        core_axis_name="c", subcore_axis_name="s",
        num_cores=NC, num_subcores=NS)
    f = pl.kernel(
        _sc_agg_body,
        out_type=jax.ShapeDtypeStruct((NC * N, HH), jnp.float32),
        mesh=mesh,
        compiler_params=pltpu.CompilerParams(use_tc_tiling_on_sc=False),
        scratch_types=[
            pltpu.VMEM((2, KB, 3, CHUNK), jnp.int32),
            pltpu.VMEM((2, CHUNK, HH), jnp.float32),
            pltpu.VMEM((ZROWS, HH), jnp.float32),
            pltpu.VMEM_SHARED((N, HH), jnp.float32),
            pltpu.SemaphoreType.DMA,
            pltpu.SemaphoreType.DMA,
            pltpu.SemaphoreType.DMA,
            pltpu.SemaphoreType.DMA,
            pltpu.SemaphoreType.DMA,
        ],
    )
    return f(m2, pack)



@jax.jit
def kernel(x, edge_index, batch, W1_0, W2_0, W1_1, W2_1, W1_2, W2_2,
           C1_w, C1_b, C2_w, C2_b):
    src_c = edge_index[0].reshape(NS, NCHUNK, CHUNK)
    pack = jnp.stack([2 * src_c, 2 * src_c + 1,
                      edge_index[1].reshape(NS, NCHUNK, CHUNK)],
                     axis=2)
    batch3 = batch.reshape(NB, 1, BN)
    c1b = C1_b.reshape(1, H)
    c2b = C2_b.reshape(1, OUT)

    s0, m0 = _tc_mm2_first(x, W1_0, W2_0)
    n0 = _sc_aggregate(m0.reshape(2 * N, HH), pack).reshape(2, N, HH)
    s1, m1 = _tc_mm2_mid(s0, n0, W1_1, W2_1)
    n1 = _sc_aggregate(m1.reshape(2 * N, HH), pack).reshape(2, N, HH)
    s2, m2 = _tc_mm2_mid(s1, n1, W1_2, W2_2)
    n2 = _sc_aggregate(m2.reshape(2 * N, HH), pack).reshape(2, N, HH)
    return _tc_final(s2, n2, batch3, C1_w, c1b, C2_w, c2b)

# --- scband reference (transcript-rebuilt; emitter-appended) ---
"""Pipeline reference for scband-one-gnn-37177236914919 (READ-ONLY COPY).

The authoritative reference and input builder live on the scoring server;
editing this copy changes nothing except your own understanding.
"""

import jax, jax.numpy as jnp
import numpy as np

N = 10000
E = 320000
D = 128
H = 128
OUT = 128
G = 64


def setup_inputs(seed: int = 0) -> dict:
    key = jax.random.key(seed)
    ks = jax.random.split(key, 16)
    x = jax.random.normal(ks[0], (N, D), dtype=jnp.float32)
    edge_index = jax.random.randint(ks[1], (2, E), 0, N, dtype=jnp.int32)
    batch = jnp.sort(jax.random.randint(ks[2], (N,), 0, G, dtype=jnp.int32))
    s_in = 1.0 / np.sqrt(D)
    s_h = 1.0 / np.sqrt(H)
    # GNN layer weights, stored as [in, out] so forward is x @ W
    W1_0 = jax.random.uniform(ks[3], (D, H), dtype=jnp.float32, minval=-s_in, maxval=s_in)
    W2_0 = jax.random.uniform(ks[4], (D, H), dtype=jnp.float32, minval=-s_in, maxval=s_in)
    W1_1 = jax.random.uniform(ks[5], (H, H), dtype=jnp.float32, minval=-s_h, maxval=s_h)
    W2_1 = jax.random.uniform(ks[6], (H, H), dtype=jnp.float32, minval=-s_h, maxval=s_h)
    W1_2 = jax.random.uniform(ks[7], (H, H), dtype=jnp.float32, minval=-s_h, maxval=s_h)
    W2_2 = jax.random.uniform(ks[8], (H, H), dtype=jnp.float32, minval=-s_h, maxval=s_h)
    # classifier: Linear(H,H) -> ReLU -> Dropout(eval: identity) -> Linear(H,OUT)
    C1_w = jax.random.uniform(ks[9], (H, H), dtype=jnp.float32, minval=-s_h, maxval=s_h)
    C1_b = jax.random.uniform(ks[10], (H,), dtype=jnp.float32, minval=-s_h, maxval=s_h)
    C2_w = jax.random.uniform(ks[11], (H, OUT), dtype=jnp.float32, minval=-s_h, maxval=s_h)
    C2_b = jax.random.uniform(ks[12], (OUT,), dtype=jnp.float32, minval=-s_h, maxval=s_h)
    return {
        "x": x, "edge_index": edge_index, "batch": batch,
        "W1_0": W1_0, "W2_0": W2_0,
        "W1_1": W1_1, "W2_1": W2_1,
        "W1_2": W1_2, "W2_2": W2_2,
        "C1_w": C1_w, "C1_b": C1_b, "C2_w": C2_w, "C2_b": C2_b,
    }


def reference(x, edge_index, batch, W1_0, W2_0, W1_1, W2_1, W1_2, W2_2, C1_w, C1_b, C2_w, C2_b):
    src = edge_index[0]
    dst = edge_index[1]
    h = x
    for W1, W2 in ((W1_0, W2_0), (W1_1, W2_1), (W1_2, W2_2)):
        self_part = h @ W1
        # message: W2(x_j) where x_j = x[src]; aggr='add' at dst
        msg = h[src] @ W2
        neighbor_part = jax.ops.segment_sum(msg, dst, num_segments=N)
        h = jax.nn.relu(self_part + neighbor_part)
    # global_add_pool over graph ids
    graph_emb = jax.ops.segment_sum(h, batch, num_segments=G)
    # classifier (dropout is identity in eval)
    g = jax.nn.relu(graph_emb @ C1_w + C1_b)
    return g @ C2_w + C2_b

if __name__ == "__main__":
    import jax
    _d = setup_inputs()
    print(jax.jit(kernel)(*tuple(_d.values())))

</pallas_src>

<mosaic_0001>
#map = affine_map<(d0, d1) -> (0, 0)>
#map1 = affine_map<(d0, d1) -> (0, 0, 0, 0)>
module attributes {stable_mosaic.version = 14 : i64} {
  func.func @_sc_agg_body(%arg0: i32, %arg1: i32, %arg2: memref<20000x64xf32, #tpu.memory_space<hbm>>, %arg3: memref<16x40x3x500xi32, #tpu.memory_space<hbm>>, %arg4: memref<20000x64xf32, #tpu.memory_space<hbm>>, %arg5: memref<2x4x3x500xi32, #tpu.memory_space<vmem>>, %arg6: memref<2x500x64xf32, #tpu.memory_space<vmem>>, %arg7: memref<125x64xf32, #tpu.memory_space<vmem>>, %arg8: memref<10000x64xf32, #tpu.memory_space<vmem_shared>>, %arg9: memref<!tpu.dma_semaphore, #tpu.memory_space<semaphore_mem>>, %arg10: memref<!tpu.dma_semaphore, #tpu.memory_space<semaphore_mem>>, %arg11: memref<!tpu.dma_semaphore, #tpu.memory_space<semaphore_mem>>, %arg12: memref<!tpu.dma_semaphore, #tpu.memory_space<semaphore_mem>>, %arg13: memref<!tpu.dma_semaphore, #tpu.memory_space<semaphore_mem>>) attributes {dimension_semantics = [#tpu.dimension_semantics<core_parallel>, #tpu.dimension_semantics<subcore_parallel>], iteration_bounds = array<i64: 2, 16>, scalar_prefetch = 0 : i64, scratch_operands = 9 : i64, tpu.core_type = #tpu.core_type<sc_vector_subcore>, window_params = [{transform_indices = #map}, {transform_indices = #map1}, {transform_indices = #map}]} {
    %broadcast_in_dim3A = arith.constant 0.000000e+00 : f32
    %broadcast_in_dim3A_0 = vector.broadcast %broadcast_in_dim3A : f32 to vector<16xf32>
    %scan3A = arith.constant 0 : i32
    %scan3A_1 = arith.constant 0 : i32
    %scan3A_2 = arith.constant 125 : i32
    %scan3A_3 = arith.addi %scan3A_1, %scan3A_2 : i32
    %scan3A_4 = arith.constant 1 : i32
    %scan3A_5 = scf.for %scan3A_52 = %scan3A_1 to %scan3A_3 step %scan3A_4 iter_args(%scan3A_53 = %scan3A) -> (i32)  : i32 {
      %swap3A = arith.index_cast %scan3A_52 : i32 to index
      %swap3A_54 = arith.constant 0 : index
      %swap3A_55 = tpu.vector_load %arg7[%swap3A, %swap3A_54] {strides = array<i32>} : memref<125x64xf32, #tpu.memory_space<vmem>>, vector<1x16xf32>,
      %swap3A_56 = vector.shape_cast %swap3A_55 : vector<1x16xf32> to vector<16xf32>
      %swap3A_57 = vector.shape_cast %broadcast_in_dim3A_0 : vector<16xf32> to vector<1x16xf32>
      tpu.vector_store %arg7[%swap3A, %swap3A_54], %swap3A_57 {strides = array<i32>} : memref<125x64xf32, #tpu.memory_space<vmem>>, vector<1x16xf32>,
      %swap3A_58 = arith.index_cast %scan3A_52 : i32 to index
      %swap3A_59 = arith.constant 16 : index
      %swap3A_60 = tpu.vector_load %arg7[%swap3A_58, %swap3A_59] {strides = array<i32>} : memref<125x64xf32, #tpu.memory_space<vmem>>, vector<1x16xf32>,
      %swap3A_61 = vector.shape_cast %swap3A_60 : vector<1x16xf32> to vector<16xf32>
      %swap3A_62 = vector.shape_cast %broadcast_in_dim3A_0 : vector<16xf32> to vector<1x16xf32>
      tpu.vector_store %arg7[%swap3A_58, %swap3A_59], %swap3A_62 {strides = array<i32>} : memref<125x64xf32, #tpu.memory_space<vmem>>, vector<1x16xf32>,
      %swap3A_63 = arith.index_cast %scan3A_52 : i32 to index
      %swap3A_64 = arith.constant 32 : index
      %swap3A_65 = tpu.vector_load %arg7[%swap3A_63, %swap3A_64] {strides = array<i32>} : memref<125x64xf32, #tpu.memory_space<vmem>>, vector<1x16xf32>,
      %swap3A_66 = vector.shape_cast %swap3A_65 : vector<1x16xf32> to vector<16xf32>
      %swap3A_67 = vector.shape_cast %broadcast_in_dim3A_0 : vector<16xf32> to vector<1x16xf32>
      tpu.vector_store %arg7[%swap3A_63, %swap3A_64], %swap3A_67 {strides = array<i32>} : memref<125x64xf32, #tpu.memory_space<vmem>>, vector<1x16xf32>,
      %swap3A_68 = arith.index_cast %scan3A_52 : i32 to index
      %swap3A_69 = arith.constant 48 : index
      %swap3A_70 = tpu.vector_load %arg7[%swap3A_68, %swap3A_69] {strides = array<i32>} : memref<125x64xf32, #tpu.memory_space<vmem>>, vector<1x16xf32>,
      %swap3A_71 = vector.shape_cast %swap3A_70 : vector<1x16xf32> to vector<16xf32>
      %swap3A_72 = vector.shape_cast %broadcast_in_dim3A_0 : vector<16xf32> to vector<1x16xf32>
      tpu.vector_store %arg7[%swap3A_68, %swap3A_69], %swap3A_72 {strides = array<i32>} : memref<125x64xf32, #tpu.memory_space<vmem>>, vector<1x16xf32>,
      %scan3A_73 = arith.constant 0 : i32
      scf.yield %scan3A_73 : i32
    }
    %scan3A_6 = arith.constant 125 : i32
    %run_scoped3A = arith.constant 0 : i32
    "tpu.region"() ({
      %run_scoped3A_52 = tpu.sem_alloc : memref<!tpu.dma_semaphore, #tpu.memory_space<semaphore_mem>>
      %dma_start3A_53 = arith.constant 0 : i32
      %dma_start3A_54 = arith.constant 0 : i32
      %dma_start3A_55 = arith.constant 0 : i32
      %dma_start3A_56 = tpu.memref_slice %arg5[%run_scoped3A, %dma_start3A_53, %dma_start3A_54, %dma_start3A_55] : memref<2x4x3x500xi32, #tpu.memory_space<vmem>> -> memref<1x4x3x500xi32, #tpu.memory_space<vmem>>
      %dma_start3A_57 = tpu.memref_squeeze %dma_start3A_56 : memref<1x4x3x500xi32, #tpu.memory_space<vmem>> -> memref<4x3x500xi32, #tpu.memory_space<vmem>>
      %dma_start3A_58 = arith.constant 0 : i32
      %dma_start3A_59 = arith.constant 0 : i32
      %dma_start3A_60 = arith.constant 0 : i32
      %dma_start3A_61 = tpu.memref_slice %arg3[%arg1, %dma_start3A_58, %dma_start3A_59, %dma_start3A_60] : memref<16x40x3x500xi32, #tpu.memory_space<hbm>> -> memref<1x4x3x500xi32, #tpu.memory_space<hbm>>
      %dma_start3A_62 = tpu.memref_squeeze %dma_start3A_61 : memref<1x4x3x500xi32, #tpu.memory_space<hbm>> -> memref<4x3x500xi32, #tpu.memory_space<hbm>>
      %dma_start3A_63 = arith.constant 0 : i32
      %dma_start3A_64 = arith.constant 0 : i32
      %dma_start3A_65 = arith.constant 0 : i32
      %dma_start3A_66 = tpu.memref_slice %arg5[%run_scoped3A, %dma_start3A_63, %dma_start3A_64, %dma_start3A_65] : memref<2x4x3x500xi32, #tpu.memory_space<vmem>> -> memref<1x4x3x500xi32, #tpu.memory_space<vmem>>
      %dma_start3A_67 = tpu.memref_squeeze %dma_start3A_66 : memref<1x4x3x500xi32, #tpu.memory_space<vmem>> -> memref<4x3x500xi32, #tpu.memory_space<vmem>>
      %dma_start3A_68 = arith.constant 0 : i32
      %dma_start3A_69 = arith.constant 0 : i32
      %dma_start3A_70 = arith.constant 0 : i32
      %dma_start3A_71 = tpu.memref_slice %arg3[%arg1, %dma_start3A_68, %dma_start3A_69, %dma_start3A_70] : memref<16x40x3x500xi32, #tpu.memory_space<hbm>> -> memref<1x4x3x500xi32, #tpu.memory_space<hbm>>
      %dma_start3A_72 = tpu.memref_squeeze %dma_start3A_71 : memref<1x4x3x500xi32, #tpu.memory_space<hbm>> -> memref<4x3x500xi32, #tpu.memory_space<hbm>>
      tpu.enqueue_dma source(%dma_start3A_72 : memref<4x3x500xi32, #tpu.memory_space<hbm>>) target(%dma_start3A_67 : memref<4x3x500xi32, #tpu.memory_space<vmem>>) target_semaphore(%run_scoped3A_52 : memref<!tpu.dma_semaphore, #tpu.memory_space<semaphore_mem>>)
      %dma_wait3A_73 = arith.constant 0 : i32
      %dma_wait3A_74 = arith.constant 0 : i32
      %dma_wait3A_75 = arith.constant 0 : i32
      %dma_wait3A_76 = tpu.memref_slice %arg5[%run_scoped3A, %dma_wait3A_73, %dma_wait3A_74, %dma_wait3A_75] : memref<2x4x3x500xi32, #tpu.memory_space<vmem>> -> memref<1x4x3x500xi32, #tpu.memory_space<vmem>>
      %dma_wait3A_77 = tpu.memref_squeeze %dma_wait3A_76 : memref<1x4x3x500xi32, #tpu.memory_space<vmem>> -> memref<4x3x500xi32, #tpu.memory_space<vmem>>
      %dma_wait3A_78 = arith.constant 0 : i32
      %dma_wait3A_79 = arith.constant 0 : i32
      %dma_wait3A_80 = arith.constant 0 : i32
      %dma_wait3A_81 = tpu.memref_slice %arg3[%arg1, %dma_wait3A_78, %dma_wait3A_79, %dma_wait3A_80] : memref<16x40x3x500xi32, #tpu.memory_space<hbm>> -> memref<1x4x3x500xi32, #tpu.memory_space<hbm>>
      %dma_wait3A_82 = tpu.memref_squeeze %dma_wait3A_81 : memref<1x4x3x500xi32, #tpu.memory_space<hbm>> -> memref<4x3x500xi32, #tpu.memory_space<hbm>>
      %dma_wait3A_83 = arith.constant 0 : i32
      %dma_wait3A_84 = arith.constant 0 : i32
      %dma_wait3A_85 = arith.constant 0 : i32
      %dma_wait3A_86 = tpu.memref_slice %arg5[%run_scoped3A, %dma_wait3A_83, %dma_wait3A_84, %dma_wait3A_85] : memref<2x4x3x500xi32, #tpu.memory_space<vmem>> -> memref<1x4x3x500xi32, #tpu.memory_space<vmem>>
      %dma_wait3A_87 = tpu.memref_squeeze %dma_wait3A_86 : memref<1x4x3x500xi32, #tpu.memory_space<vmem>> -> memref<4x3x500xi32, #tpu.memory_space<vmem>>
      %dma_wait3A_88 = arith.constant 0 : i32
      %dma_wait3A_89 = arith.constant 0 : i32
      %dma_wait3A_90 = arith.constant 0 : i32
      %dma_wait3A_91 = tpu.memref_slice %arg3[%arg1, %dma_wait3A_88, %dma_wait3A_89, %dma_wait3A_90] : memref<16x40x3x500xi32, #tpu.memory_space<hbm>> -> memref<1x4x3x500xi32, #tpu.memory_space<hbm>>
      %dma_wait3A_92 = tpu.memref_squeeze %dma_wait3A_91 : memref<1x4x3x500xi32, #tpu.memory_space<hbm>> -> memref<4x3x500xi32, #tpu.memory_space<hbm>>
      tpu.wait_dma2 semaphore(%run_scoped3A_52 : memref<!tpu.dma_semaphore, #tpu.memory_space<semaphore_mem>>) src(%dma_wait3A_92 : memref<4x3x500xi32, #tpu.memory_space<hbm>>) dst(%dma_wait3A_87 : memref<4x3x500xi32, #tpu.memory_space<vmem>>)
      tpu.yield
    }) : () -> ()
    %dma_start3A = arith.constant 0 : i32
    %dma_start3A_7 = arith.constant 0 : i32
    %dma_start3A_8 = arith.constant 0 : i32
    %dma_start3A_9 = arith.constant 0 : i32
    %dma_start3A_10 = arith.constant 0 : i32
    %dma_start3A_11 = tpu.memref_slice %arg6[%dma_start3A_8, %dma_start3A_9, %dma_start3A_10] : memref<2x500x64xf32, #tpu.memory_space<vmem>> -> memref<1x500x64xf32, #tpu.memory_space<vmem>>
    %dma_start3A_12 = tpu.memref_squeeze %dma_start3A_11 : memref<1x500x64xf32, #tpu.memory_space<vmem>> -> memref<500x64xf32, #tpu.memory_space<vmem>>
    %dma_start3A_13 = arith.constant 0 : i32
    %dma_start3A_14 = tpu.memref_slice %arg5[%dma_start3A, %dma_start3A_7, %arg0, %dma_start3A_13] : memref<2x4x3x500xi32, #tpu.memory_space<vmem>> -> memref<1x1x1x500xi32, #tpu.memory_space<vmem>>
    %dma_start3A_15 = tpu.memref_squeeze %dma_start3A_14 : memref<1x1x1x500xi32, #tpu.memory_space<vmem>> -> memref<500xi32, #tpu.memory_space<vmem>>
    %dma_start3A_16 = arith.constant 0 : i32
    %dma_start3A_17 = arith.constant 0 : i32
    %dma_start3A_18 = tpu.memref_slice %arg2[%dma_start3A_16, %dma_start3A_17] : memref<20000x64xf32, #tpu.memory_space<hbm>> -> memref<20000x64xf32, #tpu.memory_space<hbm>>
    tpu.enqueue_indirect_dma source(%dma_start3A_18 : memref<20000x64xf32, #tpu.memory_space<hbm>>) target(%dma_start3A_12 : memref<500x64xf32, #tpu.memory_space<vmem>>) offsets(%dma_start3A_15 : memref<500xi32, #tpu.memory_space<vmem>>) semaphore(%arg9 : memref<!tpu.dma_semaphore, #tpu.memory_space<semaphore_mem>>)
    %scan3A_19 = arith.constant 0 : i32
    %scan3A_20 = arith.constant 0 : i32
    %scan3A_21 = arith.constant 5 : i32
    %scan3A_22 = arith.addi %scan3A_20, %scan3A_21 : i32
    %scan3A_23 = arith.constant 1 : i32
    %scan3A_24 = scf.for %scan3A_52 = %scan3A_20 to %scan3A_22 step %scan3A_23 iter_args(%scan3A_53 = %scan3A_19) -> (i32)  : i32 {
      %mul3A_54 = arith.constant 625 : i32
      %mul3A_55 = arith.muli %arg1, %mul3A_54 : i32
      %mul3A_56 = arith.constant 125 : i32
      %mul3A_57 = arith.muli %scan3A_52, %mul3A_56 : i32
      %add3A_58 = arith.addi %mul3A_55, %mul3A_57 : i32
      "tpu.region"() ({
        %run_scoped3A_60 = tpu.sem_alloc : memref<!tpu.dma_semaphore, #tpu.memory_space<semaphore_mem>>
        %dma_start3A_61 = arith.constant 0 : i32
        %dma_start3A_62 = tpu.memref_slice %arg8[%add3A_58, %dma_start3A_61] : memref<10000x64xf32, #tpu.memory_space<vmem_shared>> -> memref<125x64xf32, #tpu.memory_space<vmem_shared>>
        %dma_start3A_63 = arith.constant 0 : i32
        %dma_start3A_64 = tpu.memref_slice %arg8[%add3A_58, %dma_start3A_63] : memref<10000x64xf32, #tpu.memory_space<vmem_shared>> -> memref<125x64xf32, #tpu.memory_space<vmem_shared>>
        tpu.enqueue_dma source(%arg7 : memref<125x64xf32, #tpu.memory_space<vmem>>) target(%dma_start3A_64 : memref<125x64xf32, #tpu.memory_space<vmem_shared>>) target_semaphore(%run_scoped3A_60 : memref<!tpu.dma_semaphore, #tpu.memory_space<semaphore_mem>>)
        %dma_wait3A_65 = arith.constant 0 : i32
        %dma_wait3A_66 = tpu.memref_slice %arg8[%add3A_58, %dma_wait3A_65] : memref<10000x64xf32, #tpu.memory_space<vmem_shared>> -> memref<125x64xf32, #tpu.memory_space<vmem_shared>>
        %dma_wait3A_67 = arith.constant 0 : i32
        %dma_wait3A_68 = tpu.memref_slice %arg8[%add3A_58, %dma_wait3A_67] : memref<10000x64xf32, #tpu.memory_space<vmem_shared>> -> memref<125x64xf32, #tpu.memory_space<vmem_shared>>
        tpu.wait_dma2 semaphore(%run_scoped3A_60 : memref<!tpu.dma_semaphore, #tpu.memory_space<semaphore_mem>>) src(%arg7 : memref<125x64xf32, #tpu.memory_space<vmem>>) dst(%dma_wait3A_68 : memref<125x64xf32, #tpu.memory_space<vmem_shared>>)
        tpu.yield
      }) : () -> ()
      %scan3A_59 = arith.constant 0 : i32
      scf.yield %scan3A_59 : i32
    }
    %scan3A_25 = arith.constant 5 : i32
    %barrier3A = arith.constant 0 : index
    tpu.barrier barrier_id(%barrier3A)
    %scan3A_26 = arith.constant 0 : i32
    %scan3A_27 = arith.constant 0 : i32
    %scan3A_28 = arith.constant 10 : i32
    %scan3A_29 = arith.addi %scan3A_27, %scan3A_28 : i32
    %scan3A_30 = arith.constant 1 : i32
    %scan3A_31 = scf.for %scan3A_52 = %scan3A_27 to %scan3A_29 step %scan3A_30 iter_args(%scan3A_53 = %scan3A_26) -> (i32)  : i32 {
      %jit3A = arith.constant 2 : i32
      %eq3A = arith.constant 0 : i32
      %eq3A_54 = arith.cmpi eq, %jit3A, %eq3A : i32
      %jit3A_55 = arith.constant 1 : i32
      %select_n3A = arith.select %eq3A_54, %jit3A_55, %jit3A : i32
      %rem3A = arith.remsi %scan3A_52, %select_n3A : i32
      %ne3A = arith.constant 0 : i32
      %ne3A_56 = arith.cmpi ne, %rem3A, %ne3A : i32
      %lt3A = arith.constant 0 : i32
      %lt3A_57 = arith.cmpi slt, %rem3A, %lt3A : i32
      %lt3A_58 = arith.constant 0 : i32
      %lt3A_59 = arith.cmpi slt, %select_n3A, %lt3A_58 : i32
      %ne3A_60 = arith.xori %lt3A_57, %lt3A_59 : i1
      %and3A = arith.andi %ne3A_60, %ne3A_56 : i1
      %add3A_61 = arith.addi %rem3A, %select_n3A : i32
      %select_n3A_62 = arith.select %and3A, %add3A_61, %rem3A : i32
      %add3A_63 = arith.constant 1 : i32
      %add3A_64 = arith.addi %scan3A_52, %add3A_63 : i32
      %jit3A_65 = arith.constant 2 : i32
      %eq3A_66 = arith.constant 0 : i32
      %eq3A_67 = arith.cmpi eq, %jit3A_65, %eq3A_66 : i32
      %jit3A_68 = arith.constant 1 : i32
      %select_n3A_69 = arith.select %eq3A_67, %jit3A_68, %jit3A_65 : i32
      %rem3A_70 = arith.remsi %add3A_64, %select_n3A_69 : i32
      %ne3A_71 = arith.constant 0 : i32
      %ne3A_72 = arith.cmpi ne, %rem3A_70, %ne3A_71 : i32
      %lt3A_73 = arith.constant 0 : i32
      %lt3A_74 = arith.cmpi slt, %rem3A_70, %lt3A_73 : i32
      %lt3A_75 = arith.constant 0 : i32
      %lt3A_76 = arith.cmpi slt, %select_n3A_69, %lt3A_75 : i32
      %ne3A_77 = arith.xori %lt3A_74, %lt3A_76 : i1
      %and3A_78 = arith.andi %ne3A_77, %ne3A_72 : i1
      %add3A_79 = arith.addi %rem3A_70, %select_n3A_69 : i32
      %select_n3A_80 = arith.select %and3A_78, %add3A_79, %rem3A_70 : i32
      %gt3A = arith.constant 0 : i32
      %gt3A_81 = arith.cmpi sgt, %scan3A_52, %gt3A : i32
      %convert_element_type3A = arith.extui %gt3A_81 : i1 to i32
      %cond3A = arith.constant 0 : i32
      %cond3A_82 = arith.cmpi ne, %convert_element_type3A, %cond3A : i32
      scf.if %cond3A_82 {
        %dma_wait3A_269 = arith.constant 1 : i32
        %dma_wait3A_270 = arith.constant 0 : i32
        %dma_wait3A_271 = arith.constant 2 : i32
        %dma_wait3A_272 = arith.constant 0 : i32
        %dma_wait3A_273 = arith.constant 0 : i32
        %dma_wait3A_274 = tpu.memref_slice %arg6[%dma_wait3A_269, %dma_wait3A_272, %dma_wait3A_273] : memref<2x500x64xf32, #tpu.memory_space<vmem>> -> memref<1x500x64xf32, #tpu.memory_space<vmem>>
        %dma_wait3A_275 = tpu.memref_squeeze %dma_wait3A_274 : memref<1x500x64xf32, #tpu.memory_space<vmem>> -> memref<500x64xf32, #tpu.memory_space<vmem>>
        %dma_wait3A_276 = arith.constant 0 : i32
        %dma_wait3A_277 = tpu.memref_slice %arg5[%select_n3A_62, %dma_wait3A_270, %dma_wait3A_271, %dma_wait3A_276] : memref<2x4x3x500xi32, #tpu.memory_space<vmem>> -> memref<1x1x1x500xi32, #tpu.memory_space<vmem>>
        %dma_wait3A_278 = tpu.memref_squeeze %dma_wait3A_277 : memref<1x1x1x500xi32, #tpu.memory_space<vmem>> -> memref<500xi32, #tpu.memory_space<vmem>>
        %dma_wait3A_279 = arith.constant 0 : i32
        %dma_wait3A_280 = arith.constant 0 : i32
        %dma_wait3A_281 = tpu.memref_slice %arg8[%dma_wait3A_279, %dma_wait3A_280] : memref<10000x64xf32, #tpu.memory_space<vmem_shared>> -> memref<10000x64xf32, #tpu.memory_space<vmem_shared>>
        tpu.wait_indirect_dma semaphore(%arg12 : memref<!tpu.dma_semaphore, #tpu.memory_space<semaphore_mem>>) src(%dma_wait3A_275 : memref<500x64xf32, #tpu.memory_space<vmem>>) dst(%dma_wait3A_281 : memref<10000x64xf32, #tpu.memory_space<vmem_shared>>)
      } else {
      }
      %dma_start3A_83 = arith.constant 1 : i32
      %dma_start3A_84 = arith.constant 1 : i32
      %dma_start3A_85 = arith.constant 0 : i32
      %dma_start3A_86 = arith.constant 0 : i32
      %dma_start3A_87 = tpu.memref_slice %arg6[%dma_start3A_84, %dma_start3A_85, %dma_start3A_86] : memref<2x500x64xf32, #tpu.memory_space<vmem>> -> memref<1x500x64xf32, #tpu.memory_space<vmem>>
      %dma_start3A_88 = tpu.memref_squeeze %dma_start3A_87 : memref<1x500x64xf32, #tpu.memory_space<vmem>> -> memref<500x64xf32, #tpu.memory_space<vmem>>
      %dma_start3A_89 = arith.constant 0 : i32
      %dma_start3A_90 = tpu.memref_slice %arg5[%select_n3A_62, %dma_start3A_83, %arg0, %dma_start3A_89] : memref<2x4x3x500xi32, #tpu.memory_space<vmem>> -> memref<1x1x1x500xi32, #tpu.memory_space<vmem>>
      %dma_start3A_91 = tpu.memref_squeeze %dma_start3A_90 : memref<1x1x1x500xi32, #tpu.memory_space<vmem>> -> memref<500xi32, #tpu.memory_space<vmem>>
      %dma_start3A_92 = arith.constant 0 : i32
      %dma_start3A_93 = arith.constant 0 : i32
      %dma_start3A_94 = tpu.memref_slice %arg2[%dma_start3A_92, %dma_start3A_93] : memref<20000x64xf32, #tpu.memory_space<hbm>> -> memref<20000x64xf32, #tpu.memory_space<hbm>>
      tpu.enqueue_indirect_dma source(%dma_start3A_94 : memref<20000x64xf32, #tpu.memory_space<hbm>>) target(%dma_start3A_88 : memref<500x64xf32, #tpu.memory_space<vmem>>) offsets(%dma_start3A_91 : memref<500xi32, #tpu.memory_space<vmem>>) semaphore(%arg10 : memref<!tpu.dma_semaphore, #tpu.memory_space<semaphore_mem>>)
      %dma_wait3A_95 = arith.constant 0 : i32
      %dma_wait3A_96 = arith.constant 0 : i32
      %dma_wait3A_97 = arith.constant 0 : i32
      %dma_wait3A_98 = arith.constant 0 : i32
      %dma_wait3A_99 = tpu.memref_slice %arg6[%dma_wait3A_96, %dma_wait3A_97, %dma_wait3A_98] : memref<2x500x64xf32, #tpu.memory_space<vmem>> -> memref<1x500x64xf32, #tpu.memory_space<vmem>>
      %dma_wait3A_100 = tpu.memref_squeeze %dma_wait3A_99 : memref<1x500x64xf32, #tpu.memory_space<vmem>> -> memref<500x64xf32, #tpu.memory_space<vmem>>
      %dma_wait3A_101 = arith.constant 0 : i32
      %dma_wait3A_102 = tpu.memref_slice %arg5[%select_n3A_62, %dma_wait3A_95, %arg0, %dma_wait3A_101] : memref<2x4x3x500xi32, #tpu.memory_space<vmem>> -> memref<1x1x1x500xi32, #tpu.memory_space<vmem>>
      %dma_wait3A_103 = tpu.memref_squeeze %dma_wait3A_102 : memref<1x1x1x500xi32, #tpu.memory_space<vmem>> -> memref<500xi32, #tpu.memory_space<vmem>>
      %dma_wait3A_104 = arith.constant 0 : i32
      %dma_wait3A_105 = arith.constant 0 : i32
      %dma_wait3A_106 = tpu.memref_slice %arg2[%dma_wait3A_104, %dma_wait3A_105] : memref<20000x64xf32, #tpu.memory_space<hbm>> -> memref<20000x64xf32, #tpu.memory_space<hbm>>
      tpu.wait_indirect_dma semaphore(%arg9 : memref<!tpu.dma_semaphore, #tpu.memory_space<semaphore_mem>>) src(%dma_wait3A_106 : memref<20000x64xf32, #tpu.memory_space<hbm>>) dst(%dma_wait3A_100 : memref<500x64xf32, #tpu.memory_space<vmem>>)
      %dma_start3A_107 = arith.constant 0 : i32
      %dma_start3A_108 = arith.constant 0 : i32
      %dma_start3A_109 = arith.constant 2 : i32
      %dma_start3A_110 = arith.constant 0 : i32
      %dma_start3A_111 = arith.constant 0 : i32
      %dma_start3A_112 = tpu.memref_slice %arg6[%dma_start3A_107, %dma_start3A_110, %dma_start3A_111] : memref<2x500x64xf32, #tpu.memory_space<vmem>> -> memref<1x500x64xf32, #tpu.memory_space<vmem>>
      %dma_start3A_113 = tpu.memref_squeeze %dma_start3A_112 : memref<1x500x64xf32, #tpu.memory_space<vmem>> -> memref<500x64xf32, #tpu.memory_space<vmem>>
      %dma_start3A_114 = arith.constant 0 : i32
      %dma_start3A_115 = tpu.memref_slice %arg5[%select_n3A_62, %dma_start3A_108, %dma_start3A_109, %dma_start3A_114] : memref<2x4x3x500xi32, #tpu.memory_space<vmem>> -> memref<1x1x1x500xi32, #tpu.memory_space<vmem>>
      %dma_start3A_116 = tpu.memref_squeeze %dma_start3A_115 : memref<1x1x1x500xi32, #tpu.memory_space<vmem>> -> memref<500xi32, #tpu.memory_space<vmem>>
      %dma_start3A_117 = arith.constant 0 : i32
      %dma_start3A_118 = arith.constant 0 : i32
      %dma_start3A_119 = tpu.memref_slice %arg8[%dma_start3A_117, %dma_start3A_118] : memref<10000x64xf32, #tpu.memory_space<vmem_shared>> -> memref<10000x64xf32, #tpu.memory_space<vmem_shared>>
      tpu.enqueue_indirect_dma source(%dma_start3A_113 : memref<500x64xf32, #tpu.memory_space<vmem>>) target(%dma_start3A_119 : memref<10000x64xf32, #tpu.memory_space<vmem_shared>>) offsets(%dma_start3A_116 : memref<500xi32, #tpu.memory_space<vmem>>) semaphore(%arg11 : memref<!tpu.dma_semaphore, #tpu.memory_space<semaphore_mem>>) {add = true}
      %dma_wait3A_120 = arith.constant 0 : i32
      %dma_wait3A_121 = arith.constant 1 : i32
      %dma_wait3A_122 = arith.constant 2 : i32
      %dma_wait3A_123 = arith.constant 0 : i32
      %dma_wait3A_124 = arith.constant 0 : i32
      %dma_wait3A_125 = tpu.memref_slice %arg6[%dma_wait3A_120, %dma_wait3A_123, %dma_wait3A_124] : memref<2x500x64xf32, #tpu.memory_space<vmem>> -> memref<1x500x64xf32, #tpu.memory_space<vmem>>
      %dma_wait3A_126 = tpu.memref_squeeze %dma_wait3A_125 : memref<1x500x64xf32, #tpu.memory_space<vmem>> -> memref<500x64xf32, #tpu.memory_space<vmem>>
      %dma_wait3A_127 = arith.constant 0 : i32
      %dma_wait3A_128 = tpu.memref_slice %arg5[%select_n3A_62, %dma_wait3A_121, %dma_wait3A_122, %dma_wait3A_127] : memref<2x4x3x500xi32, #tpu.memory_space<vmem>> -> memref<1x1x1x500xi32, #tpu.memory_space<vmem>>
      %dma_wait3A_129 = tpu.memref_squeeze %dma_wait3A_128 : memref<1x1x1x500xi32, #tpu.memory_space<vmem>> -> memref<500xi32, #tpu.memory_space<vmem>>
      %dma_wait3A_130 = arith.constant 0 : i32
      %dma_wait3A_131 = arith.constant 0 : i32
      %dma_wait3A_132 = tpu.memref_slice %arg8[%dma_wait3A_130, %dma_wait3A_131] : memref<10000x64xf32, #tpu.memory_space<vmem_shared>> -> memref<10000x64xf32, #tpu.memory_space<vmem_shared>>
      tpu.wait_indirect_dma semaphore(%arg11 : memref<!tpu.dma_semaphore, #tpu.memory_space<semaphore_mem>>) src(%dma_wait3A_126 : memref<500x64xf32, #tpu.memory_space<vmem>>) dst(%dma_wait3A_132 : memref<10000x64xf32, #tpu.memory_space<vmem_shared>>)
      %lt3A_133 = arith.constant 9 : i32
      %lt3A_134 = arith.cmpi slt, %scan3A_52, %lt3A_133 : i32
      %convert_element_type3A_135 = arith.extui %lt3A_134 : i1 to i32
      %cond3A_136 = arith.constant 0 : i32
      %cond3A_137 = arith.cmpi ne, %convert_element_type3A_135, %cond3A_136 : i32
      scf.if %cond3A_137 {
        %add3A_269 = arith.constant 1 : i32
        %add3A_270 = arith.addi %scan3A_52, %add3A_269 : i32
        %mul3A_271 = arith.constant 4 : i32
        %mul3A_272 = arith.muli %add3A_270, %mul3A_271 : i32
        %dma_start3A_273 = arith.constant 0 : i32
        %dma_start3A_274 = arith.constant 0 : i32
        %dma_start3A_275 = arith.constant 0 : i32
        %dma_start3A_276 = tpu.memref_slice %arg5[%select_n3A_80, %dma_start3A_273, %dma_start3A_274, %dma_start3A_275] : memref<2x4x3x500xi32, #tpu.memory_space<vmem>> -> memref<1x4x3x500xi32, #tpu.memory_space<vmem>>
        %dma_start3A_277 = tpu.memref_squeeze %dma_start3A_276 : memref<1x4x3x500xi32, #tpu.memory_space<vmem>> -> memref<4x3x500xi32, #tpu.memory_space<vmem>>
        %dma_start3A_278 = arith.constant 0 : i32
        %dma_start3A_279 = arith.constant 0 : i32
        %dma_start3A_280 = tpu.memref_slice %arg3[%arg1, %mul3A_272, %dma_start3A_278, %dma_start3A_279] : memref<16x40x3x500xi32, #tpu.memory_space<hbm>> -> memref<1x4x3x500xi32, #tpu.memory_space<hbm>>
        %dma_start3A_281 = tpu.memref_squeeze %dma_start3A_280 : memref<1x4x3x500xi32, #tpu.memory_space<hbm>> -> memref<4x3x500xi32, #tpu.memory_space<hbm>>
        %dma_start3A_282 = arith.constant 0 : i32
        %dma_start3A_283 = arith.constant 0 : i32
        %dma_start3A_284 = arith.constant 0 : i32
        %dma_start3A_285 = tpu.memref_slice %arg5[%select_n3A_80, %dma_start3A_282, %dma_start3A_283, %dma_start3A_284] : memref<2x4x3x500xi32, #tpu.memory_space<vmem>> -> memref<1x4x3x500xi32, #tpu.memory_space<vmem>>
        %dma_start3A_286 = tpu.memref_squeeze %dma_start3A_285 : memref<1x4x3x500xi32, #tpu.memory_space<vmem>> -> memref<4x3x500xi32, #tpu.memory_space<vmem>>
        %dma_start3A_287 = arith.constant 0 : i32
        %dma_start3A_288 = arith.constant 0 : i32
        %dma_start3A_289 = tpu.memref_slice %arg3[%arg1, %mul3A_272, %dma_start3A_287, %dma_start3A_288] : memref<16x40x3x500xi32, #tpu.memory_space<hbm>> -> memref<1x4x3x500xi32, #tpu.memory_space<hbm>>
        %dma_start3A_290 = tpu.memref_squeeze %dma_start3A_289 : memref<1x4x3x500xi32, #tpu.memory_space<hbm>> -> memref<4x3x500xi32, #tpu.memory_space<hbm>>
        tpu.enqueue_dma source(%dma_start3A_290 : memref<4x3x500xi32, #tpu.memory_space<hbm>>) target(%dma_start3A_286 : memref<4x3x500xi32, #tpu.memory_space<vmem>>) target_semaphore(%arg13 : memref<!tpu.dma_semaphore, #tpu.memory_space<semaphore_mem>>)
      } else {
      }
      %dma_start3A_138 = arith.constant 2 : i32
      %dma_start3A_139 = arith.constant 0 : i32
      %dma_start3A_140 = arith.constant 0 : i32
      %dma_start3A_141 = arith.constant 0 : i32
      %dma_start3A_142 = tpu.memref_slice %arg6[%dma_start3A_139, %dma_start3A_140, %dma_start3A_141] : memref<2x500x64xf32, #tpu.memory_space<vmem>> -> memref<1x500x64xf32, #tpu.memory_space<vmem>>
      %dma_start3A_143 = tpu.memref_squeeze %dma_start3A_142 : memref<1x500x64xf32, #tpu.memory_space<vmem>> -> memref<500x64xf32, #tpu.memory_space<vmem>>
      %dma_start3A_144 = arith.constant 0 : i32
      %dma_start3A_145 = tpu.memref_slice %arg5[%select_n3A_62, %dma_start3A_138, %arg0, %dma_start3A_144] : memref<2x4x3x500xi32, #tpu.memory_space<vmem>> -> memref<1x1x1x500xi32, #tpu.memory_space<vmem>>
      %dma_start3A_146 = tpu.memref_squeeze %dma_start3A_145 : memref<1x1x1x500xi32, #tpu.memory_space<vmem>> -> memref<500xi32, #tpu.memory_space<vmem>>
      %dma_start3A_147 = arith.constant 0 : i32
      %dma_start3A_148 = arith.constant 0 : i32
      %dma_start3A_149 = tpu.memref_slice %arg2[%dma_start3A_147, %dma_start3A_148] : memref<20000x64xf32, #tpu.memory_space<hbm>> -> memref<20000x64xf32, #tpu.memory_space<hbm>>
      tpu.enqueue_indirect_dma source(%dma_start3A_149 : memref<20000x64xf32, #tpu.memory_space<hbm>>) target(%dma_start3A_143 : memref<500x64xf32, #tpu.memory_space<vmem>>) offsets(%dma_start3A_146 : memref<500xi32, #tpu.memory_space<vmem>>) semaphore(%arg9 : memref<!tpu.dma_semaphore, #tpu.memory_space<semaphore_mem>>)
      %dma_wait3A_150 = arith.constant 1 : i32
      %dma_wait3A_151 = arith.constant 1 : i32
      %dma_wait3A_152 = arith.constant 0 : i32
      %dma_wait3A_153 = arith.constant 0 : i32
      %dma_wait3A_154 = tpu.memref_slice %arg6[%dma_wait3A_151, %dma_wait3A_152, %dma_wait3A_153] : memref<2x500x64xf32, #tpu.memory_space<vmem>> -> memref<1x500x64xf32, #tpu.memory_space<vmem>>
      %dma_wait3A_155 = tpu.memref_squeeze %dma_wait3A_154 : memref<1x500x64xf32, #tpu.memory_space<vmem>> -> memref<500x64xf32, #tpu.memory_space<vmem>>
      %dma_wait3A_156 = arith.constant 0 : i32
      %dma_wait3A_157 = tpu.memref_slice %arg5[%select_n3A_62, %dma_wait3A_150, %arg0, %dma_wait3A_156] : memref<2x4x3x500xi32, #tpu.memory_space<vmem>> -> memref<1x1x1x500xi32, #tpu.memory_space<vmem>>
      %dma_wait3A_158 = tpu.memref_squeeze %dma_wait3A_157 : memref<1x1x1x500xi32, #tpu.memory_space<vmem>> -> memref<500xi32, #tpu.memory_space<vmem>>
      %dma_wait3A_159 = arith.constant 0 : i32
      %dma_wait3A_160 = arith.constant 0 : i32
      %dma_wait3A_161 = tpu.memref_slice %arg2[%dma_wait3A_159, %dma_wait3A_160] : memref<20000x64xf32, #tpu.memory_space<hbm>> -> memref<20000x64xf32, #tpu.memory_space<hbm>>
      tpu.wait_indirect_dma semaphore(%arg10 : memref<!tpu.dma_semaphore, #tpu.memory_space<semaphore_mem>>) src(%dma_wait3A_161 : memref<20000x64xf32, #tpu.memory_space<hbm>>) dst(%dma_wait3A_155 : memref<500x64xf32, #tpu.memory_space<vmem>>)
      %dma_start3A_162 = arith.constant 1 : i32
      %dma_start3A_163 = arith.constant 1 : i32
      %dma_start3A_164 = arith.constant 2 : i32
      %dma_start3A_165 = arith.constant 0 : i32
      %dma_start3A_166 = arith.constant 0 : i32
      %dma_start3A_167 = tpu.memref_slice %arg6[%dma_start3A_162, %dma_start3A_165, %dma_start3A_166] : memref<2x500x64xf32, #tpu.memory_space<vmem>> -> memref<1x500x64xf32, #tpu.memory_space<vmem>>
      %dma_start3A_168 = tpu.memref_squeeze %dma_start3A_167 : memref<1x500x64xf32, #tpu.memory_space<vmem>> -> memref<500x64xf32, #tpu.memory_space<vmem>>
      %dma_start3A_169 = arith.constant 0 : i32
      %dma_start3A_170 = tpu.memref_slice %arg5[%select_n3A_62, %dma_start3A_163, %dma_start3A_164, %dma_start3A_169] : memref<2x4x3x500xi32, #tpu.memory_space<vmem>> -> memref<1x1x1x500xi32, #tpu.memory_space<vmem>>
      %dma_start3A_171 = tpu.memref_squeeze %dma_start3A_170 : memref<1x1x1x500xi32, #tpu.memory_space<vmem>> -> memref<500xi32, #tpu.memory_space<vmem>>
      %dma_start3A_172 = arith.constant 0 : i32
      %dma_start3A_173 = arith.constant 0 : i32
      %dma_start3A_174 = tpu.memref_slice %arg8[%dma_start3A_172, %dma_start3A_173] : memref<10000x64xf32, #tpu.memory_space<vmem_shared>> -> memref<10000x64xf32, #tpu.memory_space<vmem_shared>>
      tpu.enqueue_indirect_dma source(%dma_start3A_168 : memref<500x64xf32, #tpu.memory_space<vmem>>) target(%dma_start3A_174 : memref<10000x64xf32, #tpu.memory_space<vmem_shared>>) offsets(%dma_start3A_171 : memref<500xi32, #tpu.memory_space<vmem>>) semaphore(%arg12 : memref<!tpu.dma_semaphore, #tpu.memory_space<semaphore_mem>>) {add = true}
      %dma_wait3A_175 = arith.constant 1 : i32
      %dma_wait3A_176 = arith.constant 2 : i32
      %dma_wait3A_177 = arith.constant 2 : i32
      %dma_wait3A_178 = arith.constant 0 : i32
      %dma_wait3A_179 = arith.constant 0 : i32
      %dma_wait3A_180 = tpu.memref_slice %arg6[%dma_wait3A_175, %dma_wait3A_178, %dma_wait3A_179] : memref<2x500x64xf32, #tpu.memory_space<vmem>> -> memref<1x500x64xf32, #tpu.memory_space<vmem>>
      %dma_wait3A_181 = tpu.memref_squeeze %dma_wait3A_180 : memref<1x500x64xf32, #tpu.memory_space<vmem>> -> memref<500x64xf32, #tpu.memory_space<vmem>>
      %dma_wait3A_182 = arith.constant 0 : i32
      %dma_wait3A_183 = tpu.memref_slice %arg5[%select_n3A_62, %dma_wait3A_176, %dma_wait3A_177, %dma_wait3A_182] : memref<2x4x3x500xi32, #tpu.memory_space<vmem>> -> memref<1x1x1x500xi32, #tpu.memory_space<vmem>>
      %dma_wait3A_184 = tpu.memref_squeeze %dma_wait3A_183 : memref<1x1x1x500xi32, #tpu.memory_space<vmem>> -> memref<500xi32, #tpu.memory_space<vmem>>
      %dma_wait3A_185 = arith.constant 0 : i32
      %dma_wait3A_186 = arith.constant 0 : i32
      %dma_wait3A_187 = tpu.memref_slice %arg8[%dma_wait3A_185, %dma_wait3A_186] : memref<10000x64xf32, #tpu.memory_space<vmem_shared>> -> memref<10000x64xf32, #tpu.memory_space<vmem_shared>>
      tpu.wait_indirect_dma semaphore(%arg12 : memref<!tpu.dma_semaphore, #tpu.memory_space<semaphore_mem>>) src(%dma_wait3A_181 : memref<500x64xf32, #tpu.memory_space<vmem>>) dst(%dma_wait3A_187 : memref<10000x64xf32, #tpu.memory_space<vmem_shared>>)
      %dma_start3A_188 = arith.constant 3 : i32
      %dma_start3A_189 = arith.constant 1 : i32
      %dma_start3A_190 = arith.constant 0 : i32
      %dma_start3A_191 = arith.constant 0 : i32
      %dma_start3A_192 = tpu.memref_slice %arg6[%dma_start3A_189, %dma_start3A_190, %dma_start3A_191] : memref<2x500x64xf32, #tpu.memory_space<vmem>> -> memref<1x500x64xf32, #tpu.memory_space<vmem>>
      %dma_start3A_193 = tpu.memref_squeeze %dma_start3A_192 : memref<1x500x64xf32, #tpu.memory_space<vmem>> -> memref<500x64xf32, #tpu.memory_space<vmem>>
      %dma_start3A_194 = arith.constant 0 : i32
      %dma_start3A_195 = tpu.memref_slice %arg5[%select_n3A_62, %dma_start3A_188, %arg0, %dma_start3A_194] : memref<2x4x3x500xi32, #tpu.memory_space<vmem>> -> memref<1x1x1x500xi32, #tpu.memory_space<vmem>>
      %dma_start3A_196 = tpu.memref_squeeze %dma_start3A_195 : memref<1x1x1x500xi32, #tpu.memory_space<vmem>> -> memref<500xi32, #tpu.memory_space<vmem>>
      %dma_start3A_197 = arith.constant 0 : i32
      %dma_start3A_198 = arith.constant 0 : i32
      %dma_start3A_199 = tpu.memref_slice %arg2[%dma_start3A_197, %dma_start3A_198] : memref<20000x64xf32, #tpu.memory_space<hbm>> -> memref<20000x64xf32, #tpu.memory_space<hbm>>
      tpu.enqueue_indirect_dma source(%dma_start3A_199 : memref<20000x64xf32, #tpu.memory_space<hbm>>) target(%dma_start3A_193 : memref<500x64xf32, #tpu.memory_space<vmem>>) offsets(%dma_start3A_196 : memref<500xi32, #tpu.memory_space<vmem>>) semaphore(%arg10 : memref<!tpu.dma_semaphore, #tpu.memory_space<semaphore_mem>>)
      %dma_wait3A_200 = arith.constant 2 : i32
      %dma_wait3A_201 = arith.constant 0 : i32
      %dma_wait3A_202 = arith.constant 0 : i32
      %dma_wait3A_203 = arith.constant 0 : i32
      %dma_wait3A_204 = tpu.memref_slice %arg6[%dma_wait3A_201, %dma_wait3A_202, %dma_wait3A_203] : memref<2x500x64xf32, #tpu.memory_space<vmem>> -> memref<1x500x64xf32, #tpu.memory_space<vmem>>
      %dma_wait3A_205 = tpu.memref_squeeze %dma_wait3A_204 : memref<1x500x64xf32, #tpu.memory_space<vmem>> -> memref<500x64xf32, #tpu.memory_space<vmem>>
      %dma_wait3A_206 = arith.constant 0 : i32
      %dma_wait3A_207 = tpu.memref_slice %arg5[%select_n3A_62, %dma_wait3A_200, %arg0, %dma_wait3A_206] : memref<2x4x3x500xi32, #tpu.memory_space<vmem>> -> memref<1x1x1x500xi32, #tpu.memory_space<vmem>>
      %dma_wait3A_208 = tpu.memref_squeeze %dma_wait3A_207 : memref<1x1x1x500xi32, #tpu.memory_space<vmem>> -> memref<500xi32, #tpu.memory_space<vmem>>
      %dma_wait3A_209 = arith.constant 0 : i32
      %dma_wait3A_210 = arith.constant 0 : i32
      %dma_wait3A_211 = tpu.memref_slice %arg2[%dma_wait3A_209, %dma_wait3A_210] : memref<20000x64xf32, #tpu.memory_space<hbm>> -> memref<20000x64xf32, #tpu.memory_space<hbm>>
      tpu.wait_indirect_dma semaphore(%arg9 : memref<!tpu.dma_semaphore, #tpu.memory_space<semaphore_mem>>) src(%dma_wait3A_211 : memref<20000x64xf32, #tpu.memory_space<hbm>>) dst(%dma_wait3A_205 : memref<500x64xf32, #tpu.memory_space<vmem>>)
      %dma_start3A_212 = arith.constant 0 : i32
      %dma_start3A_213 = arith.constant 2 : i32
      %dma_start3A_214 = arith.constant 2 : i32
      %dma_start3A_215 = arith.constant 0 : i32
      %dma_start3A_216 = arith.constant 0 : i32
      %dma_start3A_217 = tpu.memref_slice %arg6[%dma_start3A_212, %dma_start3A_215, %dma_start3A_216] : memref<2x500x64xf32, #tpu.memory_space<vmem>> -> memref<1x500x64xf32, #tpu.memory_space<vmem>>
      %dma_start3A_218 = tpu.memref_squeeze %dma_start3A_217 : memref<1x500x64xf32, #tpu.memory_space<vmem>> -> memref<500x64xf32, #tpu.memory_space<vmem>>
      %dma_start3A_219 = arith.constant 0 : i32
      %dma_start3A_220 = tpu.memref_slice %arg5[%select_n3A_62, %dma_start3A_213, %dma_start3A_214, %dma_start3A_219] : memref<2x4x3x500xi32, #tpu.memory_space<vmem>> -> memref<1x1x1x500xi32, #tpu.memory_space<vmem>>
      %dma_start3A_221 = tpu.memref_squeeze %dma_start3A_220 : memref<1x1x1x500xi32, #tpu.memory_space<vmem>> -> memref<500xi32, #tpu.memory_space<vmem>>
      %dma_start3A_222 = arith.constant 0 : i32
      %dma_start3A_223 = arith.constant 0 : i32
      %dma_start3A_224 = tpu.memref_slice %arg8[%dma_start3A_222, %dma_start3A_223] : memref<10000x64xf32, #tpu.memory_space<vmem_shared>> -> memref<10000x64xf32, #tpu.memory_space<vmem_shared>>
      tpu.enqueue_indirect_dma source(%dma_start3A_218 : memref<500x64xf32, #tpu.memory_space<vmem>>) target(%dma_start3A_224 : memref<10000x64xf32, #tpu.memory_space<vmem_shared>>) offsets(%dma_start3A_221 : memref<500xi32, #tpu.memory_space<vmem>>) semaphore(%arg11 : memref<!tpu.dma_semaphore, #tpu.memory_space<semaphore_mem>>) {add = true}
      %dma_wait3A_225 = arith.constant 0 : i32
      %dma_wait3A_226 = arith.constant 3 : i32
      %dma_wait3A_227 = arith.constant 2 : i32
      %dma_wait3A_228 = arith.constant 0 : i32
      %dma_wait3A_229 = arith.constant 0 : i32
      %dma_wait3A_230 = tpu.memref_slice %arg6[%dma_wait3A_225, %dma_wait3A_228, %dma_wait3A_229] : memref<2x500x64xf32, #tpu.memory_space<vmem>> -> memref<1x500x64xf32, #tpu.memory_space<vmem>>
      %dma_wait3A_231 = tpu.memref_squeeze %dma_wait3A_230 : memref<1x500x64xf32, #tpu.memory_space<vmem>> -> memref<500x64xf32, #tpu.memory_space<vmem>>
      %dma_wait3A_232 = arith.constant 0 : i32
      %dma_wait3A_233 = tpu.memref_slice %arg5[%select_n3A_62, %dma_wait3A_226, %dma_wait3A_227, %dma_wait3A_232] : memref<2x4x3x500xi32, #tpu.memory_space<vmem>> -> memref<1x1x1x500xi32, #tpu.memory_space<vmem>>
      %dma_wait3A_234 = tpu.memref_squeeze %dma_wait3A_233 : memref<1x1x1x500xi32, #tpu.memory_space<vmem>> -> memref<500xi32, #tpu.memory_space<vmem>>
      %dma_wait3A_235 = arith.constant 0 : i32
      %dma_wait3A_236 = arith.constant 0 : i32
      %dma_wait3A_237 = tpu.memref_slice %arg8[%dma_wait3A_235, %dma_wait3A_236] : memref<10000x64xf32, #tpu.memory_space<vmem_shared>> -> memref<10000x64xf32, #tpu.memory_space<vmem_shared>>
      tpu.wait_indirect_dma semaphore(%arg11 : memref<!tpu.dma_semaphore, #tpu.memory_space<semaphore_mem>>) src(%dma_wait3A_231 : memref<500x64xf32, #tpu.memory_space<vmem>>) dst(%dma_wait3A_237 : memref<10000x64xf32, #tpu.memory_space<vmem_shared>>)
      %lt3A_238 = arith.constant 9 : i32
      %lt3A_239 = arith.cmpi slt, %scan3A_52, %lt3A_238 : i32
      %convert_element_type3A_240 = arith.extui %lt3A_239 : i1 to i32
      %cond3A_241 = arith.constant 0 : i32
      %cond3A_242 = arith.cmpi ne, %convert_element_type3A_240, %cond3A_241 : i32
      scf.if %cond3A_242 {
        %add3A_269 = arith.constant 1 : i32
        %add3A_270 = arith.addi %scan3A_52, %add3A_269 : i32
        %mul3A_271 = arith.constant 4 : i32
        %mul3A_272 = arith.muli %add3A_270, %mul3A_271 : i32
        %dma_wait3A_273 = arith.constant 0 : i32
        %dma_wait3A_274 = arith.constant 0 : i32
        %dma_wait3A_275 = arith.constant 0 : i32
        %dma_wait3A_276 = tpu.memref_slice %arg5[%select_n3A_80, %dma_wait3A_273, %dma_wait3A_274, %dma_wait3A_275] : memref<2x4x3x500xi32, #tpu.memory_space<vmem>> -> memref<1x4x3x500xi32, #tpu.memory_space<vmem>>
        %dma_wait3A_277 = tpu.memref_squeeze %dma_wait3A_276 : memref<1x4x3x500xi32, #tpu.memory_space<vmem>> -> memref<4x3x500xi32, #tpu.memory_space<vmem>>
        %dma_wait3A_278 = arith.constant 0 : i32
        %dma_wait3A_279 = arith.constant 0 : i32
        %dma_wait3A_280 = tpu.memref_slice %arg3[%arg1, %mul3A_272, %dma_wait3A_278, %dma_wait3A_279] : memref<16x40x3x500xi32, #tpu.memory_space<hbm>> -> memref<1x4x3x500xi32, #tpu.memory_space<hbm>>
        %dma_wait3A_281 = tpu.memref_squeeze %dma_wait3A_280 : memref<1x4x3x500xi32, #tpu.memory_space<hbm>> -> memref<4x3x500xi32, #tpu.memory_space<hbm>>
        %dma_wait3A_282 = arith.constant 0 : i32
        %dma_wait3A_283 = arith.constant 0 : i32
        %dma_wait3A_284 = arith.constant 0 : i32
        %dma_wait3A_285 = tpu.memref_slice %arg5[%select_n3A_80, %dma_wait3A_282, %dma_wait3A_283, %dma_wait3A_284] : memref<2x4x3x500xi32, #tpu.memory_space<vmem>> -> memref<1x4x3x500xi32, #tpu.memory_space<vmem>>
        %dma_wait3A_286 = tpu.memref_squeeze %dma_wait3A_285 : memref<1x4x3x500xi32, #tpu.memory_space<vmem>> -> memref<4x3x500xi32, #tpu.memory_space<vmem>>
        %dma_wait3A_287 = arith.constant 0 : i32
        %dma_wait3A_288 = arith.constant 0 : i32
        %dma_wait3A_289 = tpu.memref_slice %arg3[%arg1, %mul3A_272, %dma_wait3A_287, %dma_wait3A_288] : memref<16x40x3x500xi32, #tpu.memory_space<hbm>> -> memref<1x4x3x500xi32, #tpu.memory_space<hbm>>
        %dma_wait3A_290 = tpu.memref_squeeze %dma_wait3A_289 : memref<1x4x3x500xi32, #tpu.memory_space<hbm>> -> memref<4x3x500xi32, #tpu.memory_space<hbm>>
        tpu.wait_dma2 semaphore(%arg13 : memref<!tpu.dma_semaphore, #tpu.memory_space<semaphore_mem>>) src(%dma_wait3A_290 : memref<4x3x500xi32, #tpu.memory_space<hbm>>) dst(%dma_wait3A_286 : memref<4x3x500xi32, #tpu.memory_space<vmem>>)
        %dma_start3A_291 = arith.constant 0 : i32
        %dma_start3A_292 = arith.constant 0 : i32
        %dma_start3A_293 = arith.constant 0 : i32
        %dma_start3A_294 = arith.constant 0 : i32
        %dma_start3A_295 = tpu.memref_slice %arg6[%dma_start3A_292, %dma_start3A_293, %dma_start3A_294] : memref<2x500x64xf32, #tpu.memory_space<vmem>> -> memref<1x500x64xf32, #tpu.memory_space<vmem>>
        %dma_start3A_296 = tpu.memref_squeeze %dma_start3A_295 : memref<1x500x64xf32, #tpu.memory_space<vmem>> -> memref<500x64xf32, #tpu.memory_space<vmem>>
        %dma_start3A_297 = arith.constant 0 : i32
        %dma_start3A_298 = tpu.memref_slice %arg5[%select_n3A_80, %dma_start3A_291, %arg0, %dma_start3A_297] : memref<2x4x3x500xi32, #tpu.memory_space<vmem>> -> memref<1x1x1x500xi32, #tpu.memory_space<vmem>>
        %dma_start3A_299 = tpu.memref_squeeze %dma_start3A_298 : memref<1x1x1x500xi32, #tpu.memory_space<vmem>> -> memref<500xi32, #tpu.memory_space<vmem>>
        %dma_start3A_300 = arith.constant 0 : i32
        %dma_start3A_301 = arith.constant 0 : i32
        %dma_start3A_302 = tpu.memref_slice %arg2[%dma_start3A_300, %dma_start3A_301] : memref<20000x64xf32, #tpu.memory_space<hbm>> -> memref<20000x64xf32, #tpu.memory_space<hbm>>
        tpu.enqueue_indirect_dma source(%dma_start3A_302 : memref<20000x64xf32, #tpu.memory_space<hbm>>) target(%dma_start3A_296 : memref<500x64xf32, #tpu.memory_space<vmem>>) offsets(%dma_start3A_299 : memref<500xi32, #tpu.memory_space<vmem>>) semaphore(%arg9 : memref<!tpu.dma_semaphore, #tpu.memory_space<semaphore_mem>>)
      } else {
      }
      %dma_wait3A_243 = arith.constant 3 : i32
      %dma_wait3A_244 = arith.constant 1 : i32
      %dma_wait3A_245 = arith.constant 0 : i32
      %dma_wait3A_246 = arith.constant 0 : i32
      %dma_wait3A_247 = tpu.memref_slice %arg6[%dma_wait3A_244, %dma_wait3A_245, %dma_wait3A_246] : memref<2x500x64xf32, #tpu.memory_space<vmem>> -> memref<1x500x64xf32, #tpu.memory_space<vmem>>
      %dma_wait3A_248 = tpu.memref_squeeze %dma_wait3A_247 : memref<1x500x64xf32, #tpu.memory_space<vmem>> -> memref<500x64xf32, #tpu.memory_space<vmem>>
      %dma_wait3A_249 = arith.constant 0 : i32
      %dma_wait3A_250 = tpu.memref_slice %arg5[%select_n3A_62, %dma_wait3A_243, %arg0, %dma_wait3A_249] : memref<2x4x3x500xi32, #tpu.memory_space<vmem>> -> memref<1x1x1x500xi32, #tpu.memory_space<vmem>>
      %dma_wait3A_251 = tpu.memref_squeeze %dma_wait3A_250 : memref<1x1x1x500xi32, #tpu.memory_space<vmem>> -> memref<500xi32, #tpu.memory_space<vmem>>
      %dma_wait3A_252 = arith.constant 0 : i32
      %dma_wait3A_253 = arith.constant 0 : i32
      %dma_wait3A_254 = tpu.memref_slice %arg2[%dma_wait3A_252, %dma_wait3A_253] : memref<20000x64xf32, #tpu.memory_space<hbm>> -> memref<20000x64xf32, #tpu.memory_space<hbm>>
      tpu.wait_indirect_dma semaphore(%arg10 : memref<!tpu.dma_semaphore, #tpu.memory_space<semaphore_mem>>) src(%dma_wait3A_254 : memref<20000x64xf32, #tpu.memory_space<hbm>>) dst(%dma_wait3A_248 : memref<500x64xf32, #tpu.memory_space<vmem>>)
      %dma_start3A_255 = arith.constant 1 : i32
      %dma_start3A_256 = arith.constant 3 : i32
      %dma_start3A_257 = arith.constant 2 : i32
      %dma_start3A_258 = arith.constant 0 : i32
      %dma_start3A_259 = arith.constant 0 : i32
      %dma_start3A_260 = tpu.memref_slice %arg6[%dma_start3A_255, %dma_start3A_258, %dma_start3A_259] : memref<2x500x64xf32, #tpu.memory_space<vmem>> -> memref<1x500x64xf32, #tpu.memory_space<vmem>>
      %dma_start3A_261 = tpu.memref_squeeze %dma_start3A_260 : memref<1x500x64xf32, #tpu.memory_space<vmem>> -> memref<500x64xf32, #tpu.memory_space<vmem>>
      %dma_start3A_262 = arith.constant 0 : i32
      %dma_start3A_263 = tpu.memref_slice %arg5[%select_n3A_62, %dma_start3A_256, %dma_start3A_257, %dma_start3A_262] : memref<2x4x3x500xi32, #tpu.memory_space<vmem>> -> memref<1x1x1x500xi32, #tpu.memory_space<vmem>>
      %dma_start3A_264 = tpu.memref_squeeze %dma_start3A_263 : memref<1x1x1x500xi32, #tpu.memory_space<vmem>> -> memref<500xi32, #tpu.memory_space<vmem>>
      %dma_start3A_265 = arith.constant 0 : i32
      %dma_start3A_266 = arith.constant 0 : i32
      %dma_start3A_267 = tpu.memref_slice %arg8[%dma_start3A_265, %dma_start3A_266] : memref<10000x64xf32, #tpu.memory_space<vmem_shared>> -> memref<10000x64xf32, #tpu.memory_space<vmem_shared>>
      tpu.enqueue_indirect_dma source(%dma_start3A_261 : memref<500x64xf32, #tpu.memory_space<vmem>>) target(%dma_start3A_267 : memref<10000x64xf32, #tpu.memory_space<vmem_shared>>) offsets(%dma_start3A_264 : memref<500xi32, #tpu.memory_space<vmem>>) semaphore(%arg12 : memref<!tpu.dma_semaphore, #tpu.memory_space<semaphore_mem>>) {add = true}
      %scan3A_268 = arith.constant 0 : i32
      scf.yield %scan3A_268 : i32
    }
    %scan3A_32 = arith.constant 10 : i32
    %dma_wait3A = arith.constant 1 : i32
    %dma_wait3A_33 = arith.constant 1 : i32
    %dma_wait3A_34 = arith.constant 3 : i32
    %dma_wait3A_35 = arith.constant 2 : i32
    %dma_wait3A_36 = arith.constant 0 : i32
    %dma_wait3A_37 = arith.constant 0 : i32
    %dma_wait3A_38 = tpu.memref_slice %arg6[%dma_wait3A, %dma_wait3A_36, %dma_wait3A_37] : memref<2x500x64xf32, #tpu.memory_space<vmem>> -> memref<1x500x64xf32, #tpu.memory_space<vmem>>
    %dma_wait3A_39 = tpu.memref_squeeze %dma_wait3A_38 : memref<1x500x64xf32, #tpu.memory_space<vmem>> -> memref<500x64xf32, #tpu.memory_space<vmem>>
    %dma_wait3A_40 = arith.constant 0 : i32
    %dma_wait3A_41 = tpu.memref_slice %arg5[%dma_wait3A_33, %dma_wait3A_34, %dma_wait3A_35, %dma_wait3A_40] : memref<2x4x3x500xi32, #tpu.memory_space<vmem>> -> memref<1x1x1x500xi32, #tpu.memory_space<vmem>>
    %dma_wait3A_42 = tpu.memref_squeeze %dma_wait3A_41 : memref<1x1x1x500xi32, #tpu.memory_space<vmem>> -> memref<500xi32, #tpu.memory_space<vmem>>
    %dma_wait3A_43 = arith.constant 0 : i32
    %dma_wait3A_44 = arith.constant 0 : i32
    %dma_wait3A_45 = tpu.memref_slice %arg8[%dma_wait3A_43, %dma_wait3A_44] : memref<10000x64xf32, #tpu.memory_space<vmem_shared>> -> memref<10000x64xf32, #tpu.memory_space<vmem_shared>>
    tpu.wait_indirect_dma semaphore(%arg12 : memref<!tpu.dma_semaphore, #tpu.memory_space<semaphore_mem>>) src(%dma_wait3A_39 : memref<500x64xf32, #tpu.memory_space<vmem>>) dst(%dma_wait3A_45 : memref<10000x64xf32, #tpu.memory_space<vmem_shared>>)
    %barrier3A_46 = arith.constant 0 : index
    tpu.barrier barrier_id(%barrier3A_46)
    %mul3A = arith.constant 625 : i32
    %mul3A_47 = arith.muli %arg1, %mul3A : i32
    %mul3A_48 = arith.constant 10000 : i32
    %mul3A_49 = arith.muli %arg0, %mul3A_48 : i32
    %mul3A_50 = arith.constant 625 : i32
    %mul3A_51 = arith.muli %arg1, %mul3A_50 : i32
    %add3A = arith.addi %mul3A_49, %mul3A_51 : i32
    "tpu.region"() ({
      %run_scoped3A_52 = tpu.sem_alloc : memref<!tpu.dma_semaphore, #tpu.memory_space<semaphore_mem>>
      %dma_start3A_53 = arith.constant 0 : i32
      %dma_start3A_54 = tpu.memref_slice %arg4[%add3A, %dma_start3A_53] : memref<20000x64xf32, #tpu.memory_space<hbm>> -> memref<625x64xf32, #tpu.memory_space<hbm>>
      %dma_start3A_55 = arith.constant 0 : i32
      %dma_start3A_56 = tpu.memref_slice %arg8[%mul3A_47, %dma_start3A_55] : memref<10000x64xf32, #tpu.memory_space<vmem_shared>> -> memref<625x64xf32, #tpu.memory_space<vmem_shared>>
      tpu.enqueue_dma source(%dma_start3A_56 : memref<625x64xf32, #tpu.memory_space<vmem_shared>>) target(%dma_start3A_54 : memref<625x64xf32, #tpu.memory_space<hbm>>) target_semaphore(%run_scoped3A_52 : memref<!tpu.dma_semaphore, #tpu.memory_space<semaphore_mem>>)
      %dma_wait3A_57 = arith.constant 0 : i32
      %dma_wait3A_58 = tpu.memref_slice %arg4[%add3A, %dma_wait3A_57] : memref<20000x64xf32, #tpu.memory_space<hbm>> -> memref<625x64xf32, #tpu.memory_space<hbm>>
      %dma_wait3A_59 = arith.constant 0 : i32
      %dma_wait3A_60 = tpu.memref_slice %arg8[%mul3A_47, %dma_wait3A_59] : memref<10000x64xf32, #tpu.memory_space<vmem_shared>> -> memref<625x64xf32, #tpu.memory_space<vmem_shared>>
      tpu.wait_dma2 semaphore(%run_scoped3A_52 : memref<!tpu.dma_semaphore, #tpu.memory_space<semaphore_mem>>) src(%dma_wait3A_60 : memref<625x64xf32, #tpu.memory_space<vmem_shared>>) dst(%dma_wait3A_58 : memref<625x64xf32, #tpu.memory_space<hbm>>)
      tpu.yield
    }) : () -> ()
    return
  }
}

#map = affine_map<(d0, d1) -> (0, 0)>
#map1 = affine_map<(d0, d1) -> (0, 0, 0, 0)>
module attributes {stable_mosaic.version = 14 : i64} {
  func.func @_sc_agg_body(%arg0: i32, %arg1: i32, %arg2: memref<20000x64xf32, #tpu.memory_space<hbm>>, %arg3: memref<16x40x3x500xi32, #tpu.memory_space<hbm>>, %arg4: memref<20000x64xf32, #tpu.memory_space<hbm>>, %arg5: memref<2x4x3x500xi32, #tpu.memory_space<vmem>>, %arg6: memref<2x500x64xf32, #tpu.memory_space<vmem>>, %arg7: memref<125x64xf32, #tpu.memory_space<vmem>>, %arg8: memref<10000x64xf32, #tpu.memory_space<vmem_shared>>, %arg9: memref<!tpu.dma_semaphore, #tpu.memory_space<semaphore_mem>>, %arg10: memref<!tpu.dma_semaphore, #tpu.memory_space<semaphore_mem>>, %arg11: memref<!tpu.dma_semaphore, #tpu.memory_space<semaphore_mem>>, %arg12: memref<!tpu.dma_semaphore, #tpu.memory_space<semaphore_mem>>, %arg13: memref<!tpu.dma_semaphore, #tpu.memory_space<semaphore_mem>>) attributes {dimension_semantics = [#tpu.dimension_semantics<core_parallel>, #tpu.dimension_semantics<subcore_parallel>], iteration_bounds = array<i64: 2, 16>, scalar_prefetch = 0 : i64, scratch_operands = 9 : i64, tpu.core_type = #tpu.core_type<sc_vector_subcore>, window_params = [{transform_indices = #map}, {transform_indices = #map1}, {transform_indices = #map}]} {
    %broadcast_in_dim3A = arith.constant 0.000000e+00 : f32
    %broadcast_in_dim3A_0 = vector.broadcast %broadcast_in_dim3A : f32 to vector<16xf32>
    %scan3A = arith.constant 0 : i32
    %scan3A_1 = arith.constant 0 : i32
    %scan3A_2 = arith.constant 125 : i32
    %scan3A_3 = arith.addi %scan3A_1, %scan3A_2 : i32
    %scan3A_4 = arith.constant 1 : i32
    %scan3A_5 = scf.for %scan3A_52 = %scan3A_1 to %scan3A_3 step %scan3A_4 iter_args(%scan3A_53 = %scan3A) -> (i32)  : i32 {
      %swap3A = arith.index_cast %scan3A_52 : i32 to index
      %swap3A_54 = arith.constant 0 : index
      %swap3A_55 = tpu.vector_load %arg7[%swap3A, %swap3A_54] {strides = array<i32>} : memref<125x64xf32, #tpu.memory_space<vmem>>, vector<1x16xf32>,
      %swap3A_56 = vector.shape_cast %swap3A_55 : vector<1x16xf32> to vector<16xf32>
      %swap3A_57 = vector.shape_cast %broadcast_in_dim3A_0 : vector<16xf32> to vector<1x16xf32>
      tpu.vector_store %arg7[%swap3A, %swap3A_54], %swap3A_57 {strides = array<i32>} : memref<125x64xf32, #tpu.memory_space<vmem>>, vector<1x16xf32>,
      %swap3A_58 = arith.index_cast %scan3A_52 : i32 to index
      %swap3A_59 = arith.constant 16 : index
      %swap3A_60 = tpu.vector_load %arg7[%swap3A_58, %swap3A_59] {strides = array<i32>} : memref<125x64xf32, #tpu.memory_space<vmem>>, vector<1x16xf32>,
      %swap3A_61 = vector.shape_cast %swap3A_60 : vector<1x16xf32> to vector<16xf32>
      %swap3A_62 = vector.shape_cast %broadcast_in_dim3A_0 : vector<16xf32> to vector<1x16xf32>
      tpu.vector_store %arg7[%swap3A_58, %swap3A_59], %swap3A_62 {strides = array<i32>} : memref<125x64xf32, #tpu.memory_space<vmem>>, vector<1x16xf32>,
      %swap3A_63 = arith.index_cast %scan3A_52 : i32 to index
      %swap3A_64 = arith.constant 32 : index
      %swap3A_65 = tpu.vector_load %arg7[%swap3A_63, %swap3A_64] {strides = array<i32>} : memref<125x64xf32, #tpu.memory_space<vmem>>, vector<1x16xf32>,
      %swap3A_66 = vector.shape_cast %swap3A_65 : vector<1x16xf32> to vector<16xf32>
      %swap3A_67 = vector.shape_cast %broadcast_in_dim3A_0 : vector<16xf32> to vector<1x16xf32>
      tpu.vector_store %arg7[%swap3A_63, %swap3A_64], %swap3A_67 {strides = array<i32>} : memref<125x64xf32, #tpu.memory_space<vmem>>, vector<1x16xf32>,
      %swap3A_68 = arith.index_cast %scan3A_52 : i32 to index
      %swap3A_69 = arith.constant 48 : index
      %swap3A_70 = tpu.vector_load %arg7[%swap3A_68, %swap3A_69] {strides = array<i32>} : memref<125x64xf32, #tpu.memory_space<vmem>>, vector<1x16xf32>,
      %swap3A_71 = vector.shape_cast %swap3A_70 : vector<1x16xf32> to vector<16xf32>
      %swap3A_72 = vector.shape_cast %broadcast_in_dim3A_0 : vector<16xf32> to vector<1x16xf32>
      tpu.vector_store %arg7[%swap3A_68, %swap3A_69], %swap3A_72 {strides = array<i32>} : memref<125x64xf32, #tpu.memory_space<vmem>>, vector<1x16xf32>,
      %scan3A_73 = arith.constant 0 : i32
      scf.yield %scan3A_73 : i32
    }
    %scan3A_6 = arith.constant 125 : i32
    %run_scoped3A = arith.constant 0 : i32
    "tpu.region"() ({
      %run_scoped3A_52 = tpu.sem_alloc : memref<!tpu.dma_semaphore, #tpu.memory_space<semaphore_mem>>
      %dma_start3A_53 = arith.constant 0 : i32
      %dma_start3A_54 = arith.constant 0 : i32
      %dma_start3A_55 = arith.constant 0 : i32
      %dma_start3A_56 = tpu.memref_slice %arg5[%run_scoped3A, %dma_start3A_53, %dma_start3A_54, %dma_start3A_55] : memref<2x4x3x500xi32, #tpu.memory_space<vmem>> -> memref<1x4x3x500xi32, #tpu.memory_space<vmem>>
      %dma_start3A_57 = tpu.memref_squeeze %dma_start3A_56 : memref<1x4x3x500xi32, #tpu.memory_space<vmem>> -> memref<4x3x500xi32, #tpu.memory_space<vmem>>
      %dma_start3A_58 = arith.constant 0 : i32
      %dma_start3A_59 = arith.constant 0 : i32
      %dma_start3A_60 = arith.constant 0 : i32
      %dma_start3A_61 = tpu.memref_slice %arg3[%arg1, %dma_start3A_58, %dma_start3A_59, %dma_start3A_60] : memref<16x40x3x500xi32, #tpu.memory_space<hbm>> -> memref<1x4x3x500xi32, #tpu.memory_space<hbm>>
      %dma_start3A_62 = tpu.memref_squeeze %dma_start3A_61 : memref<1x4x3x500xi32, #tpu.memory_space<hbm>> -> memref<4x3x500xi32, #tpu.memory_space<hbm>>
      %dma_start3A_63 = arith.constant 0 : i32
      %dma_start3A_64 = arith.constant 0 : i32
      %dma_start3A_65 = arith.constant 0 : i32
      %dma_start3A_66 = tpu.memref_slice %arg5[%run_scoped3A, %dma_start3A_63, %dma_start3A_64, %dma_start3A_65] : memref<2x4x3x500xi32, #tpu.memory_space<vmem>> -> memref<1x4x3x500xi32, #tpu.memory_space<vmem>>
      %dma_start3A_67 = tpu.memref_squeeze %dma_start3A_66 : memref<1x4x3x500xi32, #tpu.memory_space<vmem>> -> memref<4x3x500xi32, #tpu.memory_space<vmem>>
      %dma_start3A_68 = arith.constant 0 : i32
      %dma_start3A_69 = arith.constant 0 : i32
      %dma_start3A_70 = arith.constant 0 : i32
      %dma_start3A_71 = tpu.memref_slice %arg3[%arg1, %dma_start3A_68, %dma_start3A_69, %dma_start3A_70] : memref<16x40x3x500xi32, #tpu.memory_space<hbm>> -> memref<1x4x3x500xi32, #tpu.memory_space<hbm>>
      %dma_start3A_72 = tpu.memref_squeeze %dma_start3A_71 : memref<1x4x3x500xi32, #tpu.memory_space<hbm>> -> memref<4x3x500xi32, #tpu.memory_space<hbm>>
      tpu.enqueue_dma source(%dma_start3A_72 : memref<4x3x500xi32, #tpu.memory_space<hbm>>) target(%dma_start3A_67 : memref<4x3x500xi32, #tpu.memory_space<vmem>>) target_semaphore(%run_scoped3A_52 : memref<!tpu.dma_semaphore, #tpu.memory_space<semaphore_mem>>)
      %dma_wait3A_73 = arith.constant 0 : i32
      %dma_wait3A_74 = arith.constant 0 : i32
      %dma_wait3A_75 = arith.constant 0 : i32
      %dma_wait3A_76 = tpu.memref_slice %arg5[%run_scoped3A, %dma_wait3A_73, %dma_wait3A_74, %dma_wait3A_75] : memref<2x4x3x500xi32, #tpu.memory_space<vmem>> -> memref<1x4x3x500xi32, #tpu.memory_space<vmem>>
      %dma_wait3A_77 = tpu.memref_squeeze %dma_wait3A_76 : memref<1x4x3x500xi32, #tpu.memory_space<vmem>> -> memref<4x3x500xi32, #tpu.memory_space<vmem>>
      %dma_wait3A_78 = arith.constant 0 : i32
      %dma_wait3A_79 = arith.constant 0 : i32
      %dma_wait3A_80 = arith.constant 0 : i32
      %dma_wait3A_81 = tpu.memref_slice %arg3[%arg1, %dma_wait3A_78, %dma_wait3A_79, %dma_wait3A_80] : memref<16x40x3x500xi32, #tpu.memory_space<hbm>> -> memref<1x4x3x500xi32, #tpu.memory_space<hbm>>
      %dma_wait3A_82 = tpu.memref_squeeze %dma_wait3A_81 : memref<1x4x3x500xi32, #tpu.memory_space<hbm>> -> memref<4x3x500xi32, #tpu.memory_space<hbm>>
      %dma_wait3A_83 = arith.constant 0 : i32
      %dma_wait3A_84 = arith.constant 0 : i32
      %dma_wait3A_85 = arith.constant 0 : i32
      %dma_wait3A_86 = tpu.memref_slice %arg5[%run_scoped3A, %dma_wait3A_83, %dma_wait3A_84, %dma_wait3A_85] : memref<2x4x3x500xi32, #tpu.memory_space<vmem>> -> memref<1x4x3x500xi32, #tpu.memory_space<vmem>>
      %dma_wait3A_87 = tpu.memref_squeeze %dma_wait3A_86 : memref<1x4x3x500xi32, #tpu.memory_space<vmem>> -> memref<4x3x500xi32, #tpu.memory_space<vmem>>
      %dma_wait3A_88 = arith.constant 0 : i32
      %dma_wait3A_89 = arith.constant 0 : i32
      %dma_wait3A_90 = arith.constant 0 : i32
      %dma_wait3A_91 = tpu.memref_slice %arg3[%arg1, %dma_wait3A_88, %dma_wait3A_89, %dma_wait3A_90] : memref<16x40x3x500xi32, #tpu.memory_space<hbm>> -> memref<1x4x3x500xi32, #tpu.memory_space<hbm>>
      %dma_wait3A_92 = tpu.memref_squeeze %dma_wait3A_91 : memref<1x4x3x500xi32, #tpu.memory_space<hbm>> -> memref<4x3x500xi32, #tpu.memory_space<hbm>>
      tpu.wait_dma2 semaphore(%run_scoped3A_52 : memref<!tpu.dma_semaphore, #tpu.memory_space<semaphore_mem>>) src(%dma_wait3A_92 : memref<4x3x500xi32, #tpu.memory_space<hbm>>) dst(%dma_wait3A_87 : memref<4x3x500xi32, #tpu.memory_space<vmem>>)
      tpu.yield
    }) : () -> ()
    %dma_start3A = arith.constant 0 : i32
    %dma_start3A_7 = arith.constant 0 : i32
    %dma_start3A_8 = arith.constant 0 : i32
    %dma_start3A_9 = arith.constant 0 : i32
    %dma_start3A_10 = arith.constant 0 : i32
    %dma_start3A_11 = tpu.memref_slice %arg6[%dma_start3A_8, %dma_start3A_9, %dma_start3A_10] : memref<2x500x64xf32, #tpu.memory_space<vmem>> -> memref<1x500x64xf32, #tpu.memory_space<vmem>>
    %dma_start3A_12 = tpu.memref_squeeze %dma_start3A_11 : memref<1x500x64xf32, #tpu.memory_space<vmem>> -> memref<500x64xf32, #tpu.memory_space<vmem>>
    %dma_start3A_13 = arith.constant 0 : i32
    %dma_start3A_14 = tpu.memref_slice %arg5[%dma_start3A, %dma_start3A_7, %arg0, %dma_start3A_13] : memref<2x4x3x500xi32, #tpu.memory_space<vmem>> -> memref<1x1x1x500xi32, #tpu.memory_space<vmem>>
    %dma_start3A_15 = tpu.memref_squeeze %dma_start3A_14 : memref<1x1x1x500xi32, #tpu.memory_space<vmem>> -> memref<500xi32, #tpu.memory_space<vmem>>
    %dma_start3A_16 = arith.constant 0 : i32
    %dma_start3A_17 = arith.constant 0 : i32
    %dma_start3A_18 = tpu.memref_slice %arg2[%dma_start3A_16, %dma_start3A_17] : memref<20000x64xf32, #tpu.memory_space<hbm>> -> memref<20000x64xf32, #tpu.memory_space<hbm>>
    tpu.enqueue_indirect_dma source(%dma_start3A_18 : memref<20000x64xf32, #tpu.memory_space<hbm>>) target(%dma_start3A_12 : memref<500x64xf32, #tpu.memory_space<vmem>>) offsets(%dma_start3A_15 : memref<500xi32, #tpu.memory_space<vmem>>) semaphore(%arg9 : memref<!tpu.dma_semaphore, #tpu.memory_space<semaphore_mem>>)
    %scan3A_19 = arith.constant 0 : i32
    %scan3A_20 = arith.constant 0 : i32
    %scan3A_21 = arith.constant 5 : i32
    %scan3A_22 = arith.addi %scan3A_20, %scan3A_21 : i32
    %scan3A_23 = arith.constant 1 : i32
    %scan3A_24 = scf.for %scan3A_52 = %scan3A_20 to %scan3A_22 step %scan3A_23 iter_args(%scan3A_53 = %scan3A_19) -> (i32)  : i32 {
      %mul3A_54 = arith.constant 625 : i32
      %mul3A_55 = arith.muli %arg1, %mul3A_54 : i32
      %mul3A_56 = arith.constant 125 : i32
      %mul3A_57 = arith.muli %scan3A_52, %mul3A_56 : i32
      %add3A_58 = arith.addi %mul3A_55, %mul3A_57 : i32
      "tpu.region"() ({
        %run_scoped3A_60 = tpu.sem_alloc : memref<!tpu.dma_semaphore, #tpu.memory_space<semaphore_mem>>
        %dma_start3A_61 = arith.constant 0 : i32
        %dma_start3A_62 = tpu.memref_slice %arg8[%add3A_58, %dma_start3A_61] : memref<10000x64xf32, #tpu.memory_space<vmem_shared>> -> memref<125x64xf32, #tpu.memory_space<vmem_shared>>
        %dma_start3A_63 = arith.constant 0 : i32
        %dma_start3A_64 = tpu.memref_slice %arg8[%add3A_58, %dma_start3A_63] : memref<10000x64xf32, #tpu.memory_space<vmem_shared>> -> memref<125x64xf32, #tpu.memory_space<vmem_shared>>
        tpu.enqueue_dma source(%arg7 : memref<125x64xf32, #tpu.memory_space<vmem>>) target(%dma_start3A_64 : memref<125x64xf32, #tpu.memory_space<vmem_shared>>) target_semaphore(%run_scoped3A_60 : memref<!tpu.dma_semaphore, #tpu.memory_space<semaphore_mem>>)
        %dma_wait3A_65 = arith.constant 0 : i32
        %dma_wait3A_66 = tpu.memref_slice %arg8[%add3A_58, %dma_wait3A_65] : memref<10000x64xf32, #tpu.memory_space<vmem_shared>> -> memref<125x64xf32, #tpu.memory_space<vmem_shared>>
        %dma_wait3A_67 = arith.constant 0 : i32
        %dma_wait3A_68 = tpu.memref_slice %arg8[%add3A_58, %dma_wait3A_67] : memref<10000x64xf32, #tpu.memory_space<vmem_shared>> -> memref<125x64xf32, #tpu.memory_space<vmem_shared>>
        tpu.wait_dma2 semaphore(%run_scoped3A_60 : memref<!tpu.dma_semaphore, #tpu.memory_space<semaphore_mem>>) src(%arg7 : memref<125x64xf32, #tpu.memory_space<vmem>>) dst(%dma_wait3A_68 : memref<125x64xf32, #tpu.memory_space<vmem_shared>>)
        tpu.yield
      }) : () -> ()
      %scan3A_59 = arith.constant 0 : i32
      scf.yield %scan3A_59 : i32
    }
    %scan3A_25 = arith.constant 5 : i32
    %barrier3A = arith.constant 0 : index
    tpu.barrier barrier_id(%barrier3A)
    %scan3A_26 = arith.constant 0 : i32
    %scan3A_27 = arith.constant 0 : i32
    %scan3A_28 = arith.constant 10 : i32
    %scan3A_29 = arith.addi %scan3A_27, %scan3A_28 : i32
    %scan3A_30 = arith.constant 1 : i32
    %scan3A_31 = scf.for %scan3A_52 = %scan3A_27 to %scan3A_29 step %scan3A_30 iter_args(%scan3A_53 = %scan3A_26) -> (i32)  : i32 {
      %jit3A = arith.constant 2 : i32
      %eq3A = arith.constant 0 : i32
      %eq3A_54 = arith.cmpi eq, %jit3A, %eq3A : i32
      %jit3A_55 = arith.constant 1 : i32
      %select_n3A = arith.select %eq3A_54, %jit3A_55, %jit3A : i32
      %rem3A = arith.remsi %scan3A_52, %select_n3A : i32
      %ne3A = arith.constant 0 : i32
      %ne3A_56 = arith.cmpi ne, %rem3A, %ne3A : i32
      %lt3A = arith.constant 0 : i32
      %lt3A_57 = arith.cmpi slt, %rem3A, %lt3A : i32
      %lt3A_58 = arith.constant 0 : i32
      %lt3A_59 = arith.cmpi slt, %select_n3A, %lt3A_58 : i32
      %ne3A_60 = arith.xori %lt3A_57, %lt3A_59 : i1
      %and3A = arith.andi %ne3A_60, %ne3A_56 : i1
      %add3A_61 = arith.addi %rem3A, %select_n3A : i32
      %select_n3A_62 = arith.select %and3A, %add3A_61, %rem3A : i32
      %add3A_63 = arith.constant 1 : i32
      %add3A_64 = arith.addi %scan3A_52, %add3A_63 : i32
      %jit3A_65 = arith.constant 2 : i32
      %eq3A_66 = arith.constant 0 : i32
      %eq3A_67 = arith.cmpi eq, %jit3A_65, %eq3A_66 : i32
      %jit3A_68 = arith.constant 1 : i32
      %select_n3A_69 = arith.select %eq3A_67, %jit3A_68, %jit3A_65 : i32
      %rem3A_70 = arith.remsi %add3A_64, %select_n3A_69 : i32
      %ne3A_71 = arith.constant 0 : i32
      %ne3A_72 = arith.cmpi ne, %rem3A_70, %ne3A_71 : i32
      %lt3A_73 = arith.constant 0 : i32
      %lt3A_74 = arith.cmpi slt, %rem3A_70, %lt3A_73 : i32
      %lt3A_75 = arith.constant 0 : i32
      %lt3A_76 = arith.cmpi slt, %select_n3A_69, %lt3A_75 : i32
      %ne3A_77 = arith.xori %lt3A_74, %lt3A_76 : i1
      %and3A_78 = arith.andi %ne3A_77, %ne3A_72 : i1
      %add3A_79 = arith.addi %rem3A_70, %select_n3A_69 : i32
      %select_n3A_80 = arith.select %and3A_78, %add3A_79, %rem3A_70 : i32
      %gt3A = arith.constant 0 : i32
      %gt3A_81 = arith.cmpi sgt, %scan3A_52, %gt3A : i32
      %convert_element_type3A = arith.extui %gt3A_81 : i1 to i32
      %cond3A = arith.constant 0 : i32
      %cond3A_82 = arith.cmpi ne, %convert_element_type3A, %cond3A : i32
      scf.if %cond3A_82 {
        %dma_wait3A_269 = arith.constant 1 : i32
        %dma_wait3A_270 = arith.constant 0 : i32
        %dma_wait3A_271 = arith.constant 2 : i32
        %dma_wait3A_272 = arith.constant 0 : i32
        %dma_wait3A_273 = arith.constant 0 : i32
        %dma_wait3A_274 = tpu.memref_slice %arg6[%dma_wait3A_269, %dma_wait3A_272, %dma_wait3A_273] : memref<2x500x64xf32, #tpu.memory_space<vmem>> -> memref<1x500x64xf32, #tpu.memory_space<vmem>>
        %dma_wait3A_275 = tpu.memref_squeeze %dma_wait3A_274 : memref<1x500x64xf32, #tpu.memory_space<vmem>> -> memref<500x64xf32, #tpu.memory_space<vmem>>
        %dma_wait3A_276 = arith.constant 0 : i32
        %dma_wait3A_277 = tpu.memref_slice %arg5[%select_n3A_62, %dma_wait3A_270, %dma_wait3A_271, %dma_wait3A_276] : memref<2x4x3x500xi32, #tpu.memory_space<vmem>> -> memref<1x1x1x500xi32, #tpu.memory_space<vmem>>
        %dma_wait3A_278 = tpu.memref_squeeze %dma_wait3A_277 : memref<1x1x1x500xi32, #tpu.memory_space<vmem>> -> memref<500xi32, #tpu.memory_space<vmem>>
        %dma_wait3A_279 = arith.constant 0 : i32
        %dma_wait3A_280 = arith.constant 0 : i32
        %dma_wait3A_281 = tpu.memref_slice %arg8[%dma_wait3A_279, %dma_wait3A_280] : memref<10000x64xf32, #tpu.memory_space<vmem_shared>> -> memref<10000x64xf32, #tpu.memory_space<vmem_shared>>
        tpu.wait_indirect_dma semaphore(%arg12 : memref<!tpu.dma_semaphore, #tpu.memory_space<semaphore_mem>>) src(%dma_wait3A_275 : memref<500x64xf32, #tpu.memory_space<vmem>>) dst(%dma_wait3A_281 : memref<10000x64xf32, #tpu.memory_space<vmem_shared>>)
      } else {
      }
      %dma_start3A_83 = arith.constant 1 : i32
      %dma_start3A_84 = arith.constant 1 : i32
      %dma_start3A_85 = arith.constant 0 : i32
      %dma_start3A_86 = arith.constant 0 : i32
      %dma_start3A_87 = tpu.memref_slice %arg6[%dma_start3A_84, %dma_start3A_85, %dma_start3A_86] : memref<2x500x64xf32, #tpu.memory_space<vmem>> -> memref<1x500x64xf32, #tpu.memory_space<vmem>>
      %dma_start3A_88 = tpu.memref_squeeze %dma_start3A_87 : memref<1x500x64xf32, #tpu.memory_space<vmem>> -> memref<500x64xf32, #tpu.memory_space<vmem>>
      %dma_start3A_89 = arith.constant 0 : i32
      %dma_start3A_90 = tpu.memref_slice %arg5[%select_n3A_62, %dma_start3A_83, %arg0, %dma_start3A_89] : memref<2x4x3x500xi32, #tpu.memory_space<vmem>> -> memref<1x1x1x500xi32, #tpu.memory_space<vmem>>
      %dma_start3A_91 = tpu.memref_squeeze %dma_start3A_90 : memref<1x1x1x500xi32, #tpu.memory_space<vmem>> -> memref<500xi32, #tpu.memory_space<vmem>>
      %dma_start3A_92 = arith.constant 0 : i32
      %dma_start3A_93 = arith.constant 0 : i32
      %dma_start3A_94 = tpu.memref_slice %arg2[%dma_start3A_92, %dma_start3A_93] : memref<20000x64xf32, #tpu.memory_space<hbm>> -> memref<20000x64xf32, #tpu.memory_space<hbm>>
      tpu.enqueue_indirect_dma source(%dma_start3A_94 : memref<20000x64xf32, #tpu.memory_space<hbm>>) target(%dma_start3A_88 : memref<500x64xf32, #tpu.memory_space<vmem>>) offsets(%dma_start3A_91 : memref<500xi32, #tpu.memory_space<vmem>>) semaphore(%arg10 : memref<!tpu.dma_semaphore, #tpu.memory_space<semaphore_mem>>)
      %dma_wait3A_95 = arith.constant 0 : i32
      %dma_wait3A_96 = arith.constant 0 : i32
      %dma_wait3A_97 = arith.constant 0 : i32
      %dma_wait3A_98 = arith.constant 0 : i32
      %dma_wait3A_99 = tpu.memref_slice %arg6[%dma_wait3A_96, %dma_wait3A_97, %dma_wait3A_98] : memref<2x500x64xf32, #tpu.memory_space<vmem>> -> memref<1x500x64xf32, #tpu.memory_space<vmem>>
      %dma_wait3A_100 = tpu.memref_squeeze %dma_wait3A_99 : memref<1x500x64xf32, #tpu.memory_space<vmem>> -> memref<500x64xf32, #tpu.memory_space<vmem>>
      %dma_wait3A_101 = arith.constant 0 : i32
      %dma_wait3A_102 = tpu.memref_slice %arg5[%select_n3A_62, %dma_wait3A_95, %arg0, %dma_wait3A_101] : memref<2x4x3x500xi32, #tpu.memory_space<vmem>> -> memref<1x1x1x500xi32, #tpu.memory_space<vmem>>
      %dma_wait3A_103 = tpu.memref_squeeze %dma_wait3A_102 : memref<1x1x1x500xi32, #tpu.memory_space<vmem>> -> memref<500xi32, #tpu.memory_space<vmem>>
      %dma_wait3A_104 = arith.constant 0 : i32
      %dma_wait3A_105 = arith.constant 0 : i32
      %dma_wait3A_106 = tpu.memref_slice %arg2[%dma_wait3A_104, %dma_wait3A_105] : memref<20000x64xf32, #tpu.memory_space<hbm>> -> memref<20000x64xf32, #tpu.memory_space<hbm>>
      tpu.wait_indirect_dma semaphore(%arg9 : memref<!tpu.dma_semaphore, #tpu.memory_space<semaphore_mem>>) src(%dma_wait3A_106 : memref<20000x64xf32, #tpu.memory_space<hbm>>) dst(%dma_wait3A_100 : memref<500x64xf32, #tpu.memory_space<vmem>>)
      %dma_start3A_107 = arith.constant 0 : i32
      %dma_start3A_108 = arith.constant 0 : i32
      %dma_start3A_109 = arith.constant 2 : i32
      %dma_start3A_110 = arith.constant 0 : i32
      %dma_start3A_111 = arith.constant 0 : i32
      %dma_start3A_112 = tpu.memref_slice %arg6[%dma_start3A_107, %dma_start3A_110, %dma_start3A_111] : memref<2x500x64xf32, #tpu.memory_space<vmem>> -> memref<1x500x64xf32, #tpu.memory_space<vmem>>
      %dma_start3A_113 = tpu.memref_squeeze %dma_start3A_112 : memref<1x500x64xf32, #tpu.memory_space<vmem>> -> memref<500x64xf32, #tpu.memory_space<vmem>>
      %dma_start3A_114 = arith.constant 0 : i32
      %dma_start3A_115 = tpu.memref_slice %arg5[%select_n3A_62, %dma_start3A_108, %dma_start3A_109, %dma_start3A_114] : memref<2x4x3x500xi32, #tpu.memory_space<vmem>> -> memref<1x1x1x500xi32, #tpu.memory_space<vmem>>
      %dma_start3A_116 = tpu.memref_squeeze %dma_start3A_115 : memref<1x1x1x500xi32, #tpu.memory_space<vmem>> -> memref<500xi32, #tpu.memory_space<vmem>>
      %dma_start3A_117 = arith.constant 0 : i32
      %dma_start3A_118 = arith.constant 0 : i32
      %dma_start3A_119 = tpu.memref_slice %arg8[%dma_start3A_117, %dma_start3A_118] : memref<10000x64xf32, #tpu.memory_space<vmem_shared>> -> memref<10000x64xf32, #tpu.memory_space<vmem_shared>>
      tpu.enqueue_indirect_dma source(%dma_start3A_113 : memref<500x64xf32, #tpu.memory_space<vmem>>) target(%dma_start3A_119 : memref<10000x64xf32, #tpu.memory_space<vmem_shared>>) offsets(%dma_start3A_116 : memref<500xi32, #tpu.memory_space<vmem>>) semaphore(%arg11 : memref<!tpu.dma_semaphore, #tpu.memory_space<semaphore_mem>>) {add = true}
      %dma_wait3A_120 = arith.constant 0 : i32
      %dma_wait3A_121 = arith.constant 1 : i32
      %dma_wait3A_122 = arith.constant 2 : i32
      %dma_wait3A_123 = arith.constant 0 : i32
      %dma_wait3A_124 = arith.constant 0 : i32
      %dma_wait3A_125 = tpu.memref_slice %arg6[%dma_wait3A_120, %dma_wait3A_123, %dma_wait3A_124] : memref<2x500x64xf32, #tpu.memory_space<vmem>> -> memref<1x500x64xf32, #tpu.memory_space<vmem>>
      %dma_wait3A_126 = tpu.memref_squeeze %dma_wait3A_125 : memref<1x500x64xf32, #tpu.memory_space<vmem>> -> memref<500x64xf32, #tpu.memory_space<vmem>>
      %dma_wait3A_127 = arith.constant 0 : i32
      %dma_wait3A_128 = tpu.memref_slice %arg5[%select_n3A_62, %dma_wait3A_121, %dma_wait3A_122, %dma_wait3A_127] : memref<2x4x3x500xi32, #tpu.memory_space<vmem>> -> memref<1x1x1x500xi32, #tpu.memory_space<vmem>>
      %dma_wait3A_129 = tpu.memref_squeeze %dma_wait3A_128 : memref<1x1x1x500xi32, #tpu.memory_space<vmem>> -> memref<500xi32, #tpu.memory_space<vmem>>
      %dma_wait3A_130 = arith.constant 0 : i32
      %dma_wait3A_131 = arith.constant 0 : i32
      %dma_wait3A_132 = tpu.memref_slice %arg8[%dma_wait3A_130, %dma_wait3A_131] : memref<10000x64xf32, #tpu.memory_space<vmem_shared>> -> memref<10000x64xf32, #tpu.memory_space<vmem_shared>>
      tpu.wait_indirect_dma semaphore(%arg11 : memref<!tpu.dma_semaphore, #tpu.memory_space<semaphore_mem>>) src(%dma_wait3A_126 : memref<500x64xf32, #tpu.memory_space<vmem>>) dst(%dma_wait3A_132 : memref<10000x64xf32, #tpu.memory_space<vmem_shared>>)
      %lt3A_133 = arith.constant 9 : i32
      %lt3A_134 = arith.cmpi slt, %scan3A_52, %lt3A_133 : i32
      %convert_element_type3A_135 = arith.extui %lt3A_134 : i1 to i32
      %cond3A_136 = arith.constant 0 : i32
      %cond3A_137 = arith.cmpi ne, %convert_element_type3A_135, %cond3A_136 : i32
      scf.if %cond3A_137 {
        %add3A_269 = arith.constant 1 : i32
        %add3A_270 = arith.addi %scan3A_52, %add3A_269 : i32
        %mul3A_271 = arith.constant 4 : i32
        %mul3A_272 = arith.muli %add3A_270, %mul3A_271 : i32
        %dma_start3A_273 = arith.constant 0 : i32
        %dma_start3A_274 = arith.constant 0 : i32
        %dma_start3A_275 = arith.constant 0 : i32
        %dma_start3A_276 = tpu.memref_slice %arg5[%select_n3A_80, %dma_start3A_273, %dma_start3A_274, %dma_start3A_275] : memref<2x4x3x500xi32, #tpu.memory_space<vmem>> -> memref<1x4x3x500xi32, #tpu.memory_space<vmem>>
        %dma_start3A_277 = tpu.memref_squeeze %dma_start3A_276 : memref<1x4x3x500xi32, #tpu.memory_space<vmem>> -> memref<4x3x500xi32, #tpu.memory_space<vmem>>
        %dma_start3A_278 = arith.constant 0 : i32
        %dma_start3A_279 = arith.constant 0 : i32
        %dma_start3A_280 = tpu.memref_slice %arg3[%arg1, %mul3A_272, %dma_start3A_278, %dma_start3A_279] : memref<16x40x3x500xi32, #tpu.memory_space<hbm>> -> memref<1x4x3x500xi32, #tpu.memory_space<hbm>>
        %dma_start3A_281 = tpu.memref_squeeze %dma_start3A_280 : memref<1x4x3x500xi32, #tpu.memory_space<hbm>> -> memref<4x3x500xi32, #tpu.memory_space<hbm>>
        %dma_start3A_282 = arith.constant 0 : i32
        %dma_start3A_283 = arith.constant 0 : i32
        %dma_start3A_284 = arith.constant 0 : i32
        %dma_start3A_285 = tpu.memref_slice %arg5[%select_n3A_80, %dma_start3A_282, %dma_start3A_283, %dma_start3A_284] : memref<2x4x3x500xi32, #tpu.memory_space<vmem>> -> memref<1x4x3x500xi32, #tpu.memory_space<vmem>>
        %dma_start3A_286 = tpu.memref_squeeze %dma_start3A_285 : memref<1x4x3x500xi32, #tpu.memory_space<vmem>> -> memref<4x3x500xi32, #tpu.memory_space<vmem>>
        %dma_start3A_287 = arith.constant 0 : i32
        %dma_start3A_288 = arith.constant 0 : i32
        %dma_start3A_289 = tpu.memref_slice %arg3[%arg1, %mul3A_272, %dma_start3A_287, %dma_start3A_288] : memref<16x40x3x500xi32, #tpu.memory_space<hbm>> -> memref<1x4x3x500xi32, #tpu.memory_space<hbm>>
        %dma_start3A_290 = tpu.memref_squeeze %dma_start3A_289 : memref<1x4x3x500xi32, #tpu.memory_space<hbm>> -> memref<4x3x500xi32, #tpu.memory_space<hbm>>
        tpu.enqueue_dma source(%dma_start3A_290 : memref<4x3x500xi32, #tpu.memory_space<hbm>>) target(%dma_start3A_286 : memref<4x3x500xi32, #tpu.memory_space<vmem>>) target_semaphore(%arg13 : memref<!tpu.dma_semaphore, #tpu.memory_space<semaphore_mem>>)
      } else {
      }
      %dma_start3A_138 = arith.constant 2 : i32
      %dma_start3A_139 = arith.constant 0 : i32
      %dma_start3A_140 = arith.constant 0 : i32
      %dma_start3A_141 = arith.constant 0 : i32
      %dma_start3A_142 = tpu.memref_slice %arg6[%dma_start3A_139, %dma_start3A_140, %dma_start3A_141] : memref<2x500x64xf32, #tpu.memory_space<vmem>> -> memref<1x500x64xf32, #tpu.memory_space<vmem>>
      %dma_start3A_143 = tpu.memref_squeeze %dma_start3A_142 : memref<1x500x64xf32, #tpu.memory_space<vmem>> -> memref<500x64xf32, #tpu.memory_space<vmem>>
      %dma_start3A_144 = arith.constant 0 : i32
      %dma_start3A_145 = tpu.memref_slice %arg5[%select_n3A_62, %dma_start3A_138, %arg0, %dma_start3A_144] : memref<2x4x3x500xi32, #tpu.memory_space<vmem>> -> memref<1x1x1x500xi32, #tpu.memory_space<vmem>>
      %dma_start3A_146 = tpu.memref_squeeze %dma_start3A_145 : memref<1x1x1x500xi32, #tpu.memory_space<vmem>> -> memref<500xi32, #tpu.memory_space<vmem>>
      %dma_start3A_147 = arith.constant 0 : i32
      %dma_start3A_148 = arith.constant 0 : i32
      %dma_start3A_149 = tpu.memref_slice %arg2[%dma_start3A_147, %dma_start3A_148] : memref<20000x64xf32, #tpu.memory_space<hbm>> -> memref<20000x64xf32, #tpu.memory_space<hbm>>
      tpu.enqueue_indirect_dma source(%dma_start3A_149 : memref<20000x64xf32, #tpu.memory_space<hbm>>) target(%dma_start3A_143 : memref<500x64xf32, #tpu.memory_space<vmem>>) offsets(%dma_start3A_146 : memref<500xi32, #tpu.memory_space<vmem>>) semaphore(%arg9 : memref<!tpu.dma_semaphore, #tpu.memory_space<semaphore_mem>>)
      %dma_wait3A_150 = arith.constant 1 : i32
      %dma_wait3A_151 = arith.constant 1 : i32
      %dma_wait3A_152 = arith.constant 0 : i32
      %dma_wait3A_153 = arith.constant 0 : i32
      %dma_wait3A_154 = tpu.memref_slice %arg6[%dma_wait3A_151, %dma_wait3A_152, %dma_wait3A_153] : memref<2x500x64xf32, #tpu.memory_space<vmem>> -> memref<1x500x64xf32, #tpu.memory_space<vmem>>
      %dma_wait3A_155 = tpu.memref_squeeze %dma_wait3A_154 : memref<1x500x64xf32, #tpu.memory_space<vmem>> -> memref<500x64xf32, #tpu.memory_space<vmem>>
      %dma_wait3A_156 = arith.constant 0 : i32
      %dma_wait3A_157 = tpu.memref_slice %arg5[%select_n3A_62, %dma_wait3A_150, %arg0, %dma_wait3A_156] : memref<2x4x3x500xi32, #tpu.memory_space<vmem>> -> memref<1x1x1x500xi32, #tpu.memory_space<vmem>>
      %dma_wait3A_158 = tpu.memref_squeeze %dma_wait3A_157 : memref<1x1x1x500xi32, #tpu.memory_space<vmem>> -> memref<500xi32, #tpu.memory_space<vmem>>
      %dma_wait3A_159 = arith.constant 0 : i32
      %dma_wait3A_160 = arith.constant 0 : i32
      %dma_wait3A_161 = tpu.memref_slice %arg2[%dma_wait3A_159, %dma_wait3A_160] : memref<20000x64xf32, #tpu.memory_space<hbm>> -> memref<20000x64xf32, #tpu.memory_space<hbm>>
      tpu.wait_indirect_dma semaphore(%arg10 : memref<!tpu.dma_semaphore, #tpu.memory_space<semaphore_mem>>) src(%dma_wait3A_161 : memref<20000x64xf32, #tpu.memory_space<hbm>>) dst(%dma_wait3A_155 : memref<500x64xf32, #tpu.memory_space<vmem>>)
      %dma_start3A_162 = arith.constant 1 : i32
      %dma_start3A_163 = arith.constant 1 : i32
      %dma_start3A_164 = arith.constant 2 : i32
      %dma_start3A_165 = arith.constant 0 : i32
      %dma_start3A_166 = arith.constant 0 : i32
      %dma_start3A_167 = tpu.memref_slice %arg6[%dma_start3A_162, %dma_start3A_165, %dma_start3A_166] : memref<2x500x64xf32, #tpu.memory_space<vmem>> -> memref<1x500x64xf32, #tpu.memory_space<vmem>>
      %dma_start3A_168 = tpu.memref_squeeze %dma_start3A_167 : memref<1x500x64xf32, #tpu.memory_space<vmem>> -> memref<500x64xf32, #tpu.memory_space<vmem>>
      %dma_start3A_169 = arith.constant 0 : i32
      %dma_start3A_170 = tpu.memref_slice %arg5[%select_n3A_62, %dma_start3A_163, %dma_start3A_164, %dma_start3A_169] : memref<2x4x3x500xi32, #tpu.memory_space<vmem>> -> memref<1x1x1x500xi32, #tpu.memory_space<vmem>>
      %dma_start3A_171 = tpu.memref_squeeze %dma_start3A_170 : memref<1x1x1x500xi32, #tpu.memory_space<vmem>> -> memref<500xi32, #tpu.memory_space<vmem>>
      %dma_start3A_172 = arith.constant 0 : i32
      %dma_start3A_173 = arith.constant 0 : i32
      %dma_start3A_174 = tpu.memref_slice %arg8[%dma_start3A_172, %dma_start3A_173] : memref<10000x64xf32, #tpu.memory_space<vmem_shared>> -> memref<10000x64xf32, #tpu.memory_space<vmem_shared>>
      tpu.enqueue_indirect_dma source(%dma_start3A_168 : memref<500x64xf32, #tpu.memory_space<vmem>>) target(%dma_start3A_174 : memref<10000x64xf32, #tpu.memory_space<vmem_shared>>) offsets(%dma_start3A_171 : memref<500xi32, #tpu.memory_space<vmem>>) semaphore(%arg12 : memref<!tpu.dma_semaphore, #tpu.memory_space<semaphore_mem>>) {add = true}
      %dma_wait3A_175 = arith.constant 1 : i32
      %dma_wait3A_176 = arith.constant 2 : i32
      %dma_wait3A_177 = arith.constant 2 : i32
      %dma_wait3A_178 = arith.constant 0 : i32
      %dma_wait3A_179 = arith.constant 0 : i32
      %dma_wait3A_180 = tpu.memref_slice %arg6[%dma_wait3A_175, %dma_wait3A_178, %dma_wait3A_179] : memref<2x500x64xf32, #tpu.memory_space<vmem>> -> memref<1x500x64xf32, #tpu.memory_space<vmem>>
      %dma_wait3A_181 = tpu.memref_squeeze %dma_wait3A_180 : memref<1x500x64xf32, #tpu.memory_space<vmem>> -> memref<500x64xf32, #tpu.memory_space<vmem>>
      %dma_wait3A_182 = arith.constant 0 : i32
      %dma_wait3A_183 = tpu.memref_slice %arg5[%select_n3A_62, %dma_wait3A_176, %dma_wait3A_177, %dma_wait3A_182] : memref<2x4x3x500xi32, #tpu.memory_space<vmem>> -> memref<1x1x1x500xi32, #tpu.memory_space<vmem>>
      %dma_wait3A_184 = tpu.memref_squeeze %dma_wait3A_183 : memref<1x1x1x500xi32, #tpu.memory_space<vmem>> -> memref<500xi32, #tpu.memory_space<vmem>>
      %dma_wait3A_185 = arith.constant 0 : i32
      %dma_wait3A_186 = arith.constant 0 : i32
      %dma_wait3A_187 = tpu.memref_slice %arg8[%dma_wait3A_185, %dma_wait3A_186] : memref<10000x64xf32, #tpu.memory_space<vmem_shared>> -> memref<10000x64xf32, #tpu.memory_space<vmem_shared>>
      tpu.wait_indirect_dma semaphore(%arg12 : memref<!tpu.dma_semaphore, #tpu.memory_space<semaphore_mem>>) src(%dma_wait3A_181 : memref<500x64xf32, #tpu.memory_space<vmem>>) dst(%dma_wait3A_187 : memref<10000x64xf32, #tpu.memory_space<vmem_shared>>)
      %dma_start3A_188 = arith.constant 3 : i32
      %dma_start3A_189 = arith.constant 1 : i32
      %dma_start3A_190 = arith.constant 0 : i32
      %dma_start3A_191 = arith.constant 0 : i32
      %dma_start3A_192 = tpu.memref_slice %arg6[%dma_start3A_189, %dma_start3A_190, %dma_start3A_191] : memref<2x500x64xf32, #tpu.memory_space<vmem>> -> memref<1x500x64xf32, #tpu.memory_space<vmem>>
      %dma_start3A_193 = tpu.memref_squeeze %dma_start3A_192 : memref<1x500x64xf32, #tpu.memory_space<vmem>> -> memref<500x64xf32, #tpu.memory_space<vmem>>
      %dma_start3A_194 = arith.constant 0 : i32
      %dma_start3A_195 = tpu.memref_slice %arg5[%select_n3A_62, %dma_start3A_188, %arg0, %dma_start3A_194] : memref<2x4x3x500xi32, #tpu.memory_space<vmem>> -> memref<1x1x1x500xi32, #tpu.memory_space<vmem>>
      %dma_start3A_196 = tpu.memref_squeeze %dma_start3A_195 : memref<1x1x1x500xi32, #tpu.memory_space<vmem>> -> memref<500xi32, #tpu.memory_space<vmem>>
      %dma_start3A_197 = arith.constant 0 : i32
      %dma_start3A_198 = arith.constant 0 : i32
      %dma_start3A_199 = tpu.memref_slice %arg2[%dma_start3A_197, %dma_start3A_198] : memref<20000x64xf32, #tpu.memory_space<hbm>> -> memref<20000x64xf32, #tpu.memory_space<hbm>>
      tpu.enqueue_indirect_dma source(%dma_start3A_199 : memref<20000x64xf32, #tpu.memory_space<hbm>>) target(%dma_start3A_193 : memref<500x64xf32, #tpu.memory_space<vmem>>) offsets(%dma_start3A_196 : memref<500xi32, #tpu.memory_space<vmem>>) semaphore(%arg10 : memref<!tpu.dma_semaphore, #tpu.memory_space<semaphore_mem>>)
      %dma_wait3A_200 = arith.constant 2 : i32
      %dma_wait3A_201 = arith.constant 0 : i32
      %dma_wait3A_202 = arith.constant 0 : i32
      %dma_wait3A_203 = arith.constant 0 : i32
      %dma_wait3A_204 = tpu.memref_slice %arg6[%dma_wait3A_201, %dma_wait3A_202, %dma_wait3A_203] : memref<2x500x64xf32, #tpu.memory_space<vmem>> -> memref<1x500x64xf32, #tpu.memory_space<vmem>>
      %dma_wait3A_205 = tpu.memref_squeeze %dma_wait3A_204 : memref<1x500x64xf32, #tpu.memory_space<vmem>> -> memref<500x64xf32, #tpu.memory_space<vmem>>
      %dma_wait3A_206 = arith.constant 0 : i32
      %dma_wait3A_207 = tpu.memref_slice %arg5[%select_n3A_62, %dma_wait3A_200, %arg0, %dma_wait3A_206] : memref<2x4x3x500xi32, #tpu.memory_space<vmem>> -> memref<1x1x1x500xi32, #tpu.memory_space<vmem>>
      %dma_wait3A_208 = tpu.memref_squeeze %dma_wait3A_207 : memref<1x1x1x500xi32, #tpu.memory_space<vmem>> -> memref<500xi32, #tpu.memory_space<vmem>>
      %dma_wait3A_209 = arith.constant 0 : i32
      %dma_wait3A_210 = arith.constant 0 : i32
      %dma_wait3A_211 = tpu.memref_slice %arg2[%dma_wait3A_209, %dma_wait3A_210] : memref<20000x64xf32, #tpu.memory_space<hbm>> -> memref<20000x64xf32, #tpu.memory_space<hbm>>
      tpu.wait_indirect_dma semaphore(%arg9 : memref<!tpu.dma_semaphore, #tpu.memory_space<semaphore_mem>>) src(%dma_wait3A_211 : memref<20000x64xf32, #tpu.memory_space<hbm>>) dst(%dma_wait3A_205 : memref<500x64xf32, #tpu.memory_space<vmem>>)
      %dma_start3A_212 = arith.constant 0 : i32
      %dma_start3A_213 = arith.constant 2 : i32
      %dma_start3A_214 = arith.constant 2 : i32
      %dma_start3A_215 = arith.constant 0 : i32
      %dma_start3A_216 = arith.constant 0 : i32
      %dma_start3A_217 = tpu.memref_slice %arg6[%dma_start3A_212, %dma_start3A_215, %dma_start3A_216] : memref<2x500x64xf32, #tpu.memory_space<vmem>> -> memref<1x500x64xf32, #tpu.memory_space<vmem>>
      %dma_start3A_218 = tpu.memref_squeeze %dma_start3A_217 : memref<1x500x64xf32, #tpu.memory_space<vmem>> -> memref<500x64xf32, #tpu.memory_space<vmem>>
      %dma_start3A_219 = arith.constant 0 : i32
      %dma_start3A_220 = tpu.memref_slice %arg5[%select_n3A_62, %dma_start3A_213, %dma_start3A_214, %dma_start3A_219] : memref<2x4x3x500xi32, #tpu.memory_space<vmem>> -> memref<1x1x1x500xi32, #tpu.memory_space<vmem>>
      %dma_start3A_221 = tpu.memref_squeeze %dma_start3A_220 : memref<1x1x1x500xi32, #tpu.memory_space<vmem>> -> memref<500xi32, #tpu.memory_space<vmem>>
      %dma_start3A_222 = arith.constant 0 : i32
      %dma_start3A_223 = arith.constant 0 : i32
      %dma_start3A_224 = tpu.memref_slice %arg8[%dma_start3A_222, %dma_start3A_223] : memref<10000x64xf32, #tpu.memory_space<vmem_shared>> -> memref<10000x64xf32, #tpu.memory_space<vmem_shared>>
      tpu.enqueue_indirect_dma source(%dma_start3A_218 : memref<500x64xf32, #tpu.memory_space<vmem>>) target(%dma_start3A_224 : memref<10000x64xf32, #tpu.memory_space<vmem_shared>>) offsets(%dma_start3A_221 : memref<500xi32, #tpu.memory_space<vmem>>) semaphore(%arg11 : memref<!tpu.dma_semaphore, #tpu.memory_space<semaphore_mem>>) {add = true}
      %dma_wait3A_225 = arith.constant 0 : i32
      %dma_wait3A_226 = arith.constant 3 : i32
      %dma_wait3A_227 = arith.constant 2 : i32
      %dma_wait3A_228 = arith.constant 0 : i32
      %dma_wait3A_229 = arith.constant 0 : i32
      %dma_wait3A_230 = tpu.memref_slice %arg6[%dma_wait3A_225, %dma_wait3A_228, %dma_wait3A_229] : memref<2x500x64xf32, #tpu.memory_space<vmem>> -> memref<1x500x64xf32, #tpu.memory_space<vmem>>
      %dma_wait3A_231 = tpu.memref_squeeze %dma_wait3A_230 : memref<1x500x64xf32, #tpu.memory_space<vmem>> -> memref<500x64xf32, #tpu.memory_space<vmem>>
      %dma_wait3A_232 = arith.constant 0 : i32
      %dma_wait3A_233 = tpu.memref_slice %arg5[%select_n3A_62, %dma_wait3A_226, %dma_wait3A_227, %dma_wait3A_232] : memref<2x4x3x500xi32, #tpu.memory_space<vmem>> -> memref<1x1x1x500xi32, #tpu.memory_space<vmem>>
      %dma_wait3A_234 = tpu.memref_squeeze %dma_wait3A_233 : memref<1x1x1x500xi32, #tpu.memory_space<vmem>> -> memref<500xi32, #tpu.memory_space<vmem>>
      %dma_wait3A_235 = arith.constant 0 : i32
      %dma_wait3A_236 = arith.constant 0 : i32
      %dma_wait3A_237 = tpu.memref_slice %arg8[%dma_wait3A_235, %dma_wait3A_236] : memref<10000x64xf32, #tpu.memory_space<vmem_shared>> -> memref<10000x64xf32, #tpu.memory_space<vmem_shared>>
      tpu.wait_indirect_dma semaphore(%arg11 : memref<!tpu.dma_semaphore, #tpu.memory_space<semaphore_mem>>) src(%dma_wait3A_231 : memref<500x64xf32, #tpu.memory_space<vmem>>) dst(%dma_wait3A_237 : memref<10000x64xf32, #tpu.memory_space<vmem_shared>>)
      %lt3A_238 = arith.constant 9 : i32
      %lt3A_239 = arith.cmpi slt, %scan3A_52, %lt3A_238 : i32
      %convert_element_type3A_240 = arith.extui %lt3A_239 : i1 to i32
      %cond3A_241 = arith.constant 0 : i32
      %cond3A_242 = arith.cmpi ne, %convert_element_type3A_240, %cond3A_241 : i32
      scf.if %cond3A_242 {
        %add3A_269 = arith.constant 1 : i32
        %add3A_270 = arith.addi %scan3A_52, %add3A_269 : i32
        %mul3A_271 = arith.constant 4 : i32
        %mul3A_272 = arith.muli %add3A_270, %mul3A_271 : i32
        %dma_wait3A_273 = arith.constant 0 : i32
        %dma_wait3A_274 = arith.constant 0 : i32
        %dma_wait3A_275 = arith.constant 0 : i32
        %dma_wait3A_276 = tpu.memref_slice %arg5[%select_n3A_80, %dma_wait3A_273, %dma_wait3A_274, %dma_wait3A_275] : memref<2x4x3x500xi32, #tpu.memory_space<vmem>> -> memref<1x4x3x500xi32, #tpu.memory_space<vmem>>
        %dma_wait3A_277 = tpu.memref_squeeze %dma_wait3A_276 : memref<1x4x3x500xi32, #tpu.memory_space<vmem>> -> memref<4x3x500xi32, #tpu.memory_space<vmem>>
        %dma_wait3A_278 = arith.constant 0 : i32
        %dma_wait3A_279 = arith.constant 0 : i32
        %dma_wait3A_280 = tpu.memref_slice %arg3[%arg1, %mul3A_272, %dma_wait3A_278, %dma_wait3A_279] : memref<16x40x3x500xi32, #tpu.memory_space<hbm>> -> memref<1x4x3x500xi32, #tpu.memory_space<hbm>>
        %dma_wait3A_281 = tpu.memref_squeeze %dma_wait3A_280 : memref<1x4x3x500xi32, #tpu.memory_space<hbm>> -> memref<4x3x500xi32, #tpu.memory_space<hbm>>
        %dma_wait3A_282 = arith.constant 0 : i32
        %dma_wait3A_283 = arith.constant 0 : i32
        %dma_wait3A_284 = arith.constant 0 : i32
        %dma_wait3A_285 = tpu.memref_slice %arg5[%select_n3A_80, %dma_wait3A_282, %dma_wait3A_283, %dma_wait3A_284] : memref<2x4x3x500xi32, #tpu.memory_space<vmem>> -> memref<1x4x3x500xi32, #tpu.memory_space<vmem>>
        %dma_wait3A_286 = tpu.memref_squeeze %dma_wait3A_285 : memref<1x4x3x500xi32, #tpu.memory_space<vmem>> -> memref<4x3x500xi32, #tpu.memory_space<vmem>>
        %dma_wait3A_287 = arith.constant 0 : i32
        %dma_wait3A_288 = arith.constant 0 : i32
        %dma_wait3A_289 = tpu.memref_slice %arg3[%arg1, %mul3A_272, %dma_wait3A_287, %dma_wait3A_288] : memref<16x40x3x500xi32, #tpu.memory_space<hbm>> -> memref<1x4x3x500xi32, #tpu.memory_space<hbm>>
        %dma_wait3A_290 = tpu.memref_squeeze %dma_wait3A_289 : memref<1x4x3x500xi32, #tpu.memory_space<hbm>> -> memref<4x3x500xi32, #tpu.memory_space<hbm>>
        tpu.wait_dma2 semaphore(%arg13 : memref<!tpu.dma_semaphore, #tpu.memory_space<semaphore_mem>>) src(%dma_wait3A_290 : memref<4x3x500xi32, #tpu.memory_space<hbm>>) dst(%dma_wait3A_286 : memref<4x3x500xi32, #tpu.memory_space<vmem>>)
        %dma_start3A_291 = arith.constant 0 : i32
        %dma_start3A_292 = arith.constant 0 : i32
        %dma_start3A_293 = arith.constant 0 : i32
        %dma_start3A_294 = arith.constant 0 : i32
        %dma_start3A_295 = tpu.memref_slice %arg6[%dma_start3A_292, %dma_start3A_293, %dma_start3A_294] : memref<2x500x64xf32, #tpu.memory_space<vmem>> -> memref<1x500x64xf32, #tpu.memory_space<vmem>>
        %dma_start3A_296 = tpu.memref_squeeze %dma_start3A_295 : memref<1x500x64xf32, #tpu.memory_space<vmem>> -> memref<500x64xf32, #tpu.memory_space<vmem>>
        %dma_start3A_297 = arith.constant 0 : i32
        %dma_start3A_298 = tpu.memref_slice %arg5[%select_n3A_80, %dma_start3A_291, %arg0, %dma_start3A_297] : memref<2x4x3x500xi32, #tpu.memory_space<vmem>> -> memref<1x1x1x500xi32, #tpu.memory_space<vmem>>
        %dma_start3A_299 = tpu.memref_squeeze %dma_start3A_298 : memref<1x1x1x500xi32, #tpu.memory_space<vmem>> -> memref<500xi32, #tpu.memory_space<vmem>>
        %dma_start3A_300 = arith.constant 0 : i32
        %dma_start3A_301 = arith.constant 0 : i32
        %dma_start3A_302 = tpu.memref_slice %arg2[%dma_start3A_300, %dma_start3A_301] : memref<20000x64xf32, #tpu.memory_space<hbm>> -> memref<20000x64xf32, #tpu.memory_space<hbm>>
        tpu.enqueue_indirect_dma source(%dma_start3A_302 : memref<20000x64xf32, #tpu.memory_space<hbm>>) target(%dma_start3A_296 : memref<500x64xf32, #tpu.memory_space<vmem>>) offsets(%dma_start3A_299 : memref<500xi32, #tpu.memory_space<vmem>>) semaphore(%arg9 : memref<!tpu.dma_semaphore, #tpu.memory_space<semaphore_mem>>)
      } else {
      }
      %dma_wait3A_243 = arith.constant 3 : i32
      %dma_wait3A_244 = arith.constant 1 : i32
      %dma_wait3A_245 = arith.constant 0 : i32
      %dma_wait3A_246 = arith.constant 0 : i32
      %dma_wait3A_247 = tpu.memref_slice %arg6[%dma_wait3A_244, %dma_wait3A_245, %dma_wait3A_246] : memref<2x500x64xf32, #tpu.memory_space<vmem>> -> memref<1x500x64xf32, #tpu.memory_space<vmem>>
      %dma_wait3A_248 = tpu.memref_squeeze %dma_wait3A_247 : memref<1x500x64xf32, #tpu.memory_space<vmem>> -> memref<500x64xf32, #tpu.memory_space<vmem>>
      %dma_wait3A_249 = arith.constant 0 : i32
      %dma_wait3A_250 = tpu.memref_slice %arg5[%select_n3A_62, %dma_wait3A_243, %arg0, %dma_wait3A_249] : memref<2x4x3x500xi32, #tpu.memory_space<vmem>> -> memref<1x1x1x500xi32, #tpu.memory_space<vmem>>
      %dma_wait3A_251 = tpu.memref_squeeze %dma_wait3A_250 : memref<1x1x1x500xi32, #tpu.memory_space<vmem>> -> memref<500xi32, #tpu.memory_space<vmem>>
      %dma_wait3A_252 = arith.constant 0 : i32
      %dma_wait3A_253 = arith.constant 0 : i32
      %dma_wait3A_254 = tpu.memref_slice %arg2[%dma_wait3A_252, %dma_wait3A_253] : memref<20000x64xf32, #tpu.memory_space<hbm>> -> memref<20000x64xf32, #tpu.memory_space<hbm>>
      tpu.wait_indirect_dma semaphore(%arg10 : memref<!tpu.dma_semaphore, #tpu.memory_space<semaphore_mem>>) src(%dma_wait3A_254 : memref<20000x64xf32, #tpu.memory_space<hbm>>) dst(%dma_wait3A_248 : memref<500x64xf32, #tpu.memory_space<vmem>>)
      %dma_start3A_255 = arith.constant 1 : i32
      %dma_start3A_256 = arith.constant 3 : i32
      %dma_start3A_257 = arith.constant 2 : i32
      %dma_start3A_258 = arith.constant 0 : i32
      %dma_start3A_259 = arith.constant 0 : i32
      %dma_start3A_260 = tpu.memref_slice %arg6[%dma_start3A_255, %dma_start3A_258, %dma_start3A_259] : memref<2x500x64xf32, #tpu.memory_space<vmem>> -> memref<1x500x64xf32, #tpu.memory_space<vmem>>
      %dma_start3A_261 = tpu.memref_squeeze %dma_start3A_260 : memref<1x500x64xf32, #tpu.memory_space<vmem>> -> memref<500x64xf32, #tpu.memory_space<vmem>>
      %dma_start3A_262 = arith.constant 0 : i32
      %dma_start3A_263 = tpu.memref_slice %arg5[%select_n3A_62, %dma_start3A_256, %dma_start3A_257, %dma_start3A_262] : memref<2x4x3x500xi32, #tpu.memory_space<vmem>> -> memref<1x1x1x500xi32, #tpu.memory_space<vmem>>
      %dma_start3A_264 = tpu.memref_squeeze %dma_start3A_263 : memref<1x1x1x500xi32, #tpu.memory_space<vmem>> -> memref<500xi32, #tpu.memory_space<vmem>>
      %dma_start3A_265 = arith.constant 0 : i32
      %dma_start3A_266 = arith.constant 0 : i32
      %dma_start3A_267 = tpu.memref_slice %arg8[%dma_start3A_265, %dma_start3A_266] : memref<10000x64xf32, #tpu.memory_space<vmem_shared>> -> memref<10000x64xf32, #tpu.memory_space<vmem_shared>>
      tpu.enqueue_indirect_dma source(%dma_start3A_261 : memref<500x64xf32, #tpu.memory_space<vmem>>) target(%dma_start3A_267 : memref<10000x64xf32, #tpu.memory_space<vmem_shared>>) offsets(%dma_start3A_264 : memref<500xi32, #tpu.memory_space<vmem>>) semaphore(%arg12 : memref<!tpu.dma_semaphore, #tpu.memory_space<semaphore_mem>>) {add = true}
      %scan3A_268 = arith.constant 0 : i32
      scf.yield %scan3A_268 : i32
    }
    %scan3A_32 = arith.constant 10 : i32
    %dma_wait3A = arith.constant 1 : i32
    %dma_wait3A_33 = arith.constant 1 : i32
    %dma_wait3A_34 = arith.constant 3 : i32
    %dma_wait3A_35 = arith.constant 2 : i32
    %dma_wait3A_36 = arith.constant 0 : i32
    %dma_wait3A_37 = arith.constant 0 : i32
    %dma_wait3A_38 = tpu.memref_slice %arg6[%dma_wait3A, %dma_wait3A_36, %dma_wait3A_37] : memref<2x500x64xf32, #tpu.memory_space<vmem>> -> memref<1x500x64xf32, #tpu.memory_space<vmem>>
    %dma_wait3A_39 = tpu.memref_squeeze %dma_wait3A_38 : memref<1x500x64xf32, #tpu.memory_space<vmem>> -> memref<500x64xf32, #tpu.memory_space<vmem>>
    %dma_wait3A_40 = arith.constant 0 : i32
    %dma_wait3A_41 = tpu.memref_slice %arg5[%dma_wait3A_33, %dma_wait3A_34, %dma_wait3A_35, %dma_wait3A_40] : memref<2x4x3x500xi32, #tpu.memory_space<vmem>> -> memref<1x1x1x500xi32, #tpu.memory_space<vmem>>
    %dma_wait3A_42 = tpu.memref_squeeze %dma_wait3A_41 : memref<1x1x1x500xi32, #tpu.memory_space<vmem>> -> memref<500xi32, #tpu.memory_space<vmem>>
    %dma_wait3A_43 = arith.constant 0 : i32
    %dma_wait3A_44 = arith.constant 0 : i32
    %dma_wait3A_45 = tpu.memref_slice %arg8[%dma_wait3A_43, %dma_wait3A_44] : memref<10000x64xf32, #tpu.memory_space<vmem_shared>> -> memref<10000x64xf32, #tpu.memory_space<vmem_shared>>
    tpu.wait_indirect_dma semaphore(%arg12 : memref<!tpu.dma_semaphore, #tpu.memory_space<semaphore_mem>>) src(%dma_wait3A_39 : memref<500x64xf32, #tpu.memory_space<vmem>>) dst(%dma_wait3A_45 : memref<10000x64xf32, #tpu.memory_space<vmem_shared>>)
    %barrier3A_46 = arith.constant 0 : index
    tpu.barrier barrier_id(%barrier3A_46)
    %mul3A = arith.constant 625 : i32
    %mul3A_47 = arith.muli %arg1, %mul3A : i32
    %mul3A_48 = arith.constant 10000 : i32
    %mul3A_49 = arith.muli %arg0, %mul3A_48 : i32
    %mul3A_50 = arith.constant 625 : i32
    %mul3A_51 = arith.muli %arg1, %mul3A_50 : i32
    %add3A = arith.addi %mul3A_49, %mul3A_51 : i32
    "tpu.region"() ({
      %run_scoped3A_52 = tpu.sem_alloc : memref<!tpu.dma_semaphore, #tpu.memory_space<semaphore_mem>>
      %dma_start3A_53 = arith.constant 0 : i32
      %dma_start3A_54 = tpu.memref_slice %arg4[%add3A, %dma_start3A_53] : memref<20000x64xf32, #tpu.memory_space<hbm>> -> memref<625x64xf32, #tpu.memory_space<hbm>>
      %dma_start3A_55 = arith.constant 0 : i32
      %dma_start3A_56 = tpu.memref_slice %arg8[%mul3A_47, %dma_start3A_55] : memref<10000x64xf32, #tpu.memory_space<vmem_shared>> -> memref<625x64xf32, #tpu.memory_space<vmem_shared>>
      tpu.enqueue_dma source(%dma_start3A_56 : memref<625x64xf32, #tpu.memory_space<vmem_shared>>) target(%dma_start3A_54 : memref<625x64xf32, #tpu.memory_space<hbm>>) target_semaphore(%run_scoped3A_52 : memref<!tpu.dma_semaphore, #tpu.memory_space<semaphore_mem>>)
      %dma_wait3A_57 = arith.constant 0 : i32
      %dma_wait3A_58 = tpu.memref_slice %arg4[%add3A, %dma_wait3A_57] : memref<20000x64xf32, #tpu.memory_space<hbm>> -> memref<625x64xf32, #tpu.memory_space<hbm>>
      %dma_wait3A_59 = arith.constant 0 : i32
      %dma_wait3A_60 = tpu.memref_slice %arg8[%mul3A_47, %dma_wait3A_59] : memref<10000x64xf32, #tpu.memory_space<vmem_shared>> -> memref<625x64xf32, #tpu.memory_space<vmem_shared>>
      tpu.wait_dma2 semaphore(%run_scoped3A_52 : memref<!tpu.dma_semaphore, #tpu.memory_space<semaphore_mem>>) src(%dma_wait3A_60 : memref<625x64xf32, #tpu.memory_space<vmem_shared>>) dst(%dma_wait3A_58 : memref<625x64xf32, #tpu.memory_space<hbm>>)
      tpu.yield
    }) : () -> ()
    return
  }
}

#map = affine_map<(d0, d1) -> (0, 0)>
#map1 = affine_map<(d0, d1) -> (0, 0, 0, 0)>
module attributes {stable_mosaic.version = 14 : i64} {
  func.func @_sc_agg_body(%arg0: i32, %arg1: i32, %arg2: memref<20000x64xf32, #tpu.memory_space<hbm>>, %arg3: memref<16x40x3x500xi32, #tpu.memory_space<hbm>>, %arg4: memref<20000x64xf32, #tpu.memory_space<hbm>>, %arg5: memref<2x4x3x500xi32, #tpu.memory_space<vmem>>, %arg6: memref<2x500x64xf32, #tpu.memory_space<vmem>>, %arg7: memref<125x64xf32, #tpu.memory_space<vmem>>, %arg8: memref<10000x64xf32, #tpu.memory_space<vmem_shared>>, %arg9: memref<!tpu.dma_semaphore, #tpu.memory_space<semaphore_mem>>, %arg10: memref<!tpu.dma_semaphore, #tpu.memory_space<semaphore_mem>>, %arg11: memref<!tpu.dma_semaphore, #tpu.memory_space<semaphore_mem>>, %arg12: memref<!tpu.dma_semaphore, #tpu.memory_space<semaphore_mem>>, %arg13: memref<!tpu.dma_semaphore, #tpu.memory_space<semaphore_mem>>) attributes {dimension_semantics = [#tpu.dimension_semantics<core_parallel>, #tpu.dimension_semantics<subcore_parallel>], iteration_bounds = array<i64: 2, 16>, scalar_prefetch = 0 : i64, scratch_operands = 9 : i64, tpu.core_type = #tpu.core_type<sc_vector_subcore>, window_params = [{transform_indices = #map}, {transform_indices = #map1}, {transform_indices = #map}]} {
    %broadcast_in_dim3A = arith.constant 0.000000e+00 : f32
    %broadcast_in_dim3A_0 = vector.broadcast %broadcast_in_dim3A : f32 to vector<16xf32>
    %scan3A = arith.constant 0 : i32
    %scan3A_1 = arith.constant 0 : i32
    %scan3A_2 = arith.constant 125 : i32
    %scan3A_3 = arith.addi %scan3A_1, %scan3A_2 : i32
    %scan3A_4 = arith.constant 1 : i32
    %scan3A_5 = scf.for %scan3A_52 = %scan3A_1 to %scan3A_3 step %scan3A_4 iter_args(%scan3A_53 = %scan3A) -> (i32)  : i32 {
      %swap3A = arith.index_cast %scan3A_52 : i32 to index
      %swap3A_54 = arith.constant 0 : index
      %swap3A_55 = tpu.vector_load %arg7[%swap3A, %swap3A_54] {strides = array<i32>} : memref<125x64xf32, #tpu.memory_space<vmem>>, vector<1x16xf32>,
      %swap3A_56 = vector.shape_cast %swap3A_55 : vector<1x16xf32> to vector<16xf32>
      %swap3A_57 = vector.shape_cast %broadcast_in_dim3A_0 : vector<16xf32> to vector<1x16xf32>
      tpu.vector_store %arg7[%swap3A, %swap3A_54], %swap3A_57 {strides = array<i32>} : memref<125x64xf32, #tpu.memory_space<vmem>>, vector<1x16xf32>,
      %swap3A_58 = arith.index_cast %scan3A_52 : i32 to index
      %swap3A_59 = arith.constant 16 : index
      %swap3A_60 = tpu.vector_load %arg7[%swap3A_58, %swap3A_59] {strides = array<i32>} : memref<125x64xf32, #tpu.memory_space<vmem>>, vector<1x16xf32>,
      %swap3A_61 = vector.shape_cast %swap3A_60 : vector<1x16xf32> to vector<16xf32>
      %swap3A_62 = vector.shape_cast %broadcast_in_dim3A_0 : vector<16xf32> to vector<1x16xf32>
      tpu.vector_store %arg7[%swap3A_58, %swap3A_59], %swap3A_62 {strides = array<i32>} : memref<125x64xf32, #tpu.memory_space<vmem>>, vector<1x16xf32>,
      %swap3A_63 = arith.index_cast %scan3A_52 : i32 to index
      %swap3A_64 = arith.constant 32 : index
      %swap3A_65 = tpu.vector_load %arg7[%swap3A_63, %swap3A_64] {strides = array<i32>} : memref<125x64xf32, #tpu.memory_space<vmem>>, vector<1x16xf32>,
      %swap3A_66 = vector.shape_cast %swap3A_65 : vector<1x16xf32> to vector<16xf32>
      %swap3A_67 = vector.shape_cast %broadcast_in_dim3A_0 : vector<16xf32> to vector<1x16xf32>
      tpu.vector_store %arg7[%swap3A_63, %swap3A_64], %swap3A_67 {strides = array<i32>} : memref<125x64xf32, #tpu.memory_space<vmem>>, vector<1x16xf32>,
      %swap3A_68 = arith.index_cast %scan3A_52 : i32 to index
      %swap3A_69 = arith.constant 48 : index
      %swap3A_70 = tpu.vector_load %arg7[%swap3A_68, %swap3A_69] {strides = array<i32>} : memref<125x64xf32, #tpu.memory_space<vmem>>, vector<1x16xf32>,
      %swap3A_71 = vector.shape_cast %swap3A_70 : vector<1x16xf32> to vector<16xf32>
      %swap3A_72 = vector.shape_cast %broadcast_in_dim3A_0 : vector<16xf32> to vector<1x16xf32>
      tpu.vector_store %arg7[%swap3A_68, %swap3A_69], %swap3A_72 {strides = array<i32>} : memref<125x64xf32, #tpu.memory_space<vmem>>, vector<1x16xf32>,
      %scan3A_73 = arith.constant 0 : i32
      scf.yield %scan3A_73 : i32
    }
    %scan3A_6 = arith.constant 125 : i32
    %run_scoped3A = arith.constant 0 : i32
    "tpu.region"() ({
      %run_scoped3A_52 = tpu.sem_alloc : memref<!tpu.dma_semaphore, #tpu.memory_space<semaphore_mem>>
      %dma_start3A_53 = arith.constant 0 : i32
      %dma_start3A_54 = arith.constant 0 : i32
      %dma_start3A_55 = arith.constant 0 : i32
      %dma_start3A_56 = tpu.memref_slice %arg5[%run_scoped3A, %dma_start3A_53, %dma_start3A_54, %dma_start3A_55] : memref<2x4x3x500xi32, #tpu.memory_space<vmem>> -> memref<1x4x3x500xi32, #tpu.memory_space<vmem>>
      %dma_start3A_57 = tpu.memref_squeeze %dma_start3A_56 : memref<1x4x3x500xi32, #tpu.memory_space<vmem>> -> memref<4x3x500xi32, #tpu.memory_space<vmem>>
      %dma_start3A_58 = arith.constant 0 : i32
      %dma_start3A_59 = arith.constant 0 : i32
      %dma_start3A_60 = arith.constant 0 : i32
      %dma_start3A_61 = tpu.memref_slice %arg3[%arg1, %dma_start3A_58, %dma_start3A_59, %dma_start3A_60] : memref<16x40x3x500xi32, #tpu.memory_space<hbm>> -> memref<1x4x3x500xi32, #tpu.memory_space<hbm>>
      %dma_start3A_62 = tpu.memref_squeeze %dma_start3A_61 : memref<1x4x3x500xi32, #tpu.memory_space<hbm>> -> memref<4x3x500xi32, #tpu.memory_space<hbm>>
      %dma_start3A_63 = arith.constant 0 : i32
      %dma_start3A_64 = arith.constant 0 : i32
      %dma_start3A_65 = arith.constant 0 : i32
      %dma_start3A_66 = tpu.memref_slice %arg5[%run_scoped3A, %dma_start3A_63, %dma_start3A_64, %dma_start3A_65] : memref<2x4x3x500xi32, #tpu.memory_space<vmem>> -> memref<1x4x3x500xi32, #tpu.memory_space<vmem>>
      %dma_start3A_67 = tpu.memref_squeeze %dma_start3A_66 : memref<1x4x3x500xi32, #tpu.memory_space<vmem>> -> memref<4x3x500xi32, #tpu.memory_space<vmem>>
      %dma_start3A_68 = arith.constant 0 : i32
      %dma_start3A_69 = arith.constant 0 : i32
      %dma_start3A_70 = arith.constant 0 : i32
      %dma_start3A_71 = tpu.memref_slice %arg3[%arg1, %dma_start3A_68, %dma_start3A_69, %dma_start3A_70] : memref<16x40x3x500xi32, #tpu.memory_space<hbm>> -> memref<1x4x3x500xi32, #tpu.memory_space<hbm>>
      %dma_start3A_72 = tpu.memref_squeeze %dma_start3A_71 : memref<1x4x3x500xi32, #tpu.memory_space<hbm>> -> memref<4x3x500xi32, #tpu.memory_space<hbm>>
      tpu.enqueue_dma source(%dma_start3A_72 : memref<4x3x500xi32, #tpu.memory_space<hbm>>) target(%dma_start3A_67 : memref<4x3x500xi32, #tpu.memory_space<vmem>>) target_semaphore(%run_scoped3A_52 : memref<!tpu.dma_semaphore, #tpu.memory_space<semaphore_mem>>)
      %dma_wait3A_73 = arith.constant 0 : i32
      %dma_wait3A_74 = arith.constant 0 : i32
      %dma_wait3A_75 = arith.constant 0 : i32
      %dma_wait3A_76 = tpu.memref_slice %arg5[%run_scoped3A, %dma_wait3A_73, %dma_wait3A_74, %dma_wait3A_75] : memref<2x4x3x500xi32, #tpu.memory_space<vmem>> -> memref<1x4x3x500xi32, #tpu.memory_space<vmem>>
      %dma_wait3A_77 = tpu.memref_squeeze %dma_wait3A_76 : memref<1x4x3x500xi32, #tpu.memory_space<vmem>> -> memref<4x3x500xi32, #tpu.memory_space<vmem>>
      %dma_wait3A_78 = arith.constant 0 : i32
      %dma_wait3A_79 = arith.constant 0 : i32
      %dma_wait3A_80 = arith.constant 0 : i32
      %dma_wait3A_81 = tpu.memref_slice %arg3[%arg1, %dma_wait3A_78, %dma_wait3A_79, %dma_wait3A_80] : memref<16x40x3x500xi32, #tpu.memory_space<hbm>> -> memref<1x4x3x500xi32, #tpu.memory_space<hbm>>
      %dma_wait3A_82 = tpu.memref_squeeze %dma_wait3A_81 : memref<1x4x3x500xi32, #tpu.memory_space<hbm>> -> memref<4x3x500xi32, #tpu.memory_space<hbm>>
      %dma_wait3A_83 = arith.constant 0 : i32
      %dma_wait3A_84 = arith.constant 0 : i32
      %dma_wait3A_85 = arith.constant 0 : i32
      %dma_wait3A_86 = tpu.memref_slice %arg5[%run_scoped3A, %dma_wait3A_83, %dma_wait3A_84, %dma_wait3A_85] : memref<2x4x3x500xi32, #tpu.memory_space<vmem>> -> memref<1x4x3x500xi32, #tpu.memory_space<vmem>>
      %dma_wait3A_87 = tpu.memref_squeeze %dma_wait3A_86 : memref<1x4x3x500xi32, #tpu.memory_space<vmem>> -> memref<4x3x500xi32, #tpu.memory_space<vmem>>
      %dma_wait3A_88 = arith.constant 0 : i32
      %dma_wait3A_89 = arith.constant 0 : i32
      %dma_wait3A_90 = arith.constant 0 : i32
      %dma_wait3A_91 = tpu.memref_slice %arg3[%arg1, %dma_wait3A_88, %dma_wait3A_89, %dma_wait3A_90] : memref<16x40x3x500xi32, #tpu.memory_space<hbm>> -> memref<1x4x3x500xi32, #tpu.memory_space<hbm>>
      %dma_wait3A_92 = tpu.memref_squeeze %dma_wait3A_91 : memref<1x4x3x500xi32, #tpu.memory_space<hbm>> -> memref<4x3x500xi32, #tpu.memory_space<hbm>>
      tpu.wait_dma2 semaphore(%run_scoped3A_52 : memref<!tpu.dma_semaphore, #tpu.memory_space<semaphore_mem>>) src(%dma_wait3A_92 : memref<4x3x500xi32, #tpu.memory_space<hbm>>) dst(%dma_wait3A_87 : memref<4x3x500xi32, #tpu.memory_space<vmem>>)
      tpu.yield
    }) : () -> ()
    %dma_start3A = arith.constant 0 : i32
    %dma_start3A_7 = arith.constant 0 : i32
    %dma_start3A_8 = arith.constant 0 : i32
    %dma_start3A_9 = arith.constant 0 : i32
    %dma_start3A_10 = arith.constant 0 : i32
    %dma_start3A_11 = tpu.memref_slice %arg6[%dma_start3A_8, %dma_start3A_9, %dma_start3A_10] : memref<2x500x64xf32, #tpu.memory_space<vmem>> -> memref<1x500x64xf32, #tpu.memory_space<vmem>>
    %dma_start3A_12 = tpu.memref_squeeze %dma_start3A_11 : memref<1x500x64xf32, #tpu.memory_space<vmem>> -> memref<500x64xf32, #tpu.memory_space<vmem>>
    %dma_start3A_13 = arith.constant 0 : i32
    %dma_start3A_14 = tpu.memref_slice %arg5[%dma_start3A, %dma_start3A_7, %arg0, %dma_start3A_13] : memref<2x4x3x500xi32, #tpu.memory_space<vmem>> -> memref<1x1x1x500xi32, #tpu.memory_space<vmem>>
    %dma_start3A_15 = tpu.memref_squeeze %dma_start3A_14 : memref<1x1x1x500xi32, #tpu.memory_space<vmem>> -> memref<500xi32, #tpu.memory_space<vmem>>
    %dma_start3A_16 = arith.constant 0 : i32
    %dma_start3A_17 = arith.constant 0 : i32
    %dma_start3A_18 = tpu.memref_slice %arg2[%dma_start3A_16, %dma_start3A_17] : memref<20000x64xf32, #tpu.memory_space<hbm>> -> memref<20000x64xf32, #tpu.memory_space<hbm>>
    tpu.enqueue_indirect_dma source(%dma_start3A_18 : memref<20000x64xf32, #tpu.memory_space<hbm>>) target(%dma_start3A_12 : memref<500x64xf32, #tpu.memory_space<vmem>>) offsets(%dma_start3A_15 : memref<500xi32, #tpu.memory_space<vmem>>) semaphore(%arg9 : memref<!tpu.dma_semaphore, #tpu.memory_space<semaphore_mem>>)
    %scan3A_19 = arith.constant 0 : i32
    %scan3A_20 = arith.constant 0 : i32
    %scan3A_21 = arith.constant 5 : i32
    %scan3A_22 = arith.addi %scan3A_20, %scan3A_21 : i32
    %scan3A_23 = arith.constant 1 : i32
    %scan3A_24 = scf.for %scan3A_52 = %scan3A_20 to %scan3A_22 step %scan3A_23 iter_args(%scan3A_53 = %scan3A_19) -> (i32)  : i32 {
      %mul3A_54 = arith.constant 625 : i32
      %mul3A_55 = arith.muli %arg1, %mul3A_54 : i32
      %mul3A_56 = arith.constant 125 : i32
      %mul3A_57 = arith.muli %scan3A_52, %mul3A_56 : i32
      %add3A_58 = arith.addi %mul3A_55, %mul3A_57 : i32
      "tpu.region"() ({
        %run_scoped3A_60 = tpu.sem_alloc : memref<!tpu.dma_semaphore, #tpu.memory_space<semaphore_mem>>
        %dma_start3A_61 = arith.constant 0 : i32
        %dma_start3A_62 = tpu.memref_slice %arg8[%add3A_58, %dma_start3A_61] : memref<10000x64xf32, #tpu.memory_space<vmem_shared>> -> memref<125x64xf32, #tpu.memory_space<vmem_shared>>
        %dma_start3A_63 = arith.constant 0 : i32
        %dma_start3A_64 = tpu.memref_slice %arg8[%add3A_58, %dma_start3A_63] : memref<10000x64xf32, #tpu.memory_space<vmem_shared>> -> memref<125x64xf32, #tpu.memory_space<vmem_shared>>
        tpu.enqueue_dma source(%arg7 : memref<125x64xf32, #tpu.memory_space<vmem>>) target(%dma_start3A_64 : memref<125x64xf32, #tpu.memory_space<vmem_shared>>) target_semaphore(%run_scoped3A_60 : memref<!tpu.dma_semaphore, #tpu.memory_space<semaphore_mem>>)
        %dma_wait3A_65 = arith.constant 0 : i32
        %dma_wait3A_66 = tpu.memref_slice %arg8[%add3A_58, %dma_wait3A_65] : memref<10000x64xf32, #tpu.memory_space<vmem_shared>> -> memref<125x64xf32, #tpu.memory_space<vmem_shared>>
        %dma_wait3A_67 = arith.constant 0 : i32
        %dma_wait3A_68 = tpu.memref_slice %arg8[%add3A_58, %dma_wait3A_67] : memref<10000x64xf32, #tpu.memory_space<vmem_shared>> -> memref<125x64xf32, #tpu.memory_space<vmem_shared>>
        tpu.wait_dma2 semaphore(%run_scoped3A_60 : memref<!tpu.dma_semaphore, #tpu.memory_space<semaphore_mem>>) src(%arg7 : memref<125x64xf32, #tpu.memory_space<vmem>>) dst(%dma_wait3A_68 : memref<125x64xf32, #tpu.memory_space<vmem_shared>>)
        tpu.yield
      }) : () -> ()
      %scan3A_59 = arith.constant 0 : i32
      scf.yield %scan3A_59 : i32
    }
    %scan3A_25 = arith.constant 5 : i32
    %barrier3A = arith.constant 0 : index
    tpu.barrier barrier_id(%barrier3A)
    %scan3A_26 = arith.constant 0 : i32
    %scan3A_27 = arith.constant 0 : i32
    %scan3A_28 = arith.constant 10 : i32
    %scan3A_29 = arith.addi %scan3A_27, %scan3A_28 : i32
    %scan3A_30 = arith.constant 1 : i32
    %scan3A_31 = scf.for %scan3A_52 = %scan3A_27 to %scan3A_29 step %scan3A_30 iter_args(%scan3A_53 = %scan3A_26) -> (i32)  : i32 {
      %jit3A = arith.constant 2 : i32
      %eq3A = arith.constant 0 : i32
      %eq3A_54 = arith.cmpi eq, %jit3A, %eq3A : i32
      %jit3A_55 = arith.constant 1 : i32
      %select_n3A = arith.select %eq3A_54, %jit3A_55, %jit3A : i32
      %rem3A = arith.remsi %scan3A_52, %select_n3A : i32
      %ne3A = arith.constant 0 : i32
      %ne3A_56 = arith.cmpi ne, %rem3A, %ne3A : i32
      %lt3A = arith.constant 0 : i32
      %lt3A_57 = arith.cmpi slt, %rem3A, %lt3A : i32
      %lt3A_58 = arith.constant 0 : i32
      %lt3A_59 = arith.cmpi slt, %select_n3A, %lt3A_58 : i32
      %ne3A_60 = arith.xori %lt3A_57, %lt3A_59 : i1
      %and3A = arith.andi %ne3A_60, %ne3A_56 : i1
      %add3A_61 = arith.addi %rem3A, %select_n3A : i32
      %select_n3A_62 = arith.select %and3A, %add3A_61, %rem3A : i32
      %add3A_63 = arith.constant 1 : i32
      %add3A_64 = arith.addi %scan3A_52, %add3A_63 : i32
      %jit3A_65 = arith.constant 2 : i32
      %eq3A_66 = arith.constant 0 : i32
      %eq3A_67 = arith.cmpi eq, %jit3A_65, %eq3A_66 : i32
      %jit3A_68 = arith.constant 1 : i32
      %select_n3A_69 = arith.select %eq3A_67, %jit3A_68, %jit3A_65 : i32
      %rem3A_70 = arith.remsi %add3A_64, %select_n3A_69 : i32
      %ne3A_71 = arith.constant 0 : i32
      %ne3A_72 = arith.cmpi ne, %rem3A_70, %ne3A_71 : i32
      %lt3A_73 = arith.constant 0 : i32
      %lt3A_74 = arith.cmpi slt, %rem3A_70, %lt3A_73 : i32
      %lt3A_75 = arith.constant 0 : i32
      %lt3A_76 = arith.cmpi slt, %select_n3A_69, %lt3A_75 : i32
      %ne3A_77 = arith.xori %lt3A_74, %lt3A_76 : i1
      %and3A_78 = arith.andi %ne3A_77, %ne3A_72 : i1
      %add3A_79 = arith.addi %rem3A_70, %select_n3A_69 : i32
      %select_n3A_80 = arith.select %and3A_78, %add3A_79, %rem3A_70 : i32
      %gt3A = arith.constant 0 : i32
      %gt3A_81 = arith.cmpi sgt, %scan3A_52, %gt3A : i32
      %convert_element_type3A = arith.extui %gt3A_81 : i1 to i32
      %cond3A = arith.constant 0 : i32
      %cond3A_82 = arith.cmpi ne, %convert_element_type3A, %cond3A : i32
      scf.if %cond3A_82 {
        %dma_wait3A_269 = arith.constant 1 : i32
        %dma_wait3A_270 = arith.constant 0 : i32
        %dma_wait3A_271 = arith.constant 2 : i32
        %dma_wait3A_272 = arith.constant 0 : i32
        %dma_wait3A_273 = arith.constant 0 : i32
        %dma_wait3A_274 = tpu.memref_slice %arg6[%dma_wait3A_269, %dma_wait3A_272, %dma_wait3A_273] : memref<2x500x64xf32, #tpu.memory_space<vmem>> -> memref<1x500x64xf32, #tpu.memory_space<vmem>>
        %dma_wait3A_275 = tpu.memref_squeeze %dma_wait3A_274 : memref<1x500x64xf32, #tpu.memory_space<vmem>> -> memref<500x64xf32, #tpu.memory_space<vmem>>
        %dma_wait3A_276 = arith.constant 0 : i32
        %dma_wait3A_277 = tpu.memref_slice %arg5[%select_n3A_62, %dma_wait3A_270, %dma_wait3A_271, %dma_wait3A_276] : memref<2x4x3x500xi32, #tpu.memory_space<vmem>> -> memref<1x1x1x500xi32, #tpu.memory_space<vmem>>
        %dma_wait3A_278 = tpu.memref_squeeze %dma_wait3A_277 : memref<1x1x1x500xi32, #tpu.memory_space<vmem>> -> memref<500xi32, #tpu.memory_space<vmem>>
        %dma_wait3A_279 = arith.constant 0 : i32
        %dma_wait3A_280 = arith.constant 0 : i32
        %dma_wait3A_281 = tpu.memref_slice %arg8[%dma_wait3A_279, %dma_wait3A_280] : memref<10000x64xf32, #tpu.memory_space<vmem_shared>> -> memref<10000x64xf32, #tpu.memory_space<vmem_shared>>
        tpu.wait_indirect_dma semaphore(%arg12 : memref<!tpu.dma_semaphore, #tpu.memory_space<semaphore_mem>>) src(%dma_wait3A_275 : memref<500x64xf32, #tpu.memory_space<vmem>>) dst(%dma_wait3A_281 : memref<10000x64xf32, #tpu.memory_space<vmem_shared>>)
      } else {
      }
      %dma_start3A_83 = arith.constant 1 : i32
      %dma_start3A_84 = arith.constant 1 : i32
      %dma_start3A_85 = arith.constant 0 : i32
      %dma_start3A_86 = arith.constant 0 : i32
      %dma_start3A_87 = tpu.memref_slice %arg6[%dma_start3A_84, %dma_start3A_85, %dma_start3A_86] : memref<2x500x64xf32, #tpu.memory_space<vmem>> -> memref<1x500x64xf32, #tpu.memory_space<vmem>>
      %dma_start3A_88 = tpu.memref_squeeze %dma_start3A_87 : memref<1x500x64xf32, #tpu.memory_space<vmem>> -> memref<500x64xf32, #tpu.memory_space<vmem>>
      %dma_start3A_89 = arith.constant 0 : i32
      %dma_start3A_90 = tpu.memref_slice %arg5[%select_n3A_62, %dma_start3A_83, %arg0, %dma_start3A_89] : memref<2x4x3x500xi32, #tpu.memory_space<vmem>> -> memref<1x1x1x500xi32, #tpu.memory_space<vmem>>
      %dma_start3A_91 = tpu.memref_squeeze %dma_start3A_90 : memref<1x1x1x500xi32, #tpu.memory_space<vmem>> -> memref<500xi32, #tpu.memory_space<vmem>>
      %dma_start3A_92 = arith.constant 0 : i32
      %dma_start3A_93 = arith.constant 0 : i32
      %dma_start3A_94 = tpu.memref_slice %arg2[%dma_start3A_92, %dma_start3A_93] : memref<20000x64xf32, #tpu.memory_space<hbm>> -> memref<20000x64xf32, #tpu.memory_space<hbm>>
      tpu.enqueue_indirect_dma source(%dma_start3A_94 : memref<20000x64xf32, #tpu.memory_space<hbm>>) target(%dma_start3A_88 : memref<500x64xf32, #tpu.memory_space<vmem>>) offsets(%dma_start3A_91 : memref<500xi32, #tpu.memory_space<vmem>>) semaphore(%arg10 : memref<!tpu.dma_semaphore, #tpu.memory_space<semaphore_mem>>)
      %dma_wait3A_95 = arith.constant 0 : i32
      %dma_wait3A_96 = arith.constant 0 : i32
      %dma_wait3A_97 = arith.constant 0 : i32
      %dma_wait3A_98 = arith.constant 0 : i32
      %dma_wait3A_99 = tpu.memref_slice %arg6[%dma_wait3A_96, %dma_wait3A_97, %dma_wait3A_98] : memref<2x500x64xf32, #tpu.memory_space<vmem>> -> memref<1x500x64xf32, #tpu.memory_space<vmem>>
      %dma_wait3A_100 = tpu.memref_squeeze %dma_wait3A_99 : memref<1x500x64xf32, #tpu.memory_space<vmem>> -> memref<500x64xf32, #tpu.memory_space<vmem>>
      %dma_wait3A_101 = arith.constant 0 : i32
      %dma_wait3A_102 = tpu.memref_slice %arg5[%select_n3A_62, %dma_wait3A_95, %arg0, %dma_wait3A_101] : memref<2x4x3x500xi32, #tpu.memory_space<vmem>> -> memref<1x1x1x500xi32, #tpu.memory_space<vmem>>
      %dma_wait3A_103 = tpu.memref_squeeze %dma_wait3A_102 : memref<1x1x1x500xi32, #tpu.memory_space<vmem>> -> memref<500xi32, #tpu.memory_space<vmem>>
      %dma_wait3A_104 = arith.constant 0 : i32
      %dma_wait3A_105 = arith.constant 0 : i32
      %dma_wait3A_106 = tpu.memref_slice %arg2[%dma_wait3A_104, %dma_wait3A_105] : memref<20000x64xf32, #tpu.memory_space<hbm>> -> memref<20000x64xf32, #tpu.memory_space<hbm>>
      tpu.wait_indirect_dma semaphore(%arg9 : memref<!tpu.dma_semaphore, #tpu.memory_space<semaphore_mem>>) src(%dma_wait3A_106 : memref<20000x64xf32, #tpu.memory_space<hbm>>) dst(%dma_wait3A_100 : memref<500x64xf32, #tpu.memory_space<vmem>>)
      %dma_start3A_107 = arith.constant 0 : i32
      %dma_start3A_108 = arith.constant 0 : i32
      %dma_start3A_109 = arith.constant 2 : i32
      %dma_start3A_110 = arith.constant 0 : i32
      %dma_start3A_111 = arith.constant 0 : i32
      %dma_start3A_112 = tpu.memref_slice %arg6[%dma_start3A_107, %dma_start3A_110, %dma_start3A_111] : memref<2x500x64xf32, #tpu.memory_space<vmem>> -> memref<1x500x64xf32, #tpu.memory_space<vmem>>
      %dma_start3A_113 = tpu.memref_squeeze %dma_start3A_112 : memref<1x500x64xf32, #tpu.memory_space<vmem>> -> memref<500x64xf32, #tpu.memory_space<vmem>>
      %dma_start3A_114 = arith.constant 0 : i32
      %dma_start3A_115 = tpu.memref_slice %arg5[%select_n3A_62, %dma_start3A_108, %dma_start3A_109, %dma_start3A_114] : memref<2x4x3x500xi32, #tpu.memory_space<vmem>> -> memref<1x1x1x500xi32, #tpu.memory_space<vmem>>
      %dma_start3A_116 = tpu.memref_squeeze %dma_start3A_115 : memref<1x1x1x500xi32, #tpu.memory_space<vmem>> -> memref<500xi32, #tpu.memory_space<vmem>>
      %dma_start3A_117 = arith.constant 0 : i32
      %dma_start3A_118 = arith.constant 0 : i32
      %dma_start3A_119 = tpu.memref_slice %arg8[%dma_start3A_117, %dma_start3A_118] : memref<10000x64xf32, #tpu.memory_space<vmem_shared>> -> memref<10000x64xf32, #tpu.memory_space<vmem_shared>>
      tpu.enqueue_indirect_dma source(%dma_start3A_113 : memref<500x64xf32, #tpu.memory_space<vmem>>) target(%dma_start3A_119 : memref<10000x64xf32, #tpu.memory_space<vmem_shared>>) offsets(%dma_start3A_116 : memref<500xi32, #tpu.memory_space<vmem>>) semaphore(%arg11 : memref<!tpu.dma_semaphore, #tpu.memory_space<semaphore_mem>>) {add = true}
      %dma_wait3A_120 = arith.constant 0 : i32
      %dma_wait3A_121 = arith.constant 1 : i32
      %dma_wait3A_122 = arith.constant 2 : i32
      %dma_wait3A_123 = arith.constant 0 : i32
      %dma_wait3A_124 = arith.constant 0 : i32
      %dma_wait3A_125 = tpu.memref_slice %arg6[%dma_wait3A_120, %dma_wait3A_123, %dma_wait3A_124] : memref<2x500x64xf32, #tpu.memory_space<vmem>> -> memref<1x500x64xf32, #tpu.memory_space<vmem>>
      %dma_wait3A_126 = tpu.memref_squeeze %dma_wait3A_125 : memref<1x500x64xf32, #tpu.memory_space<vmem>> -> memref<500x64xf32, #tpu.memory_space<vmem>>
      %dma_wait3A_127 = arith.constant 0 : i32
      %dma_wait3A_128 = tpu.memref_slice %arg5[%select_n3A_62, %dma_wait3A_121, %dma_wait3A_122, %dma_wait3A_127] : memref<2x4x3x500xi32, #tpu.memory_space<vmem>> -> memref<1x1x1x500xi32, #tpu.memory_space<vmem>>
      %dma_wait3A_129 = tpu.memref_squeeze %dma_wait3A_128 : memref<1x1x1x500xi32, #tpu.memory_space<vmem>> -> memref<500xi32, #tpu.memory_space<vmem>>
      %dma_wait3A_130 = arith.constant 0 : i32
      %dma_wait3A_131 = arith.constant 0 : i32
      %dma_wait3A_132 = tpu.memref_slice %arg8[%dma_wait3A_130, %dma_wait3A_131] : memref<10000x64xf32, #tpu.memory_space<vmem_shared>> -> memref<10000x64xf32, #tpu.memory_space<vmem_shared>>
      tpu.wait_indirect_dma semaphore(%arg11 : memref<!tpu.dma_semaphore, #tpu.memory_space<semaphore_mem>>) src(%dma_wait3A_126 : memref<500x64xf32, #tpu.memory_space<vmem>>) dst(%dma_wait3A_132 : memref<10000x64xf32, #tpu.memory_space<vmem_shared>>)
      %lt3A_133 = arith.constant 9 : i32
      %lt3A_134 = arith.cmpi slt, %scan3A_52, %lt3A_133 : i32
      %convert_element_type3A_135 = arith.extui %lt3A_134 : i1 to i32
      %cond3A_136 = arith.constant 0 : i32
      %cond3A_137 = arith.cmpi ne, %convert_element_type3A_135, %cond3A_136 : i32
      scf.if %cond3A_137 {
        %add3A_269 = arith.constant 1 : i32
        %add3A_270 = arith.addi %scan3A_52, %add3A_269 : i32
        %mul3A_271 = arith.constant 4 : i32
        %mul3A_272 = arith.muli %add3A_270, %mul3A_271 : i32
        %dma_start3A_273 = arith.constant 0 : i32
        %dma_start3A_274 = arith.constant 0 : i32
        %dma_start3A_275 = arith.constant 0 : i32
        %dma_start3A_276 = tpu.memref_slice %arg5[%select_n3A_80, %dma_start3A_273, %dma_start3A_274, %dma_start3A_275] : memref<2x4x3x500xi32, #tpu.memory_space<vmem>> -> memref<1x4x3x500xi32, #tpu.memory_space<vmem>>
        %dma_start3A_277 = tpu.memref_squeeze %dma_start3A_276 : memref<1x4x3x500xi32, #tpu.memory_space<vmem>> -> memref<4x3x500xi32, #tpu.memory_space<vmem>>
        %dma_start3A_278 = arith.constant 0 : i32
        %dma_start3A_279 = arith.constant 0 : i32
        %dma_start3A_280 = tpu.memref_slice %arg3[%arg1, %mul3A_272, %dma_start3A_278, %dma_start3A_279] : memref<16x40x3x500xi32, #tpu.memory_space<hbm>> -> memref<1x4x3x500xi32, #tpu.memory_space<hbm>>
        %dma_start3A_281 = tpu.memref_squeeze %dma_start3A_280 : memref<1x4x3x500xi32, #tpu.memory_space<hbm>> -> memref<4x3x500xi32, #tpu.memory_space<hbm>>
        %dma_start3A_282 = arith.constant 0 : i32
        %dma_start3A_283 = arith.constant 0 : i32
        %dma_start3A_284 = arith.constant 0 : i32
        %dma_start3A_285 = tpu.memref_slice %arg5[%select_n3A_80, %dma_start3A_282, %dma_start3A_283, %dma_start3A_284] : memref<2x4x3x500xi32, #tpu.memory_space<vmem>> -> memref<1x4x3x500xi32, #tpu.memory_space<vmem>>
        %dma_start3A_286 = tpu.memref_squeeze %dma_start3A_285 : memref<1x4x3x500xi32, #tpu.memory_space<vmem>> -> memref<4x3x500xi32, #tpu.memory_space<vmem>>
        %dma_start3A_287 = arith.constant 0 : i32
        %dma_start3A_288 = arith.constant 0 : i32
        %dma_start3A_289 = tpu.memref_slice %arg3[%arg1, %mul3A_272, %dma_start3A_287, %dma_start3A_288] : memref<16x40x3x500xi32, #tpu.memory_space<hbm>> -> memref<1x4x3x500xi32, #tpu.memory_space<hbm>>
        %dma_start3A_290 = tpu.memref_squeeze %dma_start3A_289 : memref<1x4x3x500xi32, #tpu.memory_space<hbm>> -> memref<4x3x500xi32, #tpu.memory_space<hbm>>
        tpu.enqueue_dma source(%dma_start3A_290 : memref<4x3x500xi32, #tpu.memory_space<hbm>>) target(%dma_start3A_286 : memref<4x3x500xi32, #tpu.memory_space<vmem>>) target_semaphore(%arg13 : memref<!tpu.dma_semaphore, #tpu.memory_space<semaphore_mem>>)
      } else {
      }
      %dma_start3A_138 = arith.constant 2 : i32
      %dma_start3A_139 = arith.constant 0 : i32
      %dma_start3A_140 = arith.constant 0 : i32
      %dma_start3A_141 = arith.constant 0 : i32
      %dma_start3A_142 = tpu.memref_slice %arg6[%dma_start3A_139, %dma_start3A_140, %dma_start3A_141] : memref<2x500x64xf32, #tpu.memory_space<vmem>> -> memref<1x500x64xf32, #tpu.memory_space<vmem>>
      %dma_start3A_143 = tpu.memref_squeeze %dma_start3A_142 : memref<1x500x64xf32, #tpu.memory_space<vmem>> -> memref<500x64xf32, #tpu.memory_space<vmem>>
      %dma_start3A_144 = arith.constant 0 : i32
      %dma_start3A_145 = tpu.memref_slice %arg5[%select_n3A_62, %dma_start3A_138, %arg0, %dma_start3A_144] : memref<2x4x3x500xi32, #tpu.memory_space<vmem>> -> memref<1x1x1x500xi32, #tpu.memory_space<vmem>>
      %dma_start3A_146 = tpu.memref_squeeze %dma_start3A_145 : memref<1x1x1x500xi32, #tpu.memory_space<vmem>> -> memref<500xi32, #tpu.memory_space<vmem>>
      %dma_start3A_147 = arith.constant 0 : i32
      %dma_start3A_148 = arith.constant 0 : i32
      %dma_start3A_149 = tpu.memref_slice %arg2[%dma_start3A_147, %dma_start3A_148] : memref<20000x64xf32, #tpu.memory_space<hbm>> -> memref<20000x64xf32, #tpu.memory_space<hbm>>
      tpu.enqueue_indirect_dma source(%dma_start3A_149 : memref<20000x64xf32, #tpu.memory_space<hbm>>) target(%dma_start3A_143 : memref<500x64xf32, #tpu.memory_space<vmem>>) offsets(%dma_start3A_146 : memref<500xi32, #tpu.memory_space<vmem>>) semaphore(%arg9 : memref<!tpu.dma_semaphore, #tpu.memory_space<semaphore_mem>>)
      %dma_wait3A_150 = arith.constant 1 : i32
      %dma_wait3A_151 = arith.constant 1 : i32
      %dma_wait3A_152 = arith.constant 0 : i32
      %dma_wait3A_153 = arith.constant 0 : i32
      %dma_wait3A_154 = tpu.memref_slice %arg6[%dma_wait3A_151, %dma_wait3A_152, %dma_wait3A_153] : memref<2x500x64xf32, #tpu.memory_space<vmem>> -> memref<1x500x64xf32, #tpu.memory_space<vmem>>
      %dma_wait3A_155 = tpu.memref_squeeze %dma_wait3A_154 : memref<1x500x64xf32, #tpu.memory_space<vmem>> -> memref<500x64xf32, #tpu.memory_space<vmem>>
      %dma_wait3A_156 = arith.constant 0 : i32
      %dma_wait3A_157 = tpu.memref_slice %arg5[%select_n3A_62, %dma_wait3A_150, %arg0, %dma_wait3A_156] : memref<2x4x3x500xi32, #tpu.memory_space<vmem>> -> memref<1x1x1x500xi32, #tpu.memory_space<vmem>>
      %dma_wait3A_158 = tpu.memref_squeeze %dma_wait3A_157 : memref<1x1x1x500xi32, #tpu.memory_space<vmem>> -> memref<500xi32, #tpu.memory_space<vmem>>
      %dma_wait3A_159 = arith.constant 0 : i32
      %dma_wait3A_160 = arith.constant 0 : i32
      %dma_wait3A_161 = tpu.memref_slice %arg2[%dma_wait3A_159, %dma_wait3A_160] : memref<20000x64xf32, #tpu.memory_space<hbm>> -> memref<20000x64xf32, #tpu.memory_space<hbm>>
      tpu.wait_indirect_dma semaphore(%arg10 : memref<!tpu.dma_semaphore, #tpu.memory_space<semaphore_mem>>) src(%dma_wait3A_161 : memref<20000x64xf32, #tpu.memory_space<hbm>>) dst(%dma_wait3A_155 : memref<500x64xf32, #tpu.memory_space<vmem>>)
      %dma_start3A_162 = arith.constant 1 : i32
      %dma_start3A_163 = arith.constant 1 : i32
      %dma_start3A_164 = arith.constant 2 : i32
      %dma_start3A_165 = arith.constant 0 : i32
      %dma_start3A_166 = arith.constant 0 : i32
      %dma_start3A_167 = tpu.memref_slice %arg6[%dma_start3A_162, %dma_start3A_165, %dma_start3A_166] : memref<2x500x64xf32, #tpu.memory_space<vmem>> -> memref<1x500x64xf32, #tpu.memory_space<vmem>>
      %dma_start3A_168 = tpu.memref_squeeze %dma_start3A_167 : memref<1x500x64xf32, #tpu.memory_space<vmem>> -> memref<500x64xf32, #tpu.memory_space<vmem>>
      %dma_start3A_169 = arith.constant 0 : i32
      %dma_start3A_170 = tpu.memref_slice %arg5[%select_n3A_62, %dma_start3A_163, %dma_start3A_164, %dma_start3A_169] : memref<2x4x3x500xi32, #tpu.memory_space<vmem>> -> memref<1x1x1x500xi32, #tpu.memory_space<vmem>>
      %dma_start3A_171 = tpu.memref_squeeze %dma_start3A_170 : memref<1x1x1x500xi32, #tpu.memory_space<vmem>> -> memref<500xi32, #tpu.memory_space<vmem>>
      %dma_start3A_172 = arith.constant 0 : i32
      %dma_start3A_173 = arith.constant 0 : i32
      %dma_start3A_174 = tpu.memref_slice %arg8[%dma_start3A_172, %dma_start3A_173] : memref<10000x64xf32, #tpu.memory_space<vmem_shared>> -> memref<10000x64xf32, #tpu.memory_space<vmem_shared>>
      tpu.enqueue_indirect_dma source(%dma_start3A_168 : memref<500x64xf32, #tpu.memory_space<vmem>>) target(%dma_start3A_174 : memref<10000x64xf32, #tpu.memory_space<vmem_shared>>) offsets(%dma_start3A_171 : memref<500xi32, #tpu.memory_space<vmem>>) semaphore(%arg12 : memref<!tpu.dma_semaphore, #tpu.memory_space<semaphore_mem>>) {add = true}
      %dma_wait3A_175 = arith.constant 1 : i32
      %dma_wait3A_176 = arith.constant 2 : i32
      %dma_wait3A_177 = arith.constant 2 : i32
      %dma_wait3A_178 = arith.constant 0 : i32
      %dma_wait3A_179 = arith.constant 0 : i32
      %dma_wait3A_180 = tpu.memref_slice %arg6[%dma_wait3A_175, %dma_wait3A_178, %dma_wait3A_179] : memref<2x500x64xf32, #tpu.memory_space<vmem>> -> memref<1x500x64xf32, #tpu.memory_space<vmem>>
      %dma_wait3A_181 = tpu.memref_squeeze %dma_wait3A_180 : memref<1x500x64xf32, #tpu.memory_space<vmem>> -> memref<500x64xf32, #tpu.memory_space<vmem>>
      %dma_wait3A_182 = arith.constant 0 : i32
      %dma_wait3A_183 = tpu.memref_slice %arg5[%select_n3A_62, %dma_wait3A_176, %dma_wait3A_177, %dma_wait3A_182] : memref<2x4x3x500xi32, #tpu.memory_space<vmem>> -> memref<1x1x1x500xi32, #tpu.memory_space<vmem>>
      %dma_wait3A_184 = tpu.memref_squeeze %dma_wait3A_183 : memref<1x1x1x500xi32, #tpu.memory_space<vmem>> -> memref<500xi32, #tpu.memory_space<vmem>>
      %dma_wait3A_185 = arith.constant 0 : i32
      %dma_wait3A_186 = arith.constant 0 : i32
      %dma_wait3A_187 = tpu.memref_slice %arg8[%dma_wait3A_185, %dma_wait3A_186] : memref<10000x64xf32, #tpu.memory_space<vmem_shared>> -> memref<10000x64xf32, #tpu.memory_space<vmem_shared>>
      tpu.wait_indirect_dma semaphore(%arg12 : memref<!tpu.dma_semaphore, #tpu.memory_space<semaphore_mem>>) src(%dma_wait3A_181 : memref<500x64xf32, #tpu.memory_space<vmem>>) dst(%dma_wait3A_187 : memref<10000x64xf32, #tpu.memory_space<vmem_shared>>)
      %dma_start3A_188 = arith.constant 3 : i32
      %dma_start3A_189 = arith.constant 1 : i32
      %dma_start3A_190 = arith.constant 0 : i32
      %dma_start3A_191 = arith.constant 0 : i32
      %dma_start3A_192 = tpu.memref_slice %arg6[%dma_start3A_189, %dma_start3A_190, %dma_start3A_191] : memref<2x500x64xf32, #tpu.memory_space<vmem>> -> memref<1x500x64xf32, #tpu.memory_space<vmem>>
      %dma_start3A_193 = tpu.memref_squeeze %dma_start3A_192 : memref<1x500x64xf32, #tpu.memory_space<vmem>> -> memref<500x64xf32, #tpu.memory_space<vmem>>
      %dma_start3A_194 = arith.constant 0 : i32
      %dma_start3A_195 = tpu.memref_slice %arg5[%select_n3A_62, %dma_start3A_188, %arg0, %dma_start3A_194] : memref<2x4x3x500xi32, #tpu.memory_space<vmem>> -> memref<1x1x1x500xi32, #tpu.memory_space<vmem>>
      %dma_start3A_196 = tpu.memref_squeeze %dma_start3A_195 : memref<1x1x1x500xi32, #tpu.memory_space<vmem>> -> memref<500xi32, #tpu.memory_space<vmem>>
      %dma_start3A_197 = arith.constant 0 : i32
      %dma_start3A_198 = arith.constant 0 : i32
      %dma_start3A_199 = tpu.memref_slice %arg2[%dma_start3A_197, %dma_start3A_198] : memref<20000x64xf32, #tpu.memory_space<hbm>> -> memref<20000x64xf32, #tpu.memory_space<hbm>>
      tpu.enqueue_indirect_dma source(%dma_start3A_199 : memref<20000x64xf32, #tpu.memory_space<hbm>>) target(%dma_start3A_193 : memref<500x64xf32, #tpu.memory_space<vmem>>) offsets(%dma_start3A_196 : memref<500xi32, #tpu.memory_space<vmem>>) semaphore(%arg10 : memref<!tpu.dma_semaphore, #tpu.memory_space<semaphore_mem>>)
      %dma_wait3A_200 = arith.constant 2 : i32
      %dma_wait3A_201 = arith.constant 0 : i32
      %dma_wait3A_202 = arith.constant 0 : i32
      %dma_wait3A_203 = arith.constant 0 : i32
      %dma_wait3A_204 = tpu.memref_slice %arg6[%dma_wait3A_201, %dma_wait3A_202, %dma_wait3A_203] : memref<2x500x64xf32, #tpu.memory_space<vmem>> -> memref<1x500x64xf32, #tpu.memory_space<vmem>>
      %dma_wait3A_205 = tpu.memref_squeeze %dma_wait3A_204 : memref<1x500x64xf32, #tpu.memory_space<vmem>> -> memref<500x64xf32, #tpu.memory_space<vmem>>
      %dma_wait3A_206 = arith.constant 0 : i32
      %dma_wait3A_207 = tpu.memref_slice %arg5[%select_n3A_62, %dma_wait3A_200, %arg0, %dma_wait3A_206] : memref<2x4x3x500xi32, #tpu.memory_space<vmem>> -> memref<1x1x1x500xi32, #tpu.memory_space<vmem>>
      %dma_wait3A_208 = tpu.memref_squeeze %dma_wait3A_207 : memref<1x1x1x500xi32, #tpu.memory_space<vmem>> -> memref<500xi32, #tpu.memory_space<vmem>>
      %dma_wait3A_209 = arith.constant 0 : i32
      %dma_wait3A_210 = arith.constant 0 : i32
      %dma_wait3A_211 = tpu.memref_slice %arg2[%dma_wait3A_209, %dma_wait3A_210] : memref<20000x64xf32, #tpu.memory_space<hbm>> -> memref<20000x64xf32, #tpu.memory_space<hbm>>
      tpu.wait_indirect_dma semaphore(%arg9 : memref<!tpu.dma_semaphore, #tpu.memory_space<semaphore_mem>>) src(%dma_wait3A_211 : memref<20000x64xf32, #tpu.memory_space<hbm>>) dst(%dma_wait3A_205 : memref<500x64xf32, #tpu.memory_space<vmem>>)
      %dma_start3A_212 = arith.constant 0 : i32
      %dma_start3A_213 = arith.constant 2 : i32
      %dma_start3A_214 = arith.constant 2 : i32
      %dma_start3A_215 = arith.constant 0 : i32
      %dma_start3A_216 = arith.constant 0 : i32
      %dma_start3A_217 = tpu.memref_slice %arg6[%dma_start3A_212, %dma_start3A_215, %dma_start3A_216] : memref<2x500x64xf32, #tpu.memory_space<vmem>> -> memref<1x500x64xf32, #tpu.memory_space<vmem>>
      %dma_start3A_218 = tpu.memref_squeeze %dma_start3A_217 : memref<1x500x64xf32, #tpu.memory_space<vmem>> -> memref<500x64xf32, #tpu.memory_space<vmem>>
      %dma_start3A_219 = arith.constant 0 : i32
      %dma_start3A_220 = tpu.memref_slice %arg5[%select_n3A_62, %dma_start3A_213, %dma_start3A_214, %dma_start3A_219] : memref<2x4x3x500xi32, #tpu.memory_space<vmem>> -> memref<1x1x1x500xi32, #tpu.memory_space<vmem>>
      %dma_start3A_221 = tpu.memref_squeeze %dma_start3A_220 : memref<1x1x1x500xi32, #tpu.memory_space<vmem>> -> memref<500xi32, #tpu.memory_space<vmem>>
      %dma_start3A_222 = arith.constant 0 : i32
      %dma_start3A_223 = arith.constant 0 : i32
      %dma_start3A_224 = tpu.memref_slice %arg8[%dma_start3A_222, %dma_start3A_223] : memref<10000x64xf32, #tpu.memory_space<vmem_shared>> -> memref<10000x64xf32, #tpu.memory_space<vmem_shared>>
      tpu.enqueue_indirect_dma source(%dma_start3A_218 : memref<500x64xf32, #tpu.memory_space<vmem>>) target(%dma_start3A_224 : memref<10000x64xf32, #tpu.memory_space<vmem_shared>>) offsets(%dma_start3A_221 : memref<500xi32, #tpu.memory_space<vmem>>) semaphore(%arg11 : memref<!tpu.dma_semaphore, #tpu.memory_space<semaphore_mem>>) {add = true}
      %dma_wait3A_225 = arith.constant 0 : i32
      %dma_wait3A_226 = arith.constant 3 : i32
      %dma_wait3A_227 = arith.constant 2 : i32
      %dma_wait3A_228 = arith.constant 0 : i32
      %dma_wait3A_229 = arith.constant 0 : i32
      %dma_wait3A_230 = tpu.memref_slice %arg6[%dma_wait3A_225, %dma_wait3A_228, %dma_wait3A_229] : memref<2x500x64xf32, #tpu.memory_space<vmem>> -> memref<1x500x64xf32, #tpu.memory_space<vmem>>
      %dma_wait3A_231 = tpu.memref_squeeze %dma_wait3A_230 : memref<1x500x64xf32, #tpu.memory_space<vmem>> -> memref<500x64xf32, #tpu.memory_space<vmem>>
      %dma_wait3A_232 = arith.constant 0 : i32
      %dma_wait3A_233 = tpu.memref_slice %arg5[%select_n3A_62, %dma_wait3A_226, %dma_wait3A_227, %dma_wait3A_232] : memref<2x4x3x500xi32, #tpu.memory_space<vmem>> -> memref<1x1x1x500xi32, #tpu.memory_space<vmem>>
      %dma_wait3A_234 = tpu.memref_squeeze %dma_wait3A_233 : memref<1x1x1x500xi32, #tpu.memory_space<vmem>> -> memref<500xi32, #tpu.memory_space<vmem>>
      %dma_wait3A_235 = arith.constant 0 : i32
      %dma_wait3A_236 = arith.constant 0 : i32
      %dma_wait3A_237 = tpu.memref_slice %arg8[%dma_wait3A_235, %dma_wait3A_236] : memref<10000x64xf32, #tpu.memory_space<vmem_shared>> -> memref<10000x64xf32, #tpu.memory_space<vmem_shared>>
      tpu.wait_indirect_dma semaphore(%arg11 : memref<!tpu.dma_semaphore, #tpu.memory_space<semaphore_mem>>) src(%dma_wait3A_231 : memref<500x64xf32, #tpu.memory_space<vmem>>) dst(%dma_wait3A_237 : memref<10000x64xf32, #tpu.memory_space<vmem_shared>>)
      %lt3A_238 = arith.constant 9 : i32
      %lt3A_239 = arith.cmpi slt, %scan3A_52, %lt3A_238 : i32
      %convert_element_type3A_240 = arith.extui %lt3A_239 : i1 to i32
      %cond3A_241 = arith.constant 0 : i32
      %cond3A_242 = arith.cmpi ne, %convert_element_type3A_240, %cond3A_241 : i32
      scf.if %cond3A_242 {
        %add3A_269 = arith.constant 1 : i32
        %add3A_270 = arith.addi %scan3A_52, %add3A_269 : i32
        %mul3A_271 = arith.constant 4 : i32
        %mul3A_272 = arith.muli %add3A_270, %mul3A_271 : i32
        %dma_wait3A_273 = arith.constant 0 : i32
        %dma_wait3A_274 = arith.constant 0 : i32
        %dma_wait3A_275 = arith.constant 0 : i32
        %dma_wait3A_276 = tpu.memref_slice %arg5[%select_n3A_80, %dma_wait3A_273, %dma_wait3A_274, %dma_wait3A_275] : memref<2x4x3x500xi32, #tpu.memory_space<vmem>> -> memref<1x4x3x500xi32, #tpu.memory_space<vmem>>
        %dma_wait3A_277 = tpu.memref_squeeze %dma_wait3A_276 : memref<1x4x3x500xi32, #tpu.memory_space<vmem>> -> memref<4x3x500xi32, #tpu.memory_space<vmem>>
        %dma_wait3A_278 = arith.constant 0 : i32
        %dma_wait3A_279 = arith.constant 0 : i32
        %dma_wait3A_280 = tpu.memref_slice %arg3[%arg1, %mul3A_272, %dma_wait3A_278, %dma_wait3A_279] : memref<16x40x3x500xi32, #tpu.memory_space<hbm>> -> memref<1x4x3x500xi32, #tpu.memory_space<hbm>>
        %dma_wait3A_281 = tpu.memref_squeeze %dma_wait3A_280 : memref<1x4x3x500xi32, #tpu.memory_space<hbm>> -> memref<4x3x500xi32, #tpu.memory_space<hbm>>
        %dma_wait3A_282 = arith.constant 0 : i32
        %dma_wait3A_283 = arith.constant 0 : i32
        %dma_wait3A_284 = arith.constant 0 : i32
        %dma_wait3A_285 = tpu.memref_slice %arg5[%select_n3A_80, %dma_wait3A_282, %dma_wait3A_283, %dma_wait3A_284] : memref<2x4x3x500xi32, #tpu.memory_space<vmem>> -> memref<1x4x3x500xi32, #tpu.memory_space<vmem>>
        %dma_wait3A_286 = tpu.memref_squeeze %dma_wait3A_285 : memref<1x4x3x500xi32, #tpu.memory_space<vmem>> -> memref<4x3x500xi32, #tpu.memory_space<vmem>>
        %dma_wait3A_287 = arith.constant 0 : i32
        %dma_wait3A_288 = arith.constant 0 : i32
        %dma_wait3A_289 = tpu.memref_slice %arg3[%arg1, %mul3A_272, %dma_wait3A_287, %dma_wait3A_288] : memref<16x40x3x500xi32, #tpu.memory_space<hbm>> -> memref<1x4x3x500xi32, #tpu.memory_space<hbm>>
        %dma_wait3A_290 = tpu.memref_squeeze %dma_wait3A_289 : memref<1x4x3x500xi32, #tpu.memory_space<hbm>> -> memref<4x3x500xi32, #tpu.memory_space<hbm>>
        tpu.wait_dma2 semaphore(%arg13 : memref<!tpu.dma_semaphore, #tpu.memory_space<semaphore_mem>>) src(%dma_wait3A_290 : memref<4x3x500xi32, #tpu.memory_space<hbm>>) dst(%dma_wait3A_286 : memref<4x3x500xi32, #tpu.memory_space<vmem>>)
        %dma_start3A_291 = arith.constant 0 : i32
        %dma_start3A_292 = arith.constant 0 : i32
        %dma_start3A_293 = arith.constant 0 : i32
        %dma_start3A_294 = arith.constant 0 : i32
        %dma_start3A_295 = tpu.memref_slice %arg6[%dma_start3A_292, %dma_start3A_293, %dma_start3A_294] : memref<2x500x64xf32, #tpu.memory_space<vmem>> -> memref<1x500x64xf32, #tpu.memory_space<vmem>>
        %dma_start3A_296 = tpu.memref_squeeze %dma_start3A_295 : memref<1x500x64xf32, #tpu.memory_space<vmem>> -> memref<500x64xf32, #tpu.memory_space<vmem>>
        %dma_start3A_297 = arith.constant 0 : i32
        %dma_start3A_298 = tpu.memref_slice %arg5[%select_n3A_80, %dma_start3A_291, %arg0, %dma_start3A_297] : memref<2x4x3x500xi32, #tpu.memory_space<vmem>> -> memref<1x1x1x500xi32, #tpu.memory_space<vmem>>
        %dma_start3A_299 = tpu.memref_squeeze %dma_start3A_298 : memref<1x1x1x500xi32, #tpu.memory_space<vmem>> -> memref<500xi32, #tpu.memory_space<vmem>>
        %dma_start3A_300 = arith.constant 0 : i32
        %dma_start3A_301 = arith.constant 0 : i32
        %dma_start3A_302 = tpu.memref_slice %arg2[%dma_start3A_300, %dma_start3A_301] : memref<20000x64xf32, #tpu.memory_space<hbm>> -> memref<20000x64xf32, #tpu.memory_space<hbm>>
        tpu.enqueue_indirect_dma source(%dma_start3A_302 : memref<20000x64xf32, #tpu.memory_space<hbm>>) target(%dma_start3A_296 : memref<500x64xf32, #tpu.memory_space<vmem>>) offsets(%dma_start3A_299 : memref<500xi32, #tpu.memory_space<vmem>>) semaphore(%arg9 : memref<!tpu.dma_semaphore, #tpu.memory_space<semaphore_mem>>)
      } else {
      }
      %dma_wait3A_243 = arith.constant 3 : i32
      %dma_wait3A_244 = arith.constant 1 : i32
      %dma_wait3A_245 = arith.constant 0 : i32
      %dma_wait3A_246 = arith.constant 0 : i32
      %dma_wait3A_247 = tpu.memref_slice %arg6[%dma_wait3A_244, %dma_wait3A_245, %dma_wait3A_246] : memref<2x500x64xf32, #tpu.memory_space<vmem>> -> memref<1x500x64xf32, #tpu.memory_space<vmem>>
      %dma_wait3A_248 = tpu.memref_squeeze %dma_wait3A_247 : memref<1x500x64xf32, #tpu.memory_space<vmem>> -> memref<500x64xf32, #tpu.memory_space<vmem>>
      %dma_wait3A_249 = arith.constant 0 : i32
      %dma_wait3A_250 = tpu.memref_slice %arg5[%select_n3A_62, %dma_wait3A_243, %arg0, %dma_wait3A_249] : memref<2x4x3x500xi32, #tpu.memory_space<vmem>> -> memref<1x1x1x500xi32, #tpu.memory_space<vmem>>
      %dma_wait3A_251 = tpu.memref_squeeze %dma_wait3A_250 : memref<1x1x1x500xi32, #tpu.memory_space<vmem>> -> memref<500xi32, #tpu.memory_space<vmem>>
      %dma_wait3A_252 = arith.constant 0 : i32
      %dma_wait3A_253 = arith.constant 0 : i32
      %dma_wait3A_254 = tpu.memref_slice %arg2[%dma_wait3A_252, %dma_wait3A_253] : memref<20000x64xf32, #tpu.memory_space<hbm>> -> memref<20000x64xf32, #tpu.memory_space<hbm>>
      tpu.wait_indirect_dma semaphore(%arg10 : memref<!tpu.dma_semaphore, #tpu.memory_space<semaphore_mem>>) src(%dma_wait3A_254 : memref<20000x64xf32, #tpu.memory_space<hbm>>) dst(%dma_wait3A_248 : memref<500x64xf32, #tpu.memory_space<vmem>>)
      %dma_start3A_255 = arith.constant 1 : i32
      %dma_start3A_256 = arith.constant 3 : i32
      %dma_start3A_257 = arith.constant 2 : i32
      %dma_start3A_258 = arith.constant 0 : i32
      %dma_start3A_259 = arith.constant 0 : i32
      %dma_start3A_260 = tpu.memref_slice %arg6[%dma_start3A_255, %dma_start3A_258, %dma_start3A_259] : memref<2x500x64xf32, #tpu.memory_space<vmem>> -> memref<1x500x64xf32, #tpu.memory_space<vmem>>
      %dma_start3A_261 = tpu.memref_squeeze %dma_start3A_260 : memref<1x500x64xf32, #tpu.memory_space<vmem>> -> memref<500x64xf32, #tpu.memory_space<vmem>>
      %dma_start3A_262 = arith.constant 0 : i32
      %dma_start3A_263 = tpu.memref_slice %arg5[%select_n3A_62, %dma_start3A_256, %dma_start3A_257, %dma_start3A_262] : memref<2x4x3x500xi32, #tpu.memory_space<vmem>> -> memref<1x1x1x500xi32, #tpu.memory_space<vmem>>
      %dma_start3A_264 = tpu.memref_squeeze %dma_start3A_263 : memref<1x1x1x500xi32, #tpu.memory_space<vmem>> -> memref<500xi32, #tpu.memory_space<vmem>>
      %dma_start3A_265 = arith.constant 0 : i32
      %dma_start3A_266 = arith.constant 0 : i32
      %dma_start3A_267 = tpu.memref_slice %arg8[%dma_start3A_265, %dma_start3A_266] : memref<10000x64xf32, #tpu.memory_space<vmem_shared>> -> memref<10000x64xf32, #tpu.memory_space<vmem_shared>>
      tpu.enqueue_indirect_dma source(%dma_start3A_261 : memref<500x64xf32, #tpu.memory_space<vmem>>) target(%dma_start3A_267 : memref<10000x64xf32, #tpu.memory_space<vmem_shared>>) offsets(%dma_start3A_264 : memref<500xi32, #tpu.memory_space<vmem>>) semaphore(%arg12 : memref<!tpu.dma_semaphore, #tpu.memory_space<semaphore_mem>>) {add = true}
      %scan3A_268 = arith.constant 0 : i32
      scf.yield %scan3A_268 : i32
    }
    %scan3A_32 = arith.constant 10 : i32
    %dma_wait3A = arith.constant 1 : i32
    %dma_wait3A_33 = arith.constant 1 : i32
    %dma_wait3A_34 = arith.constant 3 : i32
    %dma_wait3A_35 = arith.constant 2 : i32
    %dma_wait3A_36 = arith.constant 0 : i32
    %dma_wait3A_37 = arith.constant 0 : i32
    %dma_wait3A_38 = tpu.memref_slice %arg6[%dma_wait3A, %dma_wait3A_36, %dma_wait3A_37] : memref<2x500x64xf32, #tpu.memory_space<vmem>> -> memref<1x500x64xf32, #tpu.memory_space<vmem>>
    %dma_wait3A_39 = tpu.memref_squeeze %dma_wait3A_38 : memref<1x500x64xf32, #tpu.memory_space<vmem>> -> memref<500x64xf32, #tpu.memory_space<vmem>>
    %dma_wait3A_40 = arith.constant 0 : i32
    %dma_wait3A_41 = tpu.memref_slice %arg5[%dma_wait3A_33, %dma_wait3A_34, %dma_wait3A_35, %dma_wait3A_40] : memref<2x4x3x500xi32, #tpu.memory_space<vmem>> -> memref<1x1x1x500xi32, #tpu.memory_space<vmem>>
    %dma_wait3A_42 = tpu.memref_squeeze %dma_wait3A_41 : memref<1x1x1x500xi32, #tpu.memory_space<vmem>> -> memref<500xi32, #tpu.memory_space<vmem>>
    %dma_wait3A_43 = arith.constant 0 : i32
    %dma_wait3A_44 = arith.constant 0 : i32
    %dma_wait3A_45 = tpu.memref_slice %arg8[%dma_wait3A_43, %dma_wait3A_44] : memref<10000x64xf32, #tpu.memory_space<vmem_shared>> -> memref<10000x64xf32, #tpu.memory_space<vmem_shared>>
    tpu.wait_indirect_dma semaphore(%arg12 : memref<!tpu.dma_semaphore, #tpu.memory_space<semaphore_mem>>) src(%dma_wait3A_39 : memref<500x64xf32, #tpu.memory_space<vmem>>) dst(%dma_wait3A_45 : memref<10000x64xf32, #tpu.memory_space<vmem_shared>>)
    %barrier3A_46 = arith.constant 0 : index
    tpu.barrier barrier_id(%barrier3A_46)
    %mul3A = arith.constant 625 : i32
    %mul3A_47 = arith.muli %arg1, %mul3A : i32
    %mul3A_48 = arith.constant 10000 : i32
    %mul3A_49 = arith.muli %arg0, %mul3A_48 : i32
    %mul3A_50 = arith.constant 625 : i32
    %mul3A_51 = arith.muli %arg1, %mul3A_50 : i32
    %add3A = arith.addi %mul3A_49, %mul3A_51 : i32
    "tpu.region"() ({
      %run_scoped3A_52 = tpu.sem_alloc : memref<!tpu.dma_semaphore, #tpu.memory_space<semaphore_mem>>
      %dma_start3A_53 = arith.constant 0 : i32
      %dma_start3A_54 = tpu.memref_slice %arg4[%add3A, %dma_start3A_53] : memref<20000x64xf32, #tpu.memory_space<hbm>> -> memref<625x64xf32, #tpu.memory_space<hbm>>
      %dma_start3A_55 = arith.constant 0 : i32
      %dma_start3A_56 = tpu.memref_slice %arg8[%mul3A_47, %dma_start3A_55] : memref<10000x64xf32, #tpu.memory_space<vmem_shared>> -> memref<625x64xf32, #tpu.memory_space<vmem_shared>>
      tpu.enqueue_dma source(%dma_start3A_56 : memref<625x64xf32, #tpu.memory_space<vmem_shared>>) target(%dma_start3A_54 : memref<625x64xf32, #tpu.memory_space<hbm>>) target_semaphore(%run_scoped3A_52 : memref<!tpu.dma_semaphore, #tpu.memory_space<semaphore_mem>>)
      %dma_wait3A_57 = arith.constant 0 : i32
      %dma_wait3A_58 = tpu.memref_slice %arg4[%add3A, %dma_wait3A_57] : memref<20000x64xf32, #tpu.memory_space<hbm>> -> memref<625x64xf32, #tpu.memory_space<hbm>>
      %dma_wait3A_59 = arith.constant 0 : i32
      %dma_wait3A_60 = tpu.memref_slice %arg8[%mul3A_47, %dma_wait3A_59] : memref<10000x64xf32, #tpu.memory_space<vmem_shared>> -> memref<625x64xf32, #tpu.memory_space<vmem_shared>>
      tpu.wait_dma2 semaphore(%run_scoped3A_52 : memref<!tpu.dma_semaphore, #tpu.memory_space<semaphore_mem>>) src(%dma_wait3A_60 : memref<625x64xf32, #tpu.memory_space<vmem_shared>>) dst(%dma_wait3A_58 : memref<625x64xf32, #tpu.memory_space<hbm>>)
      tpu.yield
    }) : () -> ()
    return
  }
}

module attributes {stable_mosaic.version = 14 : i64} {
  func.func @_mm2_first(%arg0: i32, %arg1: memref<1000x128xf32, #tpu.memory_space<vmem>>, %arg2: memref<128x128xf32, #tpu.memory_space<vmem>>, %arg3: memref<128x128xf32, #tpu.memory_space<vmem>>, %arg4: memref<1000x128xf32, #tpu.memory_space<vmem>>, %arg5: memref<1000x128xf32, #tpu.memory_space<vmem>>) attributes {dimension_semantics = [#tpu.dimension_semantics<arbitrary>], iteration_bounds = array<i64: 10>, scalar_prefetch = 0 : i64, scratch_operands = 0 : i64, tpu.core_type = #tpu.core_type<tc>, window_params = [{transform_indices = @transform_0, window_bounds = array<i64: 1000, 128>}, {pipeline_mode = #tpu.pipeline_mode<synchronous>, transform_indices = @transform_1, window_bounds = array<i64: 128, 128>}, {pipeline_mode = #tpu.pipeline_mode<synchronous>, transform_indices = @transform_2, window_bounds = array<i64: 128, 128>}, {transform_indices = @transform_3, window_bounds = array<i64: 1000, 128>}, {transform_indices = @transform_4, window_bounds = array<i64: 1000, 128>}]} {
    %get3A = arith.constant 0 : index
    %get3A_0 = arith.constant 0 : index
    %get3A_1 = vector.load %arg1[%get3A, %get3A_0] : memref<1000x128xf32, #tpu.memory_space<vmem>>, vector<1000x128xf32>
    %get3A_2 = arith.constant 0 : index
    %get3A_3 = arith.constant 0 : index
    %get3A_4 = vector.load %arg2[%get3A_2, %get3A_3] : memref<128x128xf32, #tpu.memory_space<vmem>>, vector<128x128xf32>
    %dot_general3A = arith.constant dense<0.000000e+00> : vector<1000x128xf32>
    %dot_general3A_5 = tpu.matmul %get3A_1, %get3A_4, %dot_general3A {dimension_numbers = #tpu.dot_dimension_numbers<[1], [0], [0], [1], [0, 0, 1, 1], [], []>, transpose_lhs_hint = false} : vector<1000x128xf32>, vector<128x128xf32>, vector<1000x128xf32> -> vector<1000x128xf32>
    %swap3A = arith.constant 0 : index
    %swap3A_6 = arith.constant 0 : index
    %swap3A_7 = vector.load %arg4[%swap3A, %swap3A_6] : memref<1000x128xf32, #tpu.memory_space<vmem>>, vector<1000x128xf32>
    tpu.vector_store %arg4[%swap3A, %swap3A_6], %dot_general3A_5 {strides = array<i32>} : memref<1000x128xf32, #tpu.memory_space<vmem>>, vector<1000x128xf32>,
    %get3A_8 = arith.constant 0 : index
    %get3A_9 = arith.constant 0 : index
    %get3A_10 = vector.load %arg3[%get3A_8, %get3A_9] : memref<128x128xf32, #tpu.memory_space<vmem>>, vector<128x128xf32>
    %dot_general3A_11 = arith.constant dense<0.000000e+00> : vector<1000x128xf32>
    %dot_general3A_12 = tpu.matmul %get3A_1, %get3A_10, %dot_general3A_11 {dimension_numbers = #tpu.dot_dimension_numbers<[1], [0], [0], [1], [0, 0, 1, 1], [], []>, transpose_lhs_hint = false} : vector<1000x128xf32>, vector<128x128xf32>, vector<1000x128xf32> -> vector<1000x128xf32>
    %swap3A_13 = arith.constant 0 : index
    %swap3A_14 = arith.constant 0 : index
    %swap3A_15 = vector.load %arg5[%swap3A_13, %swap3A_14] : memref<1000x128xf32, #tpu.memory_space<vmem>>, vector<1000x128xf32>
    tpu.vector_store %arg5[%swap3A_13, %swap3A_14], %dot_general3A_12 {strides = array<i32>} : memref<1000x128xf32, #tpu.memory_space<vmem>>, vector<1000x128xf32>,
    return
  }
  func.func @transform_0(%arg0: i32) -> (i32, i32) {
    %c0_i32 = arith.constant 0 : i32
    %c0_i32_0 = arith.constant 0 : i32
    return %arg0, %c0_i32 : i32, i32
  }
  func.func @transform_1(%arg0: i32) -> (i32, i32) {
    %c0_i32 = arith.constant 0 : i32
    %c0_i32_0 = arith.constant 0 : i32
    %c0_i32_1 = arith.constant 0 : i32
    return %c0_i32, %c0_i32_0 : i32, i32
  }
  func.func @transform_2(%arg0: i32) -> (i32, i32) {
    %c0_i32 = arith.constant 0 : i32
    %c0_i32_0 = arith.constant 0 : i32
    %c0_i32_1 = arith.constant 0 : i32
    return %c0_i32, %c0_i32_0 : i32, i32
  }
  func.func @transform_3(%arg0: i32) -> (i32, i32) {
    %c0_i32 = arith.constant 0 : i32
    %c0_i32_0 = arith.constant 0 : i32
    return %arg0, %c0_i32 : i32, i32
  }
  func.func @transform_4(%arg0: i32) -> (i32, i32) {
    %c0_i32 = arith.constant 0 : i32
    %c0_i32_0 = arith.constant 0 : i32
    return %arg0, %c0_i32 : i32, i32
  }
}

module attributes {stable_mosaic.version = 14 : i64} {
  func.func @_mm2_mid(%arg0: i32, %arg1: memref<1000x128xf32, #tpu.memory_space<vmem>>, %arg2: memref<2x1000x64xf32, #tpu.memory_space<vmem>>, %arg3: memref<128x128xf32, #tpu.memory_space<vmem>>, %arg4: memref<128x128xf32, #tpu.memory_space<vmem>>, %arg5: memref<1000x128xf32, #tpu.memory_space<vmem>>, %arg6: memref<1000x128xf32, #tpu.memory_space<vmem>>) attributes {dimension_semantics = [#tpu.dimension_semantics<arbitrary>], iteration_bounds = array<i64: 10>, scalar_prefetch = 0 : i64, scratch_operands = 0 : i64, tpu.core_type = #tpu.core_type<tc>, window_params = [{transform_indices = @transform_0, window_bounds = array<i64: 1000, 128>}, {transform_indices = @transform_1, window_bounds = array<i64: 2, 1000, 64>}, {pipeline_mode = #tpu.pipeline_mode<synchronous>, transform_indices = @transform_2, window_bounds = array<i64: 128, 128>}, {pipeline_mode = #tpu.pipeline_mode<synchronous>, transform_indices = @transform_3, window_bounds = array<i64: 128, 128>}, {transform_indices = @transform_4, window_bounds = array<i64: 1000, 128>}, {transform_indices = @transform_5, window_bounds = array<i64: 1000, 128>}]} {
    %get3A = arith.constant 0 : index
    %get3A_0 = arith.constant 0 : index
    %get3A_1 = arith.constant 0 : index
    %get3A_2 = vector.load %arg2[%get3A, %get3A_0, %get3A_1] : memref<2x1000x64xf32, #tpu.memory_space<vmem>>, vector<1x1000x64xf32>
    %get3A_3 = vector.shape_cast %get3A_2 : vector<1x1000x64xf32> to vector<1000x64xf32>
    %get3A_4 = arith.constant 1 : index
    %get3A_5 = arith.constant 0 : index
    %get3A_6 = arith.constant 0 : index
    %get3A_7 = vector.load %arg2[%get3A_4, %get3A_5, %get3A_6] : memref<2x1000x64xf32, #tpu.memory_space<vmem>>, vector<1x1000x64xf32>
    %get3A_8 = vector.shape_cast %get3A_7 : vector<1x1000x64xf32> to vector<1000x64xf32>
    %concatenate3A = tpu.concatenate %get3A_3, %get3A_8 in 1 : vector<1000x64xf32>, vector<1000x64xf32> -> vector<1000x128xf32>
    %get3A_9 = arith.constant 0 : index
    %get3A_10 = arith.constant 0 : index
    %get3A_11 = vector.load %arg1[%get3A_9, %get3A_10] : memref<1000x128xf32, #tpu.memory_space<vmem>>, vector<1000x128xf32>
    %add3A = arith.addf %get3A_11, %concatenate3A : vector<1000x128xf32>
    %max3A = arith.constant 0.000000e+00 : f32
    %max3A_12 = vector.broadcast %max3A : f32 to vector<1000x128xf32>
    %max3A_13 = arith.maximumf %add3A, %max3A_12 : vector<1000x128xf32>
    %get3A_14 = arith.constant 0 : index
    %get3A_15 = arith.constant 0 : index
    %get3A_16 = vector.load %arg3[%get3A_14, %get3A_15] : memref<128x128xf32, #tpu.memory_space<vmem>>, vector<128x128xf32>
    %dot_general3A = arith.constant dense<0.000000e+00> : vector<1000x128xf32>
    %dot_general3A_17 = tpu.matmul %max3A_13, %get3A_16, %dot_general3A {dimension_numbers = #tpu.dot_dimension_numbers<[1], [0], [0], [1], [0, 0, 1, 1], [], []>, transpose_lhs_hint = false} : vector<1000x128xf32>, vector<128x128xf32>, vector<1000x128xf32> -> vector<1000x128xf32>
    %swap3A = arith.constant 0 : index
    %swap3A_18 = arith.constant 0 : index
    %swap3A_19 = vector.load %arg5[%swap3A, %swap3A_18] : memref<1000x128xf32, #tpu.memory_space<vmem>>, vector<1000x128xf32>
    tpu.vector_store %arg5[%swap3A, %swap3A_18], %dot_general3A_17 {strides = array<i32>} : memref<1000x128xf32, #tpu.memory_space<vmem>>, vector<1000x128xf32>,
    %get3A_20 = arith.constant 0 : index
    %get3A_21 = arith.constant 0 : index
    %get3A_22 = vector.load %arg4[%get3A_20, %get3A_21] : memref<128x128xf32, #tpu.memory_space<vmem>>, vector<128x128xf32>
    %dot_general3A_23 = arith.constant dense<0.000000e+00> : vector<1000x128xf32>
    %dot_general3A_24 = tpu.matmul %max3A_13, %get3A_22, %dot_general3A_23 {dimension_numbers = #tpu.dot_dimension_numbers<[1], [0], [0], [1], [0, 0, 1, 1], [], []>, transpose_lhs_hint = false} : vector<1000x128xf32>, vector<128x128xf32>, vector<1000x128xf32> -> vector<1000x128xf32>
    %swap3A_25 = arith.constant 0 : index
    %swap3A_26 = arith.constant 0 : index
    %swap3A_27 = vector.load %arg6[%swap3A_25, %swap3A_26] : memref<1000x128xf32, #tpu.memory_space<vmem>>, vector<1000x128xf32>
    tpu.vector_store %arg6[%swap3A_25, %swap3A_26], %dot_general3A_24 {strides = array<i32>} : memref<1000x128xf32, #tpu.memory_space<vmem>>, vector<1000x128xf32>,
    return
  }
  func.func @transform_0(%arg0: i32) -> (i32, i32) {
    %c0_i32 = arith.constant 0 : i32
    %c0_i32_0 = arith.constant 0 : i32
    return %arg0, %c0_i32 : i32, i32
  }
  func.func @transform_1(%arg0: i32) -> (i32, i32, i32) {
    %c0_i32 = arith.constant 0 : i32
    %c0_i32_0 = arith.constant 0 : i32
    %c0_i32_1 = arith.constant 0 : i32
    return %c0_i32, %arg0, %c0_i32_0 : i32, i32, i32
  }
  func.func @transform_2(%arg0: i32) -> (i32, i32) {
    %c0_i32 = arith.constant 0 : i32
    %c0_i32_0 = arith.constant 0 : i32
    %c0_i32_1 = arith.constant 0 : i32
    return %c0_i32, %c0_i32_0 : i32, i32
  }
  func.func @transform_3(%arg0: i32) -> (i32, i32) {
    %c0_i32 = arith.constant 0 : i32
    %c0_i32_0 = arith.constant 0 : i32
    %c0_i32_1 = arith.constant 0 : i32
    return %c0_i32, %c0_i32_0 : i32, i32
  }
  func.func @transform_4(%arg0: i32) -> (i32, i32) {
    %c0_i32 = arith.constant 0 : i32
    %c0_i32_0 = arith.constant 0 : i32
    return %arg0, %c0_i32 : i32, i32
  }
  func.func @transform_5(%arg0: i32) -> (i32, i32) {
    %c0_i32 = arith.constant 0 : i32
    %c0_i32_0 = arith.constant 0 : i32
    return %arg0, %c0_i32 : i32, i32
  }
}

module attributes {stable_mosaic.version = 14 : i64} {
  func.func @_final(%arg0: i32, %arg1: memref<1000x128xf32, #tpu.memory_space<vmem>>, %arg2: memref<2x1000x64xf32, #tpu.memory_space<vmem>>, %arg3: memref<1x1x1000xi32, #tpu.memory_space<vmem>>, %arg4: memref<128x128xf32, #tpu.memory_space<vmem>>, %arg5: memref<1x128xf32, #tpu.memory_space<vmem>>, %arg6: memref<128x128xf32, #tpu.memory_space<vmem>>, %arg7: memref<1x128xf32, #tpu.memory_space<vmem>>, %arg8: memref<64x128xf32, #tpu.memory_space<vmem>>, %arg9: memref<64x128xf32, #tpu.memory_space<vmem>>) attributes {dimension_semantics = [#tpu.dimension_semantics<arbitrary>], iteration_bounds = array<i64: 10>, scalar_prefetch = 0 : i64, scratch_operands = 1 : i64, tpu.core_type = #tpu.core_type<tc>, window_params = [{transform_indices = @transform_0, window_bounds = array<i64: 1000, 128>}, {transform_indices = @transform_1, window_bounds = array<i64: 2, 1000, 64>}, {transform_indices = @transform_2, window_bounds = array<i64: 1, 1, 1000>}, {pipeline_mode = #tpu.pipeline_mode<synchronous>, transform_indices = @transform_3, window_bounds = array<i64: 128, 128>}, {pipeline_mode = #tpu.pipeline_mode<synchronous>, transform_indices = @transform_4, window_bounds = array<i64: 1, 128>}, {pipeline_mode = #tpu.pipeline_mode<synchronous>, transform_indices = @transform_5, window_bounds = array<i64: 128, 128>}, {pipeline_mode = #tpu.pipeline_mode<synchronous>, transform_indices = @transform_6, window_bounds = array<i64: 1, 128>}, {pipeline_mode = #tpu.pipeline_mode<synchronous>, transform_indices = @transform_7, window_bounds = array<i64: 64, 128>}]} {
    %get3A = arith.constant 0 : index
    %get3A_0 = arith.constant 0 : index
    %get3A_1 = arith.constant 0 : index
    %get3A_2 = vector.load %arg2[%get3A, %get3A_0, %get3A_1] : memref<2x1000x64xf32, #tpu.memory_space<vmem>>, vector<1x1000x64xf32>
    %get3A_3 = vector.shape_cast %get3A_2 : vector<1x1000x64xf32> to vector<1000x64xf32>
    %get3A_4 = arith.constant 1 : index
    %get3A_5 = arith.constant 0 : index
    %get3A_6 = arith.constant 0 : index
    %get3A_7 = vector.load %arg2[%get3A_4, %get3A_5, %get3A_6] : memref<2x1000x64xf32, #tpu.memory_space<vmem>>, vector<1x1000x64xf32>
    %get3A_8 = vector.shape_cast %get3A_7 : vector<1x1000x64xf32> to vector<1000x64xf32>
    %concatenate3A = tpu.concatenate %get3A_3, %get3A_8 in 1 : vector<1000x64xf32>, vector<1000x64xf32> -> vector<1000x128xf32>
    %get3A_9 = arith.constant 0 : index
    %get3A_10 = arith.constant 0 : index
    %get3A_11 = vector.load %arg1[%get3A_9, %get3A_10] : memref<1000x128xf32, #tpu.memory_space<vmem>>, vector<1000x128xf32>
    %add3A = arith.addf %get3A_11, %concatenate3A : vector<1000x128xf32>
    %max3A = arith.constant 0.000000e+00 : f32
    %max3A_12 = vector.broadcast %max3A : f32 to vector<1000x128xf32>
    %max3A_13 = arith.maximumf %add3A, %max3A_12 : vector<1000x128xf32>
    %get3A_14 = arith.constant 0 : index
    %get3A_15 = arith.constant 0 : index
    %get3A_16 = arith.constant 0 : index
    %get3A_17 = vector.load %arg3[%get3A_14, %get3A_15, %get3A_16] : memref<1x1x1000xi32, #tpu.memory_space<vmem>>, vector<1x1x1000xi32>
    %get3A_18 = vector.shape_cast %get3A_17 : vector<1x1x1000xi32> to vector<1000xi32>
    %iota3A = tpu.iota {dimensions = array<i32: 0>} : vector<64x1000xi32>
    %broadcast_in_dim3A = vector.shape_cast %get3A_18 : vector<1000xi32> to vector<1x1000xi32>
    %eq3A = vector.broadcast %broadcast_in_dim3A : vector<1x1000xi32> to vector<64x1000xi32>
    %eq3A_19 = arith.cmpi eq, %iota3A, %eq3A : vector<64x1000xi32>
    %convert_element_type3A = arith.extui %eq3A_19 : vector<64x1000xi1> to vector<64x1000xi32>
    %convert_element_type3A_20 = arith.sitofp %convert_element_type3A : vector<64x1000xi32> to vector<64x1000xf32>
    %dot_general3A = arith.constant dense<0.000000e+00> : vector<64x128xf32>
    %dot_general3A_21 = tpu.matmul %convert_element_type3A_20, %max3A_13, %dot_general3A {dimension_numbers = #tpu.dot_dimension_numbers<[1], [0], [0], [1], [0, 0, 1, 1], [], []>, transpose_lhs_hint = false} : vector<64x1000xf32>, vector<1000x128xf32>, vector<64x128xf32> -> vector<64x128xf32>
    %eq3A_22 = arith.constant 0 : i32
    %eq3A_23 = arith.cmpi eq, %arg0, %eq3A_22 : i32
    %convert_element_type3A_24 = arith.extui %eq3A_23 : i1 to i32
    %cond3A = arith.constant 0 : i32
    %cond3A_25 = arith.cmpi ne, %convert_element_type3A_24, %cond3A : i32
    scf.if %cond3A_25 {
      %swap3A = arith.constant 0 : index
      %swap3A_35 = arith.constant 0 : index
      %swap3A_36 = vector.load %arg9[%swap3A, %swap3A_35] : memref<64x128xf32, #tpu.memory_space<vmem>>, vector<64x128xf32>
      tpu.vector_store %arg9[%swap3A, %swap3A_35], %dot_general3A_21 {strides = array<i32>} : memref<64x128xf32, #tpu.memory_space<vmem>>, vector<64x128xf32>,
    } else {
    }
    %gt3A = arith.constant 0 : i32
    %gt3A_26 = arith.cmpi sgt, %arg0, %gt3A : i32
    %convert_element_type3A_27 = arith.extui %gt3A_26 : i1 to i32
    %cond3A_28 = arith.constant 0 : i32
    %cond3A_29 = arith.cmpi ne, %convert_element_type3A_27, %cond3A_28 : i32
    scf.if %cond3A_29 {
      %get3A_35 = arith.constant 0 : index
      %get3A_36 = arith.constant 0 : index
      %get3A_37 = vector.load %arg9[%get3A_35, %get3A_36] : memref<64x128xf32, #tpu.memory_space<vmem>>, vector<64x128xf32>
      %add3A_38 = arith.addf %get3A_37, %dot_general3A_21 : vector<64x128xf32>
      %swap3A = arith.constant 0 : index
      %swap3A_39 = arith.constant 0 : index
      %swap3A_40 = vector.load %arg9[%swap3A, %swap3A_39] : memref<64x128xf32, #tpu.memory_space<vmem>>, vector<64x128xf32>
      tpu.vector_store %arg9[%swap3A, %swap3A_39], %add3A_38 {strides = array<i32>} : memref<64x128xf32, #tpu.memory_space<vmem>>, vector<64x128xf32>,
    } else {
    }
    %eq3A_30 = arith.constant 9 : i32
    %eq3A_31 = arith.cmpi eq, %arg0, %eq3A_30 : i32
    %convert_element_type3A_32 = arith.extui %eq3A_31 : i1 to i32
    %cond3A_33 = arith.constant 0 : i32
    %cond3A_34 = arith.cmpi ne, %convert_element_type3A_32, %cond3A_33 : i32
    scf.if %cond3A_34 {
      %get3A_35 = arith.constant 0 : index
      %get3A_36 = arith.constant 0 : index
      %get3A_37 = vector.load %arg9[%get3A_35, %get3A_36] : memref<64x128xf32, #tpu.memory_space<vmem>>, vector<64x128xf32>
      %get3A_38 = arith.constant 0 : index
      %get3A_39 = arith.constant 0 : index
      %get3A_40 = vector.load %arg4[%get3A_38, %get3A_39] : memref<128x128xf32, #tpu.memory_space<vmem>>, vector<128x128xf32>
      %dot_general3A_41 = arith.constant dense<0.000000e+00> : vector<64x128xf32>
      %dot_general3A_42 = tpu.matmul %get3A_37, %get3A_40, %dot_general3A_41 {dimension_numbers = #tpu.dot_dimension_numbers<[1], [0], [0], [1], [0, 0, 1, 1], [], []>, transpose_lhs_hint = false} : vector<64x128xf32>, vector<128x128xf32>, vector<64x128xf32> -> vector<64x128xf32>
      %get3A_43 = arith.constant 0 : index
      %get3A_44 = arith.constant 0 : index
      %get3A_45 = vector.load %arg5[%get3A_43, %get3A_44] : memref<1x128xf32, #tpu.memory_space<vmem>>, vector<1x128xf32>
      %add3A_46 = vector.broadcast %get3A_45 : vector<1x128xf32> to vector<64x128xf32>
      %add3A_47 = arith.addf %dot_general3A_42, %add3A_46 : vector<64x128xf32>
      %max3A_48 = arith.constant 0.000000e+00 : f32
      %max3A_49 = vector.broadcast %max3A_48 : f32 to vector<64x128xf32>
      %max3A_50 = arith.maximumf %add3A_47, %max3A_49 : vector<64x128xf32>
      %get3A_51 = arith.constant 0 : index
      %get3A_52 = arith.constant 0 : index
      %get3A_53 = vector.load %arg6[%get3A_51, %get3A_52] : memref<128x128xf32, #tpu.memory_space<vmem>>, vector<128x128xf32>
      %dot_general3A_54 = arith.constant dense<0.000000e+00> : vector<64x128xf32>
      %dot_general3A_55 = tpu.matmul %max3A_50, %get3A_53, %dot_general3A_54 {dimension_numbers = #tpu.dot_dimension_numbers<[1], [0], [0], [1], [0, 0, 1, 1], [], []>, transpose_lhs_hint = false} : vector<64x128xf32>, vector<128x128xf32>, vector<64x128xf32> -> vector<64x128xf32>
      %get3A_56 = arith.constant 0 : index
      %get3A_57 = arith.constant 0 : index
      %get3A_58 = vector.load %arg7[%get3A_56, %get3A_57] : memref<1x128xf32, #tpu.memory_space<vmem>>, vector<1x128xf32>
      %add3A_59 = vector.broadcast %get3A_58 : vector<1x128xf32> to vector<64x128xf32>
      %add3A_60 = arith.addf %dot_general3A_55, %add3A_59 : vector<64x128xf32>
      %swap3A = arith.constant 0 : index
      %swap3A_61 = arith.constant 0 : index
      %swap3A_62 = vector.load %arg8[%swap3A, %swap3A_61] : memref<64x128xf32, #tpu.memory_space<vmem>>, vector<64x128xf32>
      tpu.vector_store %arg8[%swap3A, %swap3A_61], %add3A_60 {strides = array<i32>} : memref<64x128xf32, #tpu.memory_space<vmem>>, vector<64x128xf32>,
    } else {
    }
    return
  }
  func.func @transform_0(%arg0: i32) -> (i32, i32) {
    %c0_i32 = arith.constant 0 : i32
    %c0_i32_0 = arith.constant 0 : i32
    return %arg0, %c0_i32 : i32, i32
  }
  func.func @transform_1(%arg0: i32) -> (i32, i32, i32) {
    %c0_i32 = arith.constant 0 : i32
    %c0_i32_0 = arith.constant 0 : i32
    %c0_i32_1 = arith.constant 0 : i32
    return %c0_i32, %arg0, %c0_i32_0 : i32, i32, i32
  }
  func.func @transform_2(%arg0: i32) -> (i32, i32, i32) {
    %c0_i32 = arith.constant 0 : i32
    %c0_i32_0 = arith.constant 0 : i32
    %c0_i32_1 = arith.constant 0 : i32
    return %arg0, %c0_i32, %c0_i32_0 : i32, i32, i32
  }
  func.func @transform_3(%arg0: i32) -> (i32, i32) {
    %c0_i32 = arith.constant 0 : i32
    %c0_i32_0 = arith.constant 0 : i32
    %c0_i32_1 = arith.constant 0 : i32
    return %c0_i32, %c0_i32_0 : i32, i32
  }
  func.func @transform_4(%arg0: i32) -> (i32, i32) {
    %c0_i32 = arith.constant 0 : i32
    %c0_i32_0 = arith.constant 0 : i32
    %c0_i32_1 = arith.constant 0 : i32
    return %c0_i32, %c0_i32_0 : i32, i32
  }
  func.func @transform_5(%arg0: i32) -> (i32, i32) {
    %c0_i32 = arith.constant 0 : i32
    %c0_i32_0 = arith.constant 0 : i32
    %c0_i32_1 = arith.constant 0 : i32
    return %c0_i32, %c0_i32_0 : i32, i32
  }
  func.func @transform_6(%arg0: i32) -> (i32, i32) {
    %c0_i32 = arith.constant 0 : i32
    %c0_i32_0 = arith.constant 0 : i32
    %c0_i32_1 = arith.constant 0 : i32
    return %c0_i32, %c0_i32_0 : i32, i32
  }
  func.func @transform_7(%arg0: i32) -> (i32, i32) {
    %c0_i32 = arith.constant 0 : i32
    %c0_i32_0 = arith.constant 0 : i32
    %c0_i32_1 = arith.constant 0 : i32
    return %c0_i32, %c0_i32_0 : i32, i32
  }
}

</mosaic_0001>

<sc_bundles>
// kernel: kernel.12.cloned.1.call-start
scs
__scs_entry_jumppad:
0x0: {  	(pc) =	sbr.rel $0x88, $3  }
0x1: {  	(tag) =	ssettag $0x0;
	lr =	simm.s32 $0x1  }
0x2: {  	[smem:$0x3F94] =	sst lr;
	_ =	strace $0xD0000000  }
0x3: {  	_ = 	snop  }
0x4: {  	_ = 	snop  }
0x5: {  	_ = 	snop  }
0x6: {  	_ = 	snop  }
0x7: {  	_ = 	snop  }
__scs_overlays_trampoline_lowered:
0x8: {  	[smem:$0x3FA3] =	sst s0  }
0x9: {  	[smem:$0x3FA4] =	sst s1  }
0xa: {  	[smem:$0x3FA5] =	sst s2  }
0xb: {  	[smem:$0x3FA6] =	sst s3  }
0xc: {  	[smem:$0x3FA7] =	sst s4  }
0xd: {  	[smem:$0x3FA8] =	sst s5  }
0xe: {  	[smem:$0x3FA9] =	sst s6  }
0xf: {  	[smem:$0x3FAA] =	sst s7  }
0x10: {  	[smem:$0x3FAB] =	sst s8  }
0x11: {  	[smem:$0x3FAC] =	sst s9;
	s0 =	simm.s32 @!p0 $0x0  }
0x12: {  	s1 =	sld [smem:$0x3F92];
	s0 =	simm.s32 @p0 $0x1  }
0x13: {  	[smem:$0x3FAD] =	sst s0;
	s0 =	simm.s32 @!p1 $0x0  }
0x14: {  	s2 =	sld [smem:$0x3F91];
	s0 =	simm.s32 @p1 $0x1  }
0x15: {  	[smem:$0x3FAE] =	sst s0;
	s0 =	simm.s32 @!p2 $0x0  }
0x16: {  	s3 =	sld [smem:$0x3FDB];
	s0 =	simm.s32 @p2 $0x1  }
0x17: {  	s4 =	simm.s32 $0x1BF5;
	[smem:$0x3FB0] =	sst s0  }
0x18: {  	s0 =	sld [smem:$0x3F93];
	_ =	swait.ge [sflag:s4], $0x0  }
0x19: {  	s7 =	sld [smem:$0x3F94]  }
0x1a: {  	s8 =	sadd.s32 $0xFFFFE003, lr  }
0x1b: {  	s9 =	sadd.s32 $0xFFFFFEF7, lr;
	s5 =	simm.s32 $0xFFFFFFFF;
	p2 =	slt.u32 s8, $0xFFFFF086  }
0x1c: {  	p1 =	slt.u32 s9, $0xF7A;
	s5 =	simm.s32 @!p2 $0x0  }
0x1d: {  	s5 =	simm.s32 @p1 $0x1;
	p0 =	seq.s32 s7, s2  }
0x1e: {  	s7 =	smul.u32 @!p0 $0xF7A, s2;
	p2 =	seq.s32 @!p0 s5, $0x0  }
0x1f: {  	s9 =	smul.u32 $0xF7A, s1;
	s8 =	simm.s32 @!p0 $0x1BF5;
	p2 =	por !p2, p0  }
0x20: {  	[sflag:s8] =	ssyncset.s32 @!p0 $0xFFFFF086;
	s6 =	sadd.s32 @!p0 s3, s7;
	s7 =	simm.s32 @!p0 $0x108  }
0x21: {  	s3 =	sadd.s32 s3, s9;
	s6 =	sadd.s32 @!p0 $0x88, s6;
	s7 =	simm.s32 @p2 $0x1082  }
0x22: {  	[simem:s7], [sflag:s8] =	dma.local @!p0 [hbm:s6], $0xF7A  }
0x23: {  	s9 =	sor.u32 $0xD0000000, s2;
	s6 =	simm.s32 $0x108;
	_ =	swait.ge @!p0 [sflag:s8], $0x0  }
0x24: {  	s3 =	sadd.s32 $0x88, s3;
	s6 =	simm.s32 @!p1 $0x1082;
	[sflag:s4] =	ssyncset.s32 $0xFFFFF086  }
0x25: {  	[simem:s6], [sflag:s4] =	dma.local [hbm:s3], $0xF7A  }
0x26: {  	[smem:$0x3F94] =	sst s1;
	(tag) =	ssettag s2;
	_ =	strace s9  }
0x27: {  	s1 =	sld [smem:$0x3FA4]  }
0x28: {  	s2 =	sld [smem:$0x3FA5]  }
0x29: {  	s4 =	sld [smem:$0x3FA7]  }
0x2a: {  	p0 =	seq.s32 s5, $0x0;
	s5 =	sld [smem:$0x3FA8]  }
0x2b: {  	s6 =	sld [smem:$0x3FA9]  }
0x2c: {  	s7 =	sld [smem:$0x3FAA]  }
0x2d: {  	s3 =	simm.s32 $0x108;
	s8 =	sld [smem:$0x3FAB]  }
0x2e: {  	s3 =	simm.s32 @!p0 $0x1082;
	s9 =	sld [smem:$0x3FAC]  }
0x2f: {  	lr =	sadd.s32 s0, s3;
	s0 =	sld [smem:$0x3FA3]  }
0x30: {  	s3 =	sld [smem:$0x3FA6]  }
0x31: {  	[smem:$0x3FAF] =	sst s10  }
0x32: {  	s10 =	sld [smem:$0x3FAD];
	_ =	sdelay $0x3  }
0x33: {  	p0 =	seq.s32 s10, $0x1;
	s10 =	sld [smem:$0x3FAF];
	_ =	sdelay $0x3  }
0x34: {  	[smem:$0x3FAF] =	sst s10  }
0x35: {  	s10 =	sld [smem:$0x3FAE];
	_ =	sdelay $0x3  }
0x36: {  	p1 =	seq.s32 s10, $0x1;
	s10 =	sld [smem:$0x3FAF];
	_ =	sdelay $0x3  }
0x37: {  	[smem:$0x3FAF] =	sst s10  }
0x38: {  	s10 =	sld [smem:$0x3FB0]  }
0x39: {  	_ = 	snop;
	(pc) =	sbr.ind lr, $3  }
0x3a: {  	_ = 	snop  }
0x3b: {  	_ = 	snop  }
0x3c: {  	p2 =	seq.s32 s10, $0x1;
	s10 =	sld [smem:$0x3FAF]  }
0x3d: {  	_ =	shalt  }
0x3e: {  	_ =	shalt  }
0x3f: {  	_ =	shalt  }
0x40: {  	_ =	shalt  }
0x41: {  	_ =	shalt  }
0x42: {  	_ =	shalt  }
0x43: {  	_ =	shalt  }
0x44: {  	_ =	shalt  }
0x45: {  	_ =	shalt  }
0x46: {  	_ =	shalt  }
0x47: {  	_ =	shalt  }
0x48: {  	_ =	shalt  }
0x49: {  	_ =	shalt  }
0x4a: {  	_ =	shalt  }
0x4b: {  	_ =	shalt  }
0x4c: {  	_ =	shalt  }
0x4d: {  	_ =	shalt  }
0x4e: {  	_ =	shalt  }
0x4f: {  	_ =	shalt  }
0x50: {  	_ =	shalt  }
0x51: {  	_ =	shalt  }
0x52: {  	_ =	shalt  }
0x53: {  	_ =	shalt  }
0x54: {  	_ =	shalt  }
0x55: {  	_ =	shalt  }
0x56: {  	_ =	shalt  }
0x57: {  	_ =	shalt  }
0x58: {  	_ =	shalt  }
0x59: {  	_ =	shalt  }
0x5a: {  	_ =	shalt  }
0x5b: {  	_ =	shalt  }
0x5c: {  	_ =	shalt  }
0x5d: {  	_ =	shalt  }
0x5e: {  	_ =	shalt  }
0x5f: {  	_ =	shalt  }
0x60: {  	_ =	shalt  }
0x61: {  	_ =	shalt  }
0x62: {  	_ =	shalt  }
0x63: {  	_ =	shalt  }
0x64: {  	_ =	shalt  }
0x65: {  	_ =	shalt  }
0x66: {  	_ =	shalt  }
0x67: {  	_ =	shalt  }
0x68: {  	_ =	shalt  }
0x69: {  	_ =	shalt  }
0x6a: {  	_ =	shalt  }
0x6b: {  	_ =	shalt  }
0x6c: {  	_ =	shalt  }
0x6d: {  	_ =	shalt  }
0x6e: {  	_ =	shalt  }
0x6f: {  	_ =	shalt  }
0x70: {  	_ =	shalt  }
0x71: {  	_ =	shalt  }
0x72: {  	_ =	shalt  }
0x73: {  	_ =	shalt  }
0x74: {  	_ =	shalt  }
0x75: {  	_ =	shalt  }
0x76: {  	_ =	shalt  }
0x77: {  	_ =	shalt  }
0x78: {  	_ =	shalt  }
0x79: {  	_ =	shalt  }
0x7a: {  	_ =	shalt  }
0x7b: {  	_ =	shalt  }
0x7c: {  	_ =	shalt  }
0x7d: {  	_ =	shalt  }
0x7e: {  	_ =	shalt  }
0x7f: {  	_ =	shalt  }
0x80: {  	_ =	shalt  }
0x81: {  	_ =	shalt  }
0x82: {  	_ =	shalt  }
0x83: {  	_ =	shalt  }
0x84: {  	_ =	shalt  }
0x85: {  	_ =	shalt  }
0x86: {  	_ =	shalt  }
0x87: {  	_ =	shalt  }
.Lfunc_end0:
.L_simem_size_0:
called_computation.1_lowered:
.L_overlay_start_0:
0x88: {  	s2 =	sld [smem:$0x3FD9]  }
0x89: {  	s3 =	sld [smem:$0x3FFE];
	_ =	sdelay $0x1  }
0x8a: {  	s1 =	srdreg.scid  }
0x8b: {  	s0 =	sand.u32 $0x1, s1  }
0x8c: {  	s16 =	sshll.u32 s0, $0xA;
	s2 =	sadd.s32 s3, s2  }
0x8d: {  	s2 =	sadd.s32 s2, s16  }
0x8e: {  	[smem:$0x3FBB] =	sst s2  }
0x8f: {  	_ = 	snop  }
0x90: {  	(tm) =	ssettm $0x1  }
0x91: {  	s17 =	sld [smem:$0x3FFB];
	_ =	sdelay $0x3  }
0x92: {  	_ =	strace s17  }
0x93: {  	s2 =	sld [smem:$0x3FFC];
	_ =	sdelay $0x3  }
0x94: {  	_ =	strace s2  }
0x95: {  	s2 =	sld [smem:$0x3FFD];
	_ =	sdelay $0x3  }
0x96: {  	_ =	strace s2  }
0x97: {  	_ =	strace $0x8FFFFFFF  }
0x98: {  	s18 =	sld [smem:$0x3FDB];
	_ =	sdelay $0x1  }
0x99: {  	s19 =	simm.s32 $_scs_section_size  }
0x9a: {  	s4 =	simm.s32 $_size__tile_overlayer_lowered;
	s5 =	simm.s32 $_tile_overlayer_lowered  }
0x9b: {  	s22 =	simm.s32 $0x1BFF;
	s21 =	sshll.u32 s5, $0x1;
	s2 =	sadd.s32 s19, s18  }
0x9c: {  	s6 =	simm.s32 $0x0;
	s20 =	sshll.u32 s4, $0x1;
	s4 =	sadd.s32 s21, s2  }
0x9d: {  	[timem:s6], [sflag:s22] =	dma.local [hbm:s4], s20  }
0x9e: {  	_ =	swait.ge [sflag:s22], s20  }
0x9f: {  	s3 =	ssub.s32 $0x0, s20;
	[sflag:s22] =	ssyncset.done $0x0  }
0xa0: {  	[sflag:s22] =	ssyncadd.s32 s3;
	_ =	sdelay $0x1  }
0xa1: {  	s23 =	simm.s32 $0x1B8B  }
0xa2: {  	_ =	swait.ge [sflag:s23], $0x1  }
0xa3: {  	[sflag:s23] =	ssyncset.done $0x0  }
0xa4: {  	s25 =	simm.s32 $0x1B8E;
	s24 =	sld [smem:$0x3FFE];
	[sflag:s23] =	ssyncadd.s32 $0xFFFFFFFF  }
0xa5: {  	s26 =	simm.s32 $execute0_lowered;
	[smem:$0x3FD2] =	sst s25  }
0xa6: {  	s4 =	sshll.u32 s26, $0x1;
	_ =	strace $0x80000049;
	[dreg:$0x1] =	wrdreg $0xFFFFFFFF  }
0xa7: {  	s28 =	simm.s32 $_size_execute0_lowered;
	s2 =	sadd.s32 s2, s4;
	[dreg:$0x0] =	wrdreg $0x0  }
0xa8: {  	s4 =	sshll.u32 s28, $0x1;
	[dreg:$0x2] =	wrdreg s2  }
0xa9: {  	[dreg:$0x3] =	wrdreg s4  }
0xaa: {  	[dreg:$0x4] =	wrdreg $0xC0  }
0xab: {  	_ =	task [dreg:s6], $0x5FFFF  }
0xac: {  	[dreg:$0x1] =	wrdreg $0xFFFFFFFF  }
0xad: {  	[dreg:$0x0] =	wrdreg $0x60  }
0xae: {  	[dreg:$0x2] =	wrdreg s24  }
0xaf: {  	[dreg:$0x3] =	wrdreg $0x148800  }
0xb0: {  	[dreg:$0x4] =	wrdreg $0x9  }
0xb1: {  	_ =	task.clear_ibuf [dreg:s6], $0x5FFFF;
	_ =	strace $0x90000049  }
0xb2: {  	s29 =	simm.s32 $0x9;
	_ =	strace $0x8000004B  }
0xb3: {  	_ =	swait.ge [sflag:s29], $0x1  }
0xb4: {  	[sflag:s29] =	ssyncadd.s32 $0xFFFFFFFF  }
0xb5: {  	_ =	strace $0x9000004B  }
0xb6: {  	_ =	sfence  }
0xb7: {  	s30 =	sld [smem:$0x0];
	_ =	sdelay $0x2  }
0xb8: {  	s31 =	sshll.u32 s1, $0xD;
	s1 =	sshrl.u32 s1, $0x2  }
0xb9: {  	s3 =	sand.u32 $0x4000, s31;
	s1 =	sadd.s32 s1, s30  }
0xba: {  	s0 =	sor.u32 s3, s0;
	s1 =	sshll.u32 s1, $0x11  }
0xbb: {  	s0 =	sor.u32 s1, s0  }
0xbc: {  	s0 =	sadd.s32 $0x8F2B, s0  }
0xbd: {  	[sflag:s0] =	ssyncadd.remote.s32 $0x1  }
0xbe: {  	_ =	sfence.sel $0xFFFF  }
0xbf: {  	[dreg:$0x0] =	wrdreg $0xFFFFFFFF;
	(pc) =	sbr.abs _section_cstart, $3  }
0xc0: {  	[dreg:$0x1] =	wrdreg $0xFFFFFFFF  }
0xc1: {  	_ =	task.clear_ibuf [dreg:s6], $0x2FFFF;
	_ =	strace $0x9FFFFFFF  }
0xc2: {  	(tm) =	ssettm $0x7FFFFFFF  }
0xc3: {  	_ =	shalt  }
tec
execute0_lowered:
.L_overlay_start_1:
0x0: {  	(tag) =	ssettag $0x1  }
0x1: {  	s0 =	rddreg [dreg:$0x0]  }
0x2: {  	s1 =	rddreg [dreg:$0x1]  }
0x3: {  	s2 =	srdreg.scid;
	s10 =	stileid.u32  }
0x4: {  	s3 =	simm.s32 $0x0;
	s28 =	simm.s32 $0xAC40;
	s6 =	smul.u32 $0x1388, s10  }
0x5: {  	s29 =	simm.s32 $0x1;
	s31 =	simm.s32 $0x3;
	s17 =	smul.u32 $0xEC40, s10  }
0x6: {  	s30 =	simm.s32 $0x5;
	s2 =	sand.u32 $0x1, s2;
	s8 =	smul.u32 $0x27100, s10  }
0x7: {  	[smem:$0x7FF] =	sst s3;
	s4 =	sadd.s32 $0x20800, s0;
	s26 =	smul.u32 $0x1D88, s10  }
0x8: {  	s7 =	sadd.s32 $0x2E00, s0;
	s5 =	smul.u32 $0x13880, s2;
	s18 =	ssub.s32 $0x2, s2  }
0x9: {  	_ =	strace $0x8000004A;
	s2 =	smul.u32 $0x7E0, s2;
	s9 =	sshrl.u32 s18, $0x1  }
0xa: {  	s8 =	sshrl.u32 s8, $0x2;
	s5 =	sadd.s32 s6, s5;
	s9 =	ssub.s32 s18, s9  }
0xb: {  	s6 =	sshrl.u32 s17, $0x3;
	s8 =	sadd.s32 s8, s1;
	s19 =	smax.u32 s9, $0x1  }
0xc: {  	s0 =	sadd.s32 s5, s0;
	s20 =	sadd.s32 $0x1F40, s8;
	[dreg:$0x4] =	wrdreg s19  }
0xd: {  	s5 =	sadd.s32 s7, s6;
	s21 =	sadd.s32 $0x3E80, s8;
	[dreg:$0x5] =	wrdreg s20  }
0xe: {  	s6 =	sshrl.u32 s2, $0x2;
	s22 =	sadd.s32 $0x5DC0, s8;
	[dreg:$0x6] =	wrdreg s21  }
0xf: {  	s23 =	sadd.s32 $0x7D00, s8;
	s2 =	simm.s32 $0x2;
	[dreg:$0x7] =	wrdreg s22  }
0x10: {  	s0 =	sadd.s32 $0x47A00, s0;
	[dreg:$0x8] =	wrdreg s23;
	s24 =	sadd.s32 $0x5E8, s6  }
0x11: {  	s25 =	sadd.s32 $0x2F4, s5;
	s16 =	sadd.s32 $0xBD0, s6;
	s17 =	sadd.s32 $0x11B8, s6  }
0x12: {  	s18 =	sadd.s32 $0x17A0, s6;
	s19 =	sadd.s32 $0x1D88, s6;
	[dreg:$0x3] =	wrdreg s0  }
0x13: {  	s20 =	sadd.s32 $0x2370, s6;
	s21 =	sadd.s32 $0x2958, s6;
	[dreg:$0x9] =	wrdreg s24  }
0x14: {  	s23 =	simm.s32 $0x6;
	[dreg:$0xa] =	wrdreg s25;
	s0 =	sadd.s32 s26, s7  }
0x15: {  	s24 =	simm.s32 $0x1F4;
	s25 =	simm.s32 $0x2F40;
	s26 =	simm.s32 $0x12940  }
0x16: {  	v0 =	vimm.f32 $0.0e+00;
	s7 =	simm.s32 $0x0;
	s22 =	sadd.s32 $0x5E8, s0;
	s0 =	simm.s32 $0x4  }
.LBB2_1:
0x17: {  	s10 =	simm.s32 $0x100;
	s9 =	simm.s32 $0x0  }
.LBB2_2:
0x18: {  	p0 =	sne.s32 s10, $0x7C00;
	[tilespmem:s9+$0x12970] =	vst v0;
	s11 =	smov.u32 s10;
	s10 =	sadd.s32 $0x100, s10  }
.Ltmp0:
0x19: {  	[tilespmem:s9+$0x12960] =	vst v0;
	(pc) =	sbr.rel @p0 .LBB2_2-.Ltmp0, $3  }
0x1a: {  	[tilespmem:s9+$0x12940] =	vst v0  }
0x1b: {  	[tilespmem:s9+$0x12950] =	vst v0;
	_ =	sdelay $0x1  }
0x1c: {  	s9 =	sshra.s32 s11, $0x2  }
0x1d: {  	[tilespmem:s9+$0x12970] =	vst v0  }
0x1e: {  	[tilespmem:s9+$0x12960] =	vst v0  }
0x1f: {  	[tilespmem:s9+$0x12940] =	vst v0  }
0x20: {  	[tilespmem:s9+$0x12950] =	vst v0  }
0x21: {  	[tilespmem:s3], [sflag:$0x6] =	stream.linear.gather [hbm4b:s5+s3], $0x17A0, $0x38;
	[tilespmem:$0x1E4C0] =	vst v63  }
0x22: {  	_ =	swait.ge [sflag:s23], $0x17A0  }
0x23: {  	[sflag:s23] =	ssyncset.done $0x0  }
0x24: {  	[sflag:s23] =	ssyncadd.s32 $0xFFFFE860  }
0x25: {  	[tilespmem:s25], [sflag:$0x1] =	stream.indirect.gather [hbm4b:s4+s24], $0x40, s6, s24, $0xb8;
	[tilespmem:$0x1E4C0] =	vst v63  }
0x26: {  	_ = 	snop  }
0x27: {  	[spmem:s8] =	stream.linear.scatter [tilespmem:s26], [sflag:$0x6], $0x1F40, $0x38;
	[tilespmem:$0x1E4C0] =	vst v63  }
0x28: {  	_ =	swait.ge [sflag:s23], $0x1F40  }
0x29: {  	[sflag:s23] =	ssyncset.done $0x0  }
0x2a: {  	s13 =	rddreg [dreg:$0x5];
	[sflag:s23] =	ssyncadd.s32 $0xFFFFE0C0  }
0x2b: {  	[spmem:s13] =	stream.linear.scatter [tilespmem:s26], [sflag:$0x6], $0x1F40, $0x38;
	[tilespmem:$0x1E4C0] =	vst v63  }
0x2c: {  	_ =	swait.ge [sflag:s23], $0x1F40  }
0x2d: {  	[sflag:s23] =	ssyncset.done $0x0  }
0x2e: {  	s14 =	rddreg [dreg:$0x6];
	[sflag:s23] =	ssyncadd.s32 $0xFFFFE0C0  }
0x2f: {  	[spmem:s14] =	stream.linear.scatter [tilespmem:s26], [sflag:$0x6], $0x1F40, $0x38;
	[tilespmem:$0x1E4C0] =	vst v63  }
0x30: {  	_ =	swait.ge [sflag:s23], $0x1F40  }
0x31: {  	[sflag:s23] =	ssyncset.done $0x0  }
0x32: {  	s15 =	rddreg [dreg:$0x7];
	[sflag:s23] =	ssyncadd.s32 $0xFFFFE0C0  }
0x33: {  	[spmem:s15] =	stream.linear.scatter [tilespmem:s26], [sflag:$0x6], $0x1F40, $0x38;
	[tilespmem:$0x1E4C0] =	vst v63  }
0x34: {  	_ =	swait.ge [sflag:s23], $0x1F40  }
0x35: {  	[sflag:s23] =	ssyncset.done $0x0  }
0x36: {  	s10 =	rddreg [dreg:$0x8];
	[sflag:s23] =	ssyncadd.s32 $0xFFFFE0C0  }
0x37: {  	[spmem:s10] =	stream.linear.scatter [tilespmem:s26], [sflag:$0x6], $0x1F40, $0x38;
	[tilespmem:$0x1E4C0] =	vst v63  }
0x38: {  	_ =	swait.ge [sflag:s23], $0x1F40  }
0x39: {  	[sflag:s23] =	ssyncset.done $0x0  }
0x3a: {  	[sflag:s23] =	ssyncadd.s32 $0xFFFFE0C0  }
0x3b: {  	[bflag:$0x0] =	sbarrier.arrive $0xFFFF  }
0x3c: {  	s11 =	rddreg [dreg:$0x9]  }
0x3d: {  	[tilespmem:s28], [sflag:$0x2] =	stream.indirect.gather [hbm4b:s4+s24], $0x40, s11, s24, $0xb8;
	[tilespmem:$0x1E4C0] =	vst v63  }
0x3e: {  	_ =	swait.ge [sflag:s29], $0x7D00  }
0x3f: {  	[sflag:s29] =	ssyncset.done $0x0  }
0x40: {  	s12 =	simm.s32 $0x3F0;
	[sflag:s29] =	ssyncadd.s32 $0xFFFF8300  }
0x41: {  	[spmem:s1] =	stream.indirect.scatter.add.f32 [tilespmem:s25], [sflag:$0x3], $0x40, s12, s24, $0xb8;
	[tilespmem:$0x1E4C0] =	vst v63  }
0x42: {  	_ =	swait.ge [sflag:s31], $0x7D00  }
0x43: {  	[sflag:s31] =	ssyncset.done $0x0  }
0x44: {  	s10 =	simm.s32 $0x17A0;
	s13 =	rddreg [dreg:$0xa];
	[sflag:s31] =	ssyncadd.s32 $0xFFFF8300  }
0x45: {  	[tilespmem:s10], [sflag:$0x5] =	stream.linear.gather [hbm4b:s13+s3], $0x17A0, $0x38;
	[tilespmem:$0x1E4C0] =	vst v63  }
0x46: {  	s14 =	simm.s32 $0x2  }
0x47: {  	[tilespmem:s25], [sflag:$0x1] =	stream.indirect.gather [hbm4b:s4+s24], $0x40, s16, s24, $0xb8;
	[tilespmem:$0x1E4C0] =	vst v63  }
0x48: {  	_ =	swait.ge [sflag:s14], $0x7D00  }
0x49: {  	[sflag:s14] =	ssyncset.done $0x0  }
0x4a: {  	s15 =	simm.s32 $0x9D8;
	[sflag:s14] =	ssyncadd.s32 $0xFFFF8300  }
0x4b: {  	[spmem:s1] =	stream.indirect.scatter.add.f32 [tilespmem:s28], [sflag:$0x4], $0x40, s15, s24, $0xb8;
	[tilespmem:$0x1E4C0] =	vst v63  }
0x4c: {  	_ =	swait.ge [sflag:s0], $0x7D00  }
0x4d: {  	[sflag:s0] =	ssyncset.done $0x0  }
0x4e: {  	[sflag:s0] =	ssyncadd.s32 $0xFFFF8300  }
0x4f: {  	[tilespmem:s28], [sflag:$0x2] =	stream.indirect.gather [hbm4b:s4+s24], $0x40, s17, s24, $0xb8;
	[tilespmem:$0x1E4C0] =	vst v63  }
0x50: {  	_ =	swait.ge [sflag:s29], $0x7D00  }
0x51: {  	[sflag:s29] =	ssyncset.done $0x0  }
0x52: {  	s11 =	simm.s32 $0xFC0;
	[sflag:s29] =	ssyncadd.s32 $0xFFFF8300  }
0x53: {  	[spmem:s1] =	stream.indirect.scatter.add.f32 [tilespmem:s25], [sflag:$0x3], $0x40, s11, s24, $0xb8;
	[tilespmem:$0x1E4C0] =	vst v63  }
0x54: {  	_ =	swait.ge [sflag:s31], $0x7D00  }
0x55: {  	[sflag:s31] =	ssyncset.done $0x0  }
0x56: {  	[sflag:s31] =	ssyncadd.s32 $0xFFFF8300  }
0x57: {  	_ =	swait.ge [sflag:s30], $0x17A0  }
0x58: {  	[sflag:s30] =	ssyncset.done $0x0  }
0x59: {  	[sflag:s30] =	ssyncadd.s32 $0xFFFFE860  }
0x5a: {  	[tilespmem:s25], [sflag:$0x1] =	stream.indirect.gather [hbm4b:s4+s24], $0x40, s18, s24, $0xb8;
	[tilespmem:$0x1E4C0] =	vst v63  }
0x5b: {  	s9 =	sand.u32 $0x1, s14;
	_ =	swait.ge [sflag:s14], $0x7D00  }
0x5c: {  	p0 =	seq.s32 s9, $0x1;
	[sflag:s14] =	ssyncset.done $0x0  }
0x5d: {  	s9 =	simm.s32 $0x0;
	s12 =	simm.s32 $0x15A8;
	[sflag:s14] =	ssyncadd.s32 $0xFFFF8300  }
0x5e: {  	[spmem:s1] =	stream.indirect.scatter.add.f32 [tilespmem:s28], [sflag:$0x4], $0x40, s12, s24, $0xb8;
	[tilespmem:$0x1E4C0] =	vst v63  }
0x5f: {  	s9 =	simm.s32 @!p0 $0x17A0;
	_ =	swait.ge [sflag:s0], $0x7D00  }
0x60: {  	s13 =	sadd.s32 s9, s6;
	[sflag:s0] =	ssyncset.done $0x0  }
0x61: {  	s11 =	sadd.s32 $0x5E8, s13;
	[sflag:s0] =	ssyncadd.s32 $0xFFFF8300  }
0x62: {  	[tilespmem:s28], [sflag:$0x2] =	stream.indirect.gather [hbm4b:s4+s24], $0x40, s11, s24, $0xb8;
	[tilespmem:$0x1E4C0] =	vst v63  }
0x63: {  	_ =	swait.ge [sflag:s29], $0x7D00  }
0x64: {  	[sflag:s29] =	ssyncset.done $0x0  }
0x65: {  	s14 =	sadd.s32 $0x3F0, s9;
	[sflag:s29] =	ssyncadd.s32 $0xFFFF8300  }
0x66: {  	[spmem:s1] =	stream.indirect.scatter.add.f32 [tilespmem:s25], [sflag:$0x3], $0x40, s14, s24, $0xb8;
	[tilespmem:$0x1E4C0] =	vst v63  }
0x67: {  	_ =	swait.ge [sflag:s31], $0x7D00  }
0x68: {  	s11 =	simm.s32 $0x17A0;
	[sflag:s31] =	ssyncset.done $0x0  }
0x69: {  	s11 =	simm.s32 @!p0 $0x0;
	[sflag:s31] =	ssyncadd.s32 $0xFFFF8300  }
0x6a: {  	[tilespmem:s11], [sflag:$0x5] =	stream.linear.gather [hbm4b:s22+s3], $0x17A0, $0x38;
	[tilespmem:$0x1E4C0] =	vst v63  }
0x6b: {  	s12 =	sadd.s32 $0xBD0, s13  }
0x6c: {  	[tilespmem:s25], [sflag:$0x1] =	stream.indirect.gather [hbm4b:s4+s24], $0x40, s12, s24, $0xb8;
	[tilespmem:$0x1E4C0] =	vst v63  }
0x6d: {  	_ =	swait.ge [sflag:s2], $0x7D00  }
0x6e: {  	[sflag:s2] =	ssyncset.done $0x0  }
0x6f: {  	s15 =	sadd.s32 $0x9D8, s9;
	[sflag:s2] =	ssyncadd.s32 $0xFFFF8300  }
0x70: {  	[spmem:s1] =	stream.indirect.scatter.add.f32 [tilespmem:s28], [sflag:$0x4], $0x40, s15, s24, $0xb8;
	[tilespmem:$0x1E4C0] =	vst v63  }
0x71: {  	_ =	swait.ge [sflag:s0], $0x7D00  }
0x72: {  	[sflag:s0] =	ssyncset.done $0x0  }
0x73: {  	s10 =	sadd.s32 $0x11B8, s13;
	[sflag:s0] =	ssyncadd.s32 $0xFFFF8300  }
0x74: {  	[tilespmem:s28], [sflag:$0x2] =	stream.indirect.gather [hbm4b:s4+s24], $0x40, s10, s24, $0xb8;
	[tilespmem:$0x1E4C0] =	vst v63  }
0x75: {  	_ =	swait.ge [sflag:s29], $0x7D00  }
0x76: {  	[sflag:s29] =	ssyncset.done $0x0  }
0x77: {  	s13 =	sadd.s32 $0xFC0, s9;
	[sflag:s29] =	ssyncadd.s32 $0xFFFF8300  }
0x78: {  	[spmem:s1] =	stream.indirect.scatter.add.f32 [tilespmem:s25], [sflag:$0x3], $0x40, s13, s24, $0xb8;
	[tilespmem:$0x1E4C0] =	vst v63  }
0x79: {  	_ =	swait.ge [sflag:s31], $0x7D00  }
0x7a: {  	[sflag:s31] =	ssyncset.done $0x0  }
0x7b: {  	[sflag:s31] =	ssyncadd.s32 $0xFFFF8300  }
0x7c: {  	s14 =	sadd.s32 s11, s6;
	_ =	swait.ge [sflag:s30], $0x17A0  }
0x7d: {  	s11 =	simm.s32 $0x4;
	s15 =	simm.s32 $0x3;
	[sflag:s30] =	ssyncset.done $0x0  }
0x7e: {  	s12 =	sand.u32 $0x1, s15;
	s10 =	sadd.s32 $0x2F4, s22;
	[sflag:s30] =	ssyncadd.s32 $0xFFFFE860  }
0x7f: {  	[tilespmem:s25], [sflag:$0x1] =	stream.indirect.gather [hbm4b:s4+s24], $0x40, s14, s24, $0xb8;
	[tilespmem:$0x1E4C0] =	vst v63  }
.LBB2_4:
0x80: {  	p1 =	seq.s32 s12, $0x1;
	_ =	swait.ge [sflag:s2], $0x7D00;
	s12 =	smov.u32 s11  }
0x81: {  	s13 =	sadd.s32 $0x1, s11;
	s14 =	sadd.s32 $0x15A8, s9;
	s9 =	simm.s32 $0x0  }
0x82: {  	[sflag:s2] =	ssyncset.done $0x0;
	s9 =	simm.s32 @!p1 $0x17A0  }
0x83: {  	p0 =	sne.s32 s11, $0x9;
	s11 =	sadd.s32 s9, s6;
	[sflag:s2] =	ssyncadd.s32 $0xFFFF8300  }
0x84: {  	[spmem:s1] =	stream.indirect.scatter.add.f32 [tilespmem:s28], [sflag:$0x4], $0x40, s14, s24, $0xb8;
	[tilespmem:$0x1E4C0] =	vst v63  }
0x85: {  	_ =	swait.ge [sflag:s0], $0x7D00  }
0x86: {  	[sflag:s0] =	ssyncset.done $0x0  }
0x87: {  	s14 =	sadd.s32 $0x5E8, s11;
	[sflag:s0] =	ssyncadd.s32 $0xFFFF8300  }
0x88: {  	[tilespmem:s28], [sflag:$0x2] =	stream.indirect.gather [hbm4b:s4+s24], $0x40, s14, s24, $0xb8;
	[tilespmem:$0x1E4C0] =	vst v63  }
0x89: {  	_ =	swait.ge [sflag:s29], $0x7D00  }
0x8a: {  	[sflag:s29] =	ssyncset.done $0x0  }
0x8b: {  	s14 =	sadd.s32 $0x3F0, s9;
	[sflag:s29] =	ssyncadd.s32 $0xFFFF8300  }
0x8c: {  	[spmem:s1] =	stream.indirect.scatter.add.f32 [tilespmem:s25], [sflag:$0x3], $0x40, s14, s24, $0xb8;
	[tilespmem:$0x1E4C0] =	vst v63  }
0x8d: {  	_ =	swait.ge [sflag:s31], $0x7D00  }
0x8e: {  	s14 =	simm.s32 $0x17A0;
	[sflag:s31] =	ssyncset.done $0x0  }
0x8f: {  	s14 =	simm.s32 @!p1 $0x0;
	[sflag:s31] =	ssyncadd.s32 $0xFFFF8300  }
0x90: {  	[tilespmem:s14], [sflag:$0x5] =	stream.linear.gather [hbm4b:s10+s3], $0x17A0, $0x38;
	[tilespmem:$0x1E4C0] =	vst v63  }
0x91: {  	s15 =	sadd.s32 $0xBD0, s11  }
0x92: {  	[tilespmem:s25], [sflag:$0x1] =	stream.indirect.gather [hbm4b:s4+s24], $0x40, s15, s24, $0xb8;
	[tilespmem:$0x1E4C0] =	vst v63  }
0x93: {  	_ =	swait.ge [sflag:s2], $0x7D00  }
0x94: {  	[sflag:s2] =	ssyncset.done $0x0  }
0x95: {  	s15 =	sadd.s32 $0x9D8, s9;
	[sflag:s2] =	ssyncadd.s32 $0xFFFF8300  }
0x96: {  	[spmem:s1] =	stream.indirect.scatter.add.f32 [tilespmem:s28], [sflag:$0x4], $0x40, s15, s24, $0xb8;
	[tilespmem:$0x1E4C0] =	vst v63  }
0x97: {  	_ =	swait.ge [sflag:s0], $0x7D00  }
0x98: {  	[sflag:s0] =	ssyncset.done $0x0  }
0x99: {  	s11 =	sadd.s32 $0x11B8, s11;
	[sflag:s0] =	ssyncadd.s32 $0xFFFF8300  }
0x9a: {  	[tilespmem:s28], [sflag:$0x2] =	stream.indirect.gather [hbm4b:s4+s24], $0x40, s11, s24, $0xb8;
	[tilespmem:$0x1E4C0] =	vst v63  }
0x9b: {  	_ =	swait.ge [sflag:s29], $0x7D00  }
0x9c: {  	[sflag:s29] =	ssyncset.done $0x0  }
0x9d: {  	s11 =	sadd.s32 $0xFC0, s9;
	[sflag:s29] =	ssyncadd.s32 $0xFFFF8300  }
0x9e: {  	[spmem:s1] =	stream.indirect.scatter.add.f32 [tilespmem:s25], [sflag:$0x3], $0x40, s11, s24, $0xb8;
	[tilespmem:$0x1E4C0] =	vst v63  }
0x9f: {  	_ =	swait.ge [sflag:s31], $0x7D00  }
0xa0: {  	[sflag:s31] =	ssyncset.done $0x0  }
0xa1: {  	[sflag:s31] =	ssyncadd.s32 $0xFFFF8300  }
.Ltmp1:
0xa2: {  	_ =	swait.ge [sflag:s30], $0x17A0;
	(pc) =	sbr.rel @p0 .LBB2_4-.Ltmp1, $4  }
0xa3: {  	s10 =	sadd.s32 $0x2F4, s10;
	[sflag:s30] =	ssyncset.done $0x0  }
0xa4: {  	s12 =	sand.u32 $0x1, s12;
	s11 =	sadd.s32 s14, s6;
	[sflag:s30] =	ssyncadd.s32 $0xFFFFE860  }
0xa5: {  	[tilespmem:s25], [sflag:$0x1] =	stream.indirect.gather [hbm4b:s4+s24], $0x40, s11, s24, $0xb8;
	[tilespmem:$0x1E4C0] =	vst v63  }
0xa6: {  	s11 =	smov.u32 s13  }
0xa7: {  	_ =	swait.ge [sflag:s2], $0x7D00  }
0xa8: {  	p0 =	seq.s32 s12, $0x1;
	[sflag:s2] =	ssyncset.done $0x0  }
0xa9: {  	s11 =	simm.s32 $0x0;
	s9 =	sadd.s32 $0x15A8, s9;
	[sflag:s2] =	ssyncadd.s32 $0xFFFF8300  }
0xaa: {  	[spmem:s1] =	stream.indirect.scatter.add.f32 [tilespmem:s28], [sflag:$0x4], $0x40, s9, s24, $0xb8;
	[tilespmem:$0x1E4C0] =	vst v63  }
0xab: {  	s11 =	simm.s32 @!p0 $0x17A0;
	_ =	swait.ge [sflag:s0], $0x7D00  }
0xac: {  	s9 =	sadd.s32 s11, s6;
	[sflag:s0] =	ssyncset.done $0x0  }
0xad: {  	s15 =	sadd.s32 $0x5E8, s9;
	[sflag:s0] =	ssyncadd.s32 $0xFFFF8300  }
0xae: {  	[tilespmem:s28], [sflag:$0x2] =	stream.indirect.gather [hbm4b:s4+s24], $0x40, s15, s24, $0xb8;
	[tilespmem:$0x1E4C0] =	vst v63  }
0xaf: {  	_ =	swait.ge [sflag:s29], $0x7D00  }
0xb0: {  	[sflag:s29] =	ssyncset.done $0x0  }
0xb1: {  	s13 =	sadd.s32 $0x3F0, s11;
	[sflag:s29] =	ssyncadd.s32 $0xFFFF8300  }
0xb2: {  	[spmem:s1] =	stream.indirect.scatter.add.f32 [tilespmem:s25], [sflag:$0x3], $0x40, s13, s24, $0xb8;
	[tilespmem:$0x1E4C0] =	vst v63  }
0xb3: {  	_ =	swait.ge [sflag:s31], $0x7D00  }
0xb4: {  	s12 =	simm.s32 $0x17A0;
	[sflag:s31] =	ssyncset.done $0x0  }
0xb5: {  	s12 =	simm.s32 @!p0 $0x0;
	[sflag:s31] =	ssyncadd.s32 $0xFFFF8300  }
0xb6: {  	[tilespmem:s12], [sflag:$0x5] =	stream.linear.gather [hbm4b:s10+s3], $0x17A0, $0x38;
	[tilespmem:$0x1E4C0] =	vst v63  }
0xb7: {  	s14 =	sadd.s32 $0xBD0, s9  }
0xb8: {  	[tilespmem:s25], [sflag:$0x1] =	stream.indirect.gather [hbm4b:s4+s24], $0x40, s14, s24, $0xb8;
	[tilespmem:$0x1E4C0] =	vst v63  }
0xb9: {  	_ =	swait.ge [sflag:s2], $0x7D00  }
0xba: {  	[sflag:s2] =	ssyncset.done $0x0  }
0xbb: {  	s15 =	sadd.s32 $0x9D8, s11;
	[sflag:s2] =	ssyncadd.s32 $0xFFFF8300  }
0xbc: {  	[spmem:s1] =	stream.indirect.scatter.add.f32 [tilespmem:s28], [sflag:$0x4], $0x40, s15, s24, $0xb8;
	[tilespmem:$0x1E4C0] =	vst v63  }
0xbd: {  	_ =	swait.ge [sflag:s0], $0x7D00  }
0xbe: {  	[sflag:s0] =	ssyncset.done $0x0  }
0xbf: {  	s9 =	sadd.s32 $0x11B8, s9;
	[sflag:s0] =	ssyncadd.s32 $0xFFFF8300  }
0xc0: {  	[tilespmem:s28], [sflag:$0x2] =	stream.indirect.gather [hbm4b:s4+s24], $0x40, s9, s24, $0xb8;
	[tilespmem:$0x1E4C0] =	vst v63  }
0xc1: {  	_ =	swait.ge [sflag:s29], $0x7D00  }
0xc2: {  	[sflag:s29] =	ssyncset.done $0x0  }
0xc3: {  	s10 =	sadd.s32 $0xFC0, s11;
	[sflag:s29] =	ssyncadd.s32 $0xFFFF8300  }
0xc4: {  	[spmem:s1] =	stream.indirect.scatter.add.f32 [tilespmem:s25], [sflag:$0x3], $0x40, s10, s24, $0xb8;
	[tilespmem:$0x1E4C0] =	vst v63  }
0xc5: {  	_ =	swait.ge [sflag:s31], $0x7D00  }
0xc6: {  	[sflag:s31] =	ssyncset.done $0x0  }
0xc7: {  	[sflag:s31] =	ssyncadd.s32 $0xFFFF8300  }
0xc8: {  	_ =	swait.ge [sflag:s30], $0x17A0  }
0xc9: {  	[sflag:s30] =	ssyncset.done $0x0  }
0xca: {  	s12 =	sadd.s32 s12, s6;
	[sflag:s30] =	ssyncadd.s32 $0xFFFFE860  }
0xcb: {  	[tilespmem:s25], [sflag:$0x1] =	stream.indirect.gather [hbm4b:s4+s24], $0x40, s12, s24, $0xb8;
	[tilespmem:$0x1E4C0] =	vst v63  }
0xcc: {  	_ =	swait.ge [sflag:s2], $0x7D00  }
0xcd: {  	[sflag:s2] =	ssyncset.done $0x0  }
0xce: {  	s13 =	sadd.s32 $0x15A8, s11;
	[sflag:s2] =	ssyncadd.s32 $0xFFFF8300  }
0xcf: {  	[spmem:s1] =	stream.indirect.scatter.add.f32 [tilespmem:s28], [sflag:$0x4], $0x40, s13, s24, $0xb8;
	[tilespmem:$0x1E4C0] =	vst v63  }
0xd0: {  	_ =	swait.ge [sflag:s0], $0x7D00  }
0xd1: {  	[sflag:s0] =	ssyncset.done $0x0  }
0xd2: {  	[sflag:s0] =	ssyncadd.s32 $0xFFFF8300  }
0xd3: {  	[tilespmem:s28], [sflag:$0x2] =	stream.indirect.gather [hbm4b:s4+s24], $0x40, s19, s24, $0xb8;
	[tilespmem:$0x1E4C0] =	vst v63  }
0xd4: {  	_ =	swait.ge [sflag:s29], $0x7D00  }
0xd5: {  	[sflag:s29] =	ssyncset.done $0x0  }
0xd6: {  	s14 =	simm.s32 $0x1B90;
	[sflag:s29] =	ssyncadd.s32 $0xFFFF8300  }
0xd7: {  	[spmem:s1] =	stream.indirect.scatter.add.f32 [tilespmem:s25], [sflag:$0x3], $0x40, s14, s24, $0xb8;
	[tilespmem:$0x1E4C0] =	vst v63  }
0xd8: {  	_ =	swait.ge [sflag:s31], $0x7D00  }
0xd9: {  	[sflag:s31] =	ssyncset.done $0x0  }
0xda: {  	[sflag:s31] =	ssyncadd.s32 $0xFFFF8300  }
0xdb: {  	[tilespmem:s25], [sflag:$0x1] =	stream.indirect.gather [hbm4b:s4+s24], $0x40, s20, s24, $0xb8;
	[tilespmem:$0x1E4C0] =	vst v63  }
0xdc: {  	_ =	swait.ge [sflag:s2], $0x7D00  }
0xdd: {  	[sflag:s2] =	ssyncset.done $0x0  }
0xde: {  	s15 =	simm.s32 $0x2178;
	[sflag:s2] =	ssyncadd.s32 $0xFFFF8300  }
0xdf: {  	[spmem:s1] =	stream.indirect.scatter.add.f32 [tilespmem:s28], [sflag:$0x4], $0x40, s15, s24, $0xb8;
	[tilespmem:$0x1E4C0] =	vst v63  }
0xe0: {  	_ =	swait.ge [sflag:s0], $0x7D00  }
0xe1: {  	[sflag:s0] =	ssyncset.done $0x0  }
0xe2: {  	[sflag:s0] =	ssyncadd.s32 $0xFFFF8300  }
0xe3: {  	[tilespmem:s28], [sflag:$0x2] =	stream.indirect.gather [hbm4b:s4+s24], $0x40, s21, s24, $0xb8;
	[tilespmem:$0x1E4C0] =	vst v63  }
0xe4: {  	_ =	swait.ge [sflag:s29], $0x7D00  }
0xe5: {  	[sflag:s29] =	ssyncset.done $0x0  }
0xe6: {  	s10 =	simm.s32 $0x2760;
	[sflag:s29] =	ssyncadd.s32 $0xFFFF8300  }
0xe7: {  	[spmem:s1] =	stream.indirect.scatter.add.f32 [tilespmem:s25], [sflag:$0x3], $0x40, s10, s24, $0xb8;
	[tilespmem:$0x1E4C0] =	vst v63  }
0xe8: {  	_ =	swait.ge [sflag:s31], $0x7D00  }
0xe9: {  	[sflag:s31] =	ssyncset.done $0x0  }
0xea: {  	[sflag:s31] =	ssyncadd.s32 $0xFFFF8300  }
0xeb: {  	_ =	swait.ge [sflag:s2], $0x7D00  }
0xec: {  	[sflag:s2] =	ssyncset.done $0x0  }
0xed: {  	s11 =	simm.s32 $0x2D48;
	[sflag:s2] =	ssyncadd.s32 $0xFFFF8300  }
0xee: {  	[spmem:s1] =	stream.indirect.scatter.add.f32 [tilespmem:s28], [sflag:$0x4], $0x40, s11, s24, $0xb8;
	[tilespmem:$0x1E4C0] =	vst v63  }
0xef: {  	_ =	swait.ge [sflag:s0], $0x7D00  }
0xf0: {  	[sflag:s0] =	ssyncset.done $0x0  }
0xf1: {  	s12 =	stileid.u32;
	[sflag:s0] =	ssyncadd.s32 $0xFFFF8300  }
0xf2: {  	s9 =	sshll.u32 s12, $0x6;
	[bflag:$0x0] =	sbarrier.arrive $0xFFFF  }
0xf3: {  	s9 =	sor.u32 $0x1C06, s9;
	s13 =	sshrl.u32 s8, $0x3;
	s14 =	rddreg [dreg:$0x3]  }
0xf4: {  	[hbm:s14], [sflag:s9] =	dma.local [spmem:s13], $0x1388  }
0xf5: {  	_ =	swait.ge [sflag:s23], $0x1388  }
0xf6: {  	s7 =	sadd.s32 $0x1, s7;
	s15 =	rddreg [dreg:$0x4]  }
0xf7: {  	p0 =	sne.s32 s7, s15  }
.Ltmp2:
0xf8: {  	_ = 	snop;
	(pc) =	sbr.rel @p0 .LBB2_1-.Ltmp2, $3  }
0xf9: {  	_ =	sdelay $0x1  }
0xfa: {  	[sflag:s23] =	ssyncset.done $0x0  }
0xfb: {  	[sflag:s23] =	ssyncadd.s32 $0xFFFFEC78  }
0xfc: {  	_ =	sfence.sel $0x180000  }
0xfd: {  	[bflag:$0x0] =	sbarrier.arrive $0xFFFF  }
0xfe: {  	_ =	strace $0x9000004A  }
0xff: {  	s0 =	stileid.u32;
	[bflag:$0x2] =	sbarrier.arrive $0xFFFF  }
0x100: {  	p0 =	sne.s32 s0, $0x0;
	s0 =	rddreg [dreg:$0x2]  }
0x101: {  	s0 =	sadd.s32 @!p0 $0x100000, s0  }
0x102: {  	[sflag:s0] =	ssyncadd.tile.s32 @!p0 $0x1;
	_ =	shalt  }
.Lfunc_end2:
_tile_overlayer_lowered:
.L_overlay_start_2:
0x103: {  	(tag) =	ssettag $0x2  }
0x104: {  	s0 =	rddreg [dreg:$0x0];
	s2 =	stileid.u32  }
0x105: {  	s1 =	rddreg [dreg:$0x1];
	p0 =	sne.s32 s2, $0x0  }
0x106: {  	s3 =	rddreg [dreg:$0x2];
	[bflag:$0x3] =	sbarrier.arrive $0xFFFF;
	s2 =	simm.s32 @!p0 $0x1C06  }
0x107: {  	[timem:s3], [sflag:s2] =	dma.local @!p0 [hbm:s0], s1  }
0x108: {  	s0 =	simm.s32 @!p0 $0x6  }
0x109: {  	_ =	swait.ge @!p0 [sflag:s0], s1  }
0x10a: {  	s1 =	ssub.s32 @!p0 $0x0, s1;
	[sflag:s0] =	ssyncset.done @!p0 $0x0  }
0x10b: {  	[sflag:s0] =	ssyncadd.s32 @!p0 s1  }
0x10c: {  	[bflag:$0x3] =	sbarrier.arrive $0xFFFF  }
0x10d: {  	_ =	shalt  }

// kernel: kernel.15.cloned.1.call-start
scs
__scs_entry_jumppad:
0x0: {  	(pc) =	sbr.rel $0x88, $3  }
0x1: {  	(tag) =	ssettag $0x0;
	lr =	simm.s32 $0x1  }
0x2: {  	[smem:$0x3F94] =	sst lr;
	_ =	strace $0xD0000000  }
0x3: {  	_ = 	snop  }
0x4: {  	_ = 	snop  }
0x5: {  	_ = 	snop  }
0x6: {  	_ = 	snop  }
0x7: {  	_ = 	snop  }
__scs_overlays_trampoline_lowered:
0x8: {  	[smem:$0x3FA3] =	sst s0  }
0x9: {  	[smem:$0x3FA4] =	sst s1  }
0xa: {  	[smem:$0x3FA5] =	sst s2  }
0xb: {  	[smem:$0x3FA6] =	sst s3  }
0xc: {  	[smem:$0x3FA7] =	sst s4  }
0xd: {  	[smem:$0x3FA8] =	sst s5  }
0xe: {  	[smem:$0x3FA9] =	sst s6  }
0xf: {  	[smem:$0x3FAA] =	sst s7  }
0x10: {  	[smem:$0x3FAB] =	sst s8  }
0x11: {  	[smem:$0x3FAC] =	sst s9;
	s0 =	simm.s32 @!p0 $0x0  }
0x12: {  	s1 =	sld [smem:$0x3F92];
	s0 =	simm.s32 @p0 $0x1  }
0x13: {  	[smem:$0x3FAD] =	sst s0;
	s0 =	simm.s32 @!p1 $0x0  }
0x14: {  	s2 =	sld [smem:$0x3F91];
	s0 =	simm.s32 @p1 $0x1  }
0x15: {  	[smem:$0x3FAE] =	sst s0;
	s0 =	simm.s32 @!p2 $0x0  }
0x16: {  	s3 =	sld [smem:$0x3FDB];
	s0 =	simm.s32 @p2 $0x1  }
0x17: {  	s4 =	simm.s32 $0x1BF5;
	[smem:$0x3FB0] =	sst s0  }
0x18: {  	s0 =	sld [smem:$0x3F93];
	_ =	swait.ge [sflag:s4], $0x0  }
0x19: {  	s7 =	sld [smem:$0x3F94]  }
0x1a: {  	s8 =	sadd.s32 $0xFFFFE003, lr  }
0x1b: {  	s9 =	sadd.s32 $0xFFFFFEF7, lr;
	s5 =	simm.s32 $0xFFFFFFFF;
	p2 =	slt.u32 s8, $0xFFFFF086  }
0x1c: {  	p1 =	slt.u32 s9, $0xF7A;
	s5 =	simm.s32 @!p2 $0x0  }
0x1d: {  	s5 =	simm.s32 @p1 $0x1;
	p0 =	seq.s32 s7, s2  }
0x1e: {  	s7 =	smul.u32 @!p0 $0xF7A, s2;
	p2 =	seq.s32 @!p0 s5, $0x0  }
0x1f: {  	s9 =	smul.u32 $0xF7A, s1;
	s8 =	simm.s32 @!p0 $0x1BF5;
	p2 =	por !p2, p0  }
0x20: {  	[sflag:s8] =	ssyncset.s32 @!p0 $0xFFFFF086;
	s6 =	sadd.s32 @!p0 s3, s7;
	s7 =	simm.s32 @!p0 $0x108  }
0x21: {  	s3 =	sadd.s32 s3, s9;
	s6 =	sadd.s32 @!p0 $0x88, s6;
	s7 =	simm.s32 @p2 $0x1082  }
0x22: {  	[simem:s7], [sflag:s8] =	dma.local @!p0 [hbm:s6], $0xF7A  }
0x23: {  	s9 =	sor.u32 $0xD0000000, s2;
	s6 =	simm.s32 $0x108;
	_ =	swait.ge @!p0 [sflag:s8], $0x0  }
0x24: {  	s3 =	sadd.s32 $0x88, s3;
	s6 =	simm.s32 @!p1 $0x1082;
	[sflag:s4] =	ssyncset.s32 $0xFFFFF086  }
0x25: {  	[simem:s6], [sflag:s4] =	dma.local [hbm:s3], $0xF7A  }
0x26: {  	[smem:$0x3F94] =	sst s1;
	(tag) =	ssettag s2;
	_ =	strace s9  }
0x27: {  	s1 =	sld [smem:$0x3FA4]  }
0x28: {  	s2 =	sld [smem:$0x3FA5]  }
0x29: {  	s4 =	sld [smem:$0x3FA7]  }
0x2a: {  	p0 =	seq.s32 s5, $0x0;
	s5 =	sld [smem:$0x3FA8]  }
0x2b: {  	s6 =	sld [smem:$0x3FA9]  }
0x2c: {  	s7 =	sld [smem:$0x3FAA]  }
0x2d: {  	s3 =	simm.s32 $0x108;
	s8 =	sld [smem:$0x3FAB]  }
0x2e: {  	s3 =	simm.s32 @!p0 $0x1082;
	s9 =	sld [smem:$0x3FAC]  }
0x2f: {  	lr =	sadd.s32 s0, s3;
	s0 =	sld [smem:$0x3FA3]  }
0x30: {  	s3 =	sld [smem:$0x3FA6]  }
0x31: {  	[smem:$0x3FAF] =	sst s10  }
0x32: {  	s10 =	sld [smem:$0x3FAD];
	_ =	sdelay $0x3  }
0x33: {  	p0 =	seq.s32 s10, $0x1;
	s10 =	sld [smem:$0x3FAF];
	_ =	sdelay $0x3  }
0x34: {  	[smem:$0x3FAF] =	sst s10  }
0x35: {  	s10 =	sld [smem:$0x3FAE];
	_ =	sdelay $0x3  }
0x36: {  	p1 =	seq.s32 s10, $0x1;
	s10 =	sld [smem:$0x3FAF];
	_ =	sdelay $0x3  }
0x37: {  	[smem:$0x3FAF] =	sst s10  }
0x38: {  	s10 =	sld [smem:$0x3FB0]  }
0x39: {  	_ = 	snop;
	(pc) =	sbr.ind lr, $3  }
0x3a: {  	_ = 	snop  }
0x3b: {  	_ = 	snop  }
0x3c: {  	p2 =	seq.s32 s10, $0x1;
	s10 =	sld [smem:$0x3FAF]  }
0x3d: {  	_ =	shalt  }
0x3e: {  	_ =	shalt  }
0x3f: {  	_ =	shalt  }
0x40: {  	_ =	shalt  }
0x41: {  	_ =	shalt  }
0x42: {  	_ =	shalt  }
0x43: {  	_ =	shalt  }
0x44: {  	_ =	shalt  }
0x45: {  	_ =	shalt  }
0x46: {  	_ =	shalt  }
0x47: {  	_ =	shalt  }
0x48: {  	_ =	shalt  }
0x49: {  	_ =	shalt  }
0x4a: {  	_ =	shalt  }
0x4b: {  	_ =	shalt  }
0x4c: {  	_ =	shalt  }
0x4d: {  	_ =	shalt  }
0x4e: {  	_ =	shalt  }
0x4f: {  	_ =	shalt  }
0x50: {  	_ =	shalt  }
0x51: {  	_ =	shalt  }
0x52: {  	_ =	shalt  }
0x53: {  	_ =	shalt  }
0x54: {  	_ =	shalt  }
0x55: {  	_ =	shalt  }
0x56: {  	_ =	shalt  }
0x57: {  	_ =	shalt  }
0x58: {  	_ =	shalt  }
0x59: {  	_ =	shalt  }
0x5a: {  	_ =	shalt  }
0x5b: {  	_ =	shalt  }
0x5c: {  	_ =	shalt  }
0x5d: {  	_ =	shalt  }
0x5e: {  	_ =	shalt  }
0x5f: {  	_ =	shalt  }
0x60: {  	_ =	shalt  }
0x61: {  	_ =	shalt  }
0x62: {  	_ =	shalt  }
0x63: {  	_ =	shalt  }
0x64: {  	_ =	shalt  }
0x65: {  	_ =	shalt  }
0x66: {  	_ =	shalt  }
0x67: {  	_ =	shalt  }
0x68: {  	_ =	shalt  }
0x69: {  	_ =	shalt  }
0x6a: {  	_ =	shalt  }
0x6b: {  	_ =	shalt  }
0x6c: {  	_ =	shalt  }
0x6d: {  	_ =	shalt  }
0x6e: {  	_ =	shalt  }
0x6f: {  	_ =	shalt  }
0x70: {  	_ =	shalt  }
0x71: {  	_ =	shalt  }
0x72: {  	_ =	shalt  }
0x73: {  	_ =	shalt  }
0x74: {  	_ =	shalt  }
0x75: {  	_ =	shalt  }
0x76: {  	_ =	shalt  }
0x77: {  	_ =	shalt  }
0x78: {  	_ =	shalt  }
0x79: {  	_ =	shalt  }
0x7a: {  	_ =	shalt  }
0x7b: {  	_ =	shalt  }
0x7c: {  	_ =	shalt  }
0x7d: {  	_ =	shalt  }
0x7e: {  	_ =	shalt  }
0x7f: {  	_ =	shalt  }
0x80: {  	_ =	shalt  }
0x81: {  	_ =	shalt  }
0x82: {  	_ =	shalt  }
0x83: {  	_ =	shalt  }
0x84: {  	_ =	shalt  }
0x85: {  	_ =	shalt  }
0x86: {  	_ =	shalt  }
0x87: {  	_ =	shalt  }
.Lfunc_end0:
.L_simem_size_0:
called_computation.2_lowered:
.L_overlay_start_0:
0x88: {  	s2 =	sld [smem:$0x3FD9]  }
0x89: {  	s3 =	sld [smem:$0x3FFE];
	_ =	sdelay $0x1  }
0x8a: {  	s1 =	srdreg.scid  }
0x8b: {  	s0 =	sand.u32 $0x1, s1  }
0x8c: {  	s16 =	sshll.u32 s0, $0xA;
	s2 =	sadd.s32 s3, s2  }
0x8d: {  	s2 =	sadd.s32 s2, s16  }
0x8e: {  	[smem:$0x3FBB] =	sst s2  }
0x8f: {  	_ = 	snop  }
0x90: {  	(tm) =	ssettm $0x1  }
0x91: {  	s17 =	sld [smem:$0x3FFB];
	_ =	sdelay $0x3  }
0x92: {  	_ =	strace s17  }
0x93: {  	s2 =	sld [smem:$0x3FFC];
	_ =	sdelay $0x3  }
0x94: {  	_ =	strace s2  }
0x95: {  	s2 =	sld [smem:$0x3FFD];
	_ =	sdelay $0x3  }
0x96: {  	_ =	strace s2  }
0x97: {  	_ =	strace $0x8FFFFFFF  }
0x98: {  	s18 =	sld [smem:$0x3FDB];
	_ =	sdelay $0x1  }
0x99: {  	s19 =	simm.s32 $_scs_section_size  }
0x9a: {  	s4 =	simm.s32 $_size__tile_overlayer_lowered;
	s5 =	simm.s32 $_tile_overlayer_lowered  }
0x9b: {  	s22 =	simm.s32 $0x1BFF;
	s21 =	sshll.u32 s5, $0x1;
	s2 =	sadd.s32 s19, s18  }
0x9c: {  	s6 =	simm.s32 $0x0;
	s20 =	sshll.u32 s4, $0x1;
	s4 =	sadd.s32 s21, s2  }
0x9d: {  	[timem:s6], [sflag:s22] =	dma.local [hbm:s4], s20  }
0x9e: {  	_ =	swait.ge [sflag:s22], s20  }
0x9f: {  	s3 =	ssub.s32 $0x0, s20;
	[sflag:s22] =	ssyncset.done $0x0  }
0xa0: {  	[sflag:s22] =	ssyncadd.s32 s3;
	_ =	sdelay $0x1  }
0xa1: {  	s23 =	simm.s32 $0x1B8B  }
0xa2: {  	_ =	swait.ge [sflag:s23], $0x1  }
0xa3: {  	[sflag:s23] =	ssyncset.done $0x0  }
0xa4: {  	s25 =	simm.s32 $0x1B8E;
	s24 =	sld [smem:$0x3FFE];
	[sflag:s23] =	ssyncadd.s32 $0xFFFFFFFF  }
0xa5: {  	s26 =	simm.s32 $execute0_lowered;
	[smem:$0x3FD2] =	sst s25  }
0xa6: {  	s4 =	sshll.u32 s26, $0x1;
	_ =	strace $0x8000004C;
	[dreg:$0x1] =	wrdreg $0xFFFFFFFF  }
0xa7: {  	s28 =	simm.s32 $_size_execute0_lowered;
	s2 =	sadd.s32 s2, s4;
	[dreg:$0x0] =	wrdreg $0x0  }
0xa8: {  	s4 =	sshll.u32 s28, $0x1;
	[dreg:$0x2] =	wrdreg s2  }
0xa9: {  	[dreg:$0x3] =	wrdreg s4  }
0xaa: {  	[dreg:$0x4] =	wrdreg $0xC0  }
0xab: {  	_ =	task [dreg:s6], $0x5FFFF  }
0xac: {  	[dreg:$0x1] =	wrdreg $0xFFFFFFFF  }
0xad: {  	[dreg:$0x0] =	wrdreg $0x60  }
0xae: {  	[dreg:$0x2] =	wrdreg s24  }
0xaf: {  	[dreg:$0x3] =	wrdreg $0x148800  }
0xb0: {  	[dreg:$0x4] =	wrdreg $0x9  }
0xb1: {  	_ =	task.clear_ibuf [dreg:s6], $0x5FFFF;
	_ =	strace $0x9000004C  }
0xb2: {  	s29 =	simm.s32 $0x9;
	_ =	strace $0x8000004E  }
0xb3: {  	_ =	swait.ge [sflag:s29], $0x1  }
0xb4: {  	[sflag:s29] =	ssyncadd.s32 $0xFFFFFFFF  }
0xb5: {  	_ =	strace $0x9000004E  }
0xb6: {  	_ =	sfence  }
0xb7: {  	s30 =	sld [smem:$0x0];
	_ =	sdelay $0x2  }
0xb8: {  	s31 =	sshll.u32 s1, $0xD;
	s1 =	sshrl.u32 s1, $0x2  }
0xb9: {  	s3 =	sand.u32 $0x4000, s31;
	s1 =	sadd.s32 s1, s30  }
0xba: {  	s0 =	sor.u32 s3, s0;
	s1 =	sshll.u32 s1, $0x11  }
0xbb: {  	s0 =	sor.u32 s1, s0  }
0xbc: {  	s0 =	sadd.s32 $0x8F2B, s0  }
0xbd: {  	[sflag:s0] =	ssyncadd.remote.s32 $0x1  }
0xbe: {  	_ =	sfence.sel $0xFFFF  }
0xbf: {  	[dreg:$0x0] =	wrdreg $0xFFFFFFFF;
	(pc) =	sbr.abs _section_cstart, $3  }
0xc0: {  	[dreg:$0x1] =	wrdreg $0xFFFFFFFF  }
0xc1: {  	_ =	task.clear_ibuf [dreg:s6], $0x2FFFF;
	_ =	strace $0x9FFFFFFF  }
0xc2: {  	(tm) =	ssettm $0x7FFFFFFF  }
0xc3: {  	_ =	shalt  }
tec
execute0_lowered:
.L_overlay_start_1:
0x0: {  	(tag) =	ssettag $0x1  }
0x1: {  	s0 =	rddreg [dreg:$0x0]  }
0x2: {  	s1 =	rddreg [dreg:$0x1]  }
0x3: {  	s2 =	srdreg.scid;
	s10 =	stileid.u32  }
0x4: {  	s3 =	simm.s32 $0x0;
	s28 =	simm.s32 $0xAC40;
	s6 =	smul.u32 $0x1388, s10  }
0x5: {  	s29 =	simm.s32 $0x1;
	s31 =	simm.s32 $0x3;
	s17 =	smul.u32 $0xEC40, s10  }
0x6: {  	s30 =	simm.s32 $0x5;
	s2 =	sand.u32 $0x1, s2;
	s8 =	smul.u32 $0x27100, s10  }
0x7: {  	[smem:$0x7FF] =	sst s3;
	s4 =	sadd.s32 $0x20800, s0;
	s26 =	smul.u32 $0x1D88, s10  }
0x8: {  	s7 =	sadd.s32 $0x2E00, s0;
	s5 =	smul.u32 $0x13880, s2;
	s18 =	ssub.s32 $0x2, s2  }
0x9: {  	_ =	strace $0x8000004D;
	s2 =	smul.u32 $0x7E0, s2;
	s9 =	sshrl.u32 s18, $0x1  }
0xa: {  	s8 =	sshrl.u32 s8, $0x2;
	s5 =	sadd.s32 s6, s5;
	s9 =	ssub.s32 s18, s9  }
0xb: {  	s6 =	sshrl.u32 s17, $0x3;
	s8 =	sadd.s32 s8, s1;
	s19 =	smax.u32 s9, $0x1  }
0xc: {  	s0 =	sadd.s32 s5, s0;
	s20 =	sadd.s32 $0x1F40, s8;
	[dreg:$0x4] =	wrdreg s19  }
0xd: {  	s5 =	sadd.s32 s7, s6;
	s21 =	sadd.s32 $0x3E80, s8;
	[dreg:$0x5] =	wrdreg s20  }
0xe: {  	s6 =	sshrl.u32 s2, $0x2;
	s22 =	sadd.s32 $0x5DC0, s8;
	[dreg:$0x6] =	wrdreg s21  }
0xf: {  	s23 =	sadd.s32 $0x7D00, s8;
	s2 =	simm.s32 $0x2;
	[dreg:$0x7] =	wrdreg s22  }
0x10: {  	s0 =	sadd.s32 $0x47A00, s0;
	[dreg:$0x8] =	wrdreg s23;
	s24 =	sadd.s32 $0x5E8, s6  }
0x11: {  	s25 =	sadd.s32 $0x2F4, s5;
	s16 =	sadd.s32 $0xBD0, s6;
	s17 =	sadd.s32 $0x11B8, s6  }
0x12: {  	s18 =	sadd.s32 $0x17A0, s6;
	s19 =	sadd.s32 $0x1D88, s6;
	[dreg:$0x3] =	wrdreg s0  }
0x13: {  	s20 =	sadd.s32 $0x2370, s6;
	s21 =	sadd.s32 $0x2958, s6;
	[dreg:$0x9] =	wrdreg s24  }
0x14: {  	s23 =	simm.s32 $0x6;
	[dreg:$0xa] =	wrdreg s25;
	s0 =	sadd.s32 s26, s7  }
0x15: {  	s24 =	simm.s32 $0x1F4;
	s25 =	simm.s32 $0x2F40;
	s26 =	simm.s32 $0x12940  }
0x16: {  	v0 =	vimm.f32 $0.0e+00;
	s7 =	simm.s32 $0x0;
	s22 =	sadd.s32 $0x5E8, s0;
	s0 =	simm.s32 $0x4  }
.LBB2_1:
0x17: {  	s10 =	simm.s32 $0x100;
	s9 =	simm.s32 $0x0  }
.LBB2_2:
0x18: {  	p0 =	sne.s32 s10, $0x7C00;
	[tilespmem:s9+$0x12970] =	vst v0;
	s11 =	smov.u32 s10;
	s10 =	sadd.s32 $0x100, s10  }
.Ltmp0:
0x19: {  	[tilespmem:s9+$0x12960] =	vst v0;
	(pc) =	sbr.rel @p0 .LBB2_2-.Ltmp0, $3  }
0x1a: {  	[tilespmem:s9+$0x12940] =	vst v0  }
0x1b: {  	[tilespmem:s9+$0x12950] =	vst v0;
	_ =	sdelay $0x1  }
0x1c: {  	s9 =	sshra.s32 s11, $0x2  }
0x1d: {  	[tilespmem:s9+$0x12970] =	vst v0  }
0x1e: {  	[tilespmem:s9+$0x12960] =	vst v0  }
0x1f: {  	[tilespmem:s9+$0x12940] =	vst v0  }
0x20: {  	[tilespmem:s9+$0x12950] =	vst v0  }
0x21: {  	[tilespmem:s3], [sflag:$0x6] =	stream.linear.gather [hbm4b:s5+s3], $0x17A0, $0x38;
	[tilespmem:$0x1E4C0] =	vst v63  }
0x22: {  	_ =	swait.ge [sflag:s23], $0x17A0  }
0x23: {  	[sflag:s23] =	ssyncset.done $0x0  }
0x24: {  	[sflag:s23] =	ssyncadd.s32 $0xFFFFE860  }
0x25: {  	[tilespmem:s25], [sflag:$0x1] =	stream.indirect.gather [hbm4b:s4+s24], $0x40, s6, s24, $0xb8;
	[tilespmem:$0x1E4C0] =	vst v63  }
0x26: {  	_ = 	snop  }
0x27: {  	[spmem:s8] =	stream.linear.scatter [tilespmem:s26], [sflag:$0x6], $0x1F40, $0x38;
	[tilespmem:$0x1E4C0] =	vst v63  }
0x28: {  	_ =	swait.ge [sflag:s23], $0x1F40  }
0x29: {  	[sflag:s23] =	ssyncset.done $0x0  }
0x2a: {  	s13 =	rddreg [dreg:$0x5];
	[sflag:s23] =	ssyncadd.s32 $0xFFFFE0C0  }
0x2b: {  	[spmem:s13] =	stream.linear.scatter [tilespmem:s26], [sflag:$0x6], $0x1F40, $0x38;
	[tilespmem:$0x1E4C0] =	vst v63  }
0x2c: {  	_ =	swait.ge [sflag:s23], $0x1F40  }
0x2d: {  	[sflag:s23] =	ssyncset.done $0x0  }
0x2e: {  	s14 =	rddreg [dreg:$0x6];
	[sflag:s23] =	ssyncadd.s32 $0xFFFFE0C0  }
0x2f: {  	[spmem:s14] =	stream.linear.scatter [tilespmem:s26], [sflag:$0x6], $0x1F40, $0x38;
	[tilespmem:$0x1E4C0] =	vst v63  }
0x30: {  	_ =	swait.ge [sflag:s23], $0x1F40  }
0x31: {  	[sflag:s23] =	ssyncset.done $0x0  }
0x32: {  	s15 =	rddreg [dreg:$0x7];
	[sflag:s23] =	ssyncadd.s32 $0xFFFFE0C0  }
0x33: {  	[spmem:s15] =	stream.linear.scatter [tilespmem:s26], [sflag:$0x6], $0x1F40, $0x38;
	[tilespmem:$0x1E4C0] =	vst v63  }
0x34: {  	_ =	swait.ge [sflag:s23], $0x1F40  }
0x35: {  	[sflag:s23] =	ssyncset.done $0x0  }
0x36: {  	s10 =	rddreg [dreg:$0x8];
	[sflag:s23] =	ssyncadd.s32 $0xFFFFE0C0  }
0x37: {  	[spmem:s10] =	stream.linear.scatter [tilespmem:s26], [sflag:$0x6], $0x1F40, $0x38;
	[tilespmem:$0x1E4C0] =	vst v63  }
0x38: {  	_ =	swait.ge [sflag:s23], $0x1F40  }
0x39: {  	[sflag:s23] =	ssyncset.done $0x0  }
0x3a: {  	[sflag:s23] =	ssyncadd.s32 $0xFFFFE0C0  }
0x3b: {  	[bflag:$0x0] =	sbarrier.arrive $0xFFFF  }
0x3c: {  	s11 =	rddreg [dreg:$0x9]  }
0x3d: {  	[tilespmem:s28], [sflag:$0x2] =	stream.indirect.gather [hbm4b:s4+s24], $0x40, s11, s24, $0xb8;
	[tilespmem:$0x1E4C0] =	vst v63  }
0x3e: {  	_ =	swait.ge [sflag:s29], $0x7D00  }
0x3f: {  	[sflag:s29] =	ssyncset.done $0x0  }
0x40: {  	s12 =	simm.s32 $0x3F0;
	[sflag:s29] =	ssyncadd.s32 $0xFFFF8300  }
0x41: {  	[spmem:s1] =	stream.indirect.scatter.add.f32 [tilespmem:s25], [sflag:$0x3], $0x40, s12, s24, $0xb8;
	[tilespmem:$0x1E4C0] =	vst v63  }
0x42: {  	_ =	swait.ge [sflag:s31], $0x7D00  }
0x43: {  	[sflag:s31] =	ssyncset.done $0x0  }
0x44: {  	s10 =	simm.s32 $0x17A0;
	s13 =	rddreg [dreg:$0xa];
	[sflag:s31] =	ssyncadd.s32 $0xFFFF8300  }
0x45: {  	[tilespmem:s10], [sflag:$0x5] =	stream.linear.gather [hbm4b:s13+s3], $0x17A0, $0x38;
	[tilespmem:$0x1E4C0] =	vst v63  }
0x46: {  	s14 =	simm.s32 $0x2  }
0x47: {  	[tilespmem:s25], [sflag:$0x1] =	stream.indirect.gather [hbm4b:s4+s24], $0x40, s16, s24, $0xb8;
	[tilespmem:$0x1E4C0] =	vst v63  }
0x48: {  	_ =	swait.ge [sflag:s14], $0x7D00  }
0x49: {  	[sflag:s14] =	ssyncset.done $0x0  }
0x4a: {  	s15 =	simm.s32 $0x9D8;
	[sflag:s14] =	ssyncadd.s32 $0xFFFF8300  }
0x4b: {  	[spmem:s1] =	stream.indirect.scatter.add.f32 [tilespmem:s28], [sflag:$0x4], $0x40, s15, s24, $0xb8;
	[tilespmem:$0x1E4C0] =	vst v63  }
0x4c: {  	_ =	swait.ge [sflag:s0], $0x7D00  }
0x4d: {  	[sflag:s0] =	ssyncset.done $0x0  }
0x4e: {  	[sflag:s0] =	ssyncadd.s32 $0xFFFF8300  }
0x4f: {  	[tilespmem:s28], [sflag:$0x2] =	stream.indirect.gather [hbm4b:s4+s24], $0x40, s17, s24, $0xb8;
	[tilespmem:$0x1E4C0] =	vst v63  }
0x50: {  	_ =	swait.ge [sflag:s29], $0x7D00  }
0x51: {  	[sflag:s29] =	ssyncset.done $0x0  }
0x52: {  	s11 =	simm.s32 $0xFC0;
	[sflag:s29] =	ssyncadd.s32 $0xFFFF8300  }
0x53: {  	[spmem:s1] =	stream.indirect.scatter.add.f32 [tilespmem:s25], [sflag:$0x3], $0x40, s11, s24, $0xb8;
	[tilespmem:$0x1E4C0] =	vst v63  }
0x54: {  	_ =	swait.ge [sflag:s31], $0x7D00  }
0x55: {  	[sflag:s31] =	ssyncset.done $0x0  }
0x56: {  	[sflag:s31] =	ssyncadd.s32 $0xFFFF8300  }
0x57: {  	_ =	swait.ge [sflag:s30], $0x17A0  }
0x58: {  	[sflag:s30] =	ssyncset.done $0x0  }
0x59: {  	[sflag:s30] =	ssyncadd.s32 $0xFFFFE860  }
0x5a: {  	[tilespmem:s25], [sflag:$0x1] =	stream.indirect.gather [hbm4b:s4+s24], $0x40, s18, s24, $0xb8;
	[tilespmem:$0x1E4C0] =	vst v63  }
0x5b: {  	s9 =	sand.u32 $0x1, s14;
	_ =	swait.ge [sflag:s14], $0x7D00  }
0x5c: {  	p0 =	seq.s32 s9, $0x1;
	[sflag:s14] =	ssyncset.done $0x0  }
0x5d: {  	s9 =	simm.s32 $0x0;
	s12 =	simm.s32 $0x15A8;
	[sflag:s14] =	ssyncadd.s32 $0xFFFF8300  }
0x5e: {  	[spmem:s1] =	stream.indirect.scatter.add.f32 [tilespmem:s28], [sflag:$0x4], $0x40, s12, s24, $0xb8;
	[tilespmem:$0x1E4C0] =	vst v63  }
0x5f: {  	s9 =	simm.s32 @!p0 $0x17A0;
	_ =	swait.ge [sflag:s0], $0x7D00  }
0x60: {  	s13 =	sadd.s32 s9, s6;
	[sflag:s0] =	ssyncset.done $0x0  }
0x61: {  	s11 =	sadd.s32 $0x5E8, s13;
	[sflag:s0] =	ssyncadd.s32 $0xFFFF8300  }
0x62: {  	[tilespmem:s28], [sflag:$0x2] =	stream.indirect.gather [hbm4b:s4+s24], $0x40, s11, s24, $0xb8;
	[tilespmem:$0x1E4C0] =	vst v63  }
0x63: {  	_ =	swait.ge [sflag:s29], $0x7D00  }
0x64: {  	[sflag:s29] =	ssyncset.done $0x0  }
0x65: {  	s14 =	sadd.s32 $0x3F0, s9;
	[sflag:s29] =	ssyncadd.s32 $0xFFFF8300  }
0x66: {  	[spmem:s1] =	stream.indirect.scatter.add.f32 [tilespmem:s25], [sflag:$0x3], $0x40, s14, s24, $0xb8;
	[tilespmem:$0x1E4C0] =	vst v63  }
0x67: {  	_ =	swait.ge [sflag:s31], $0x7D00  }
0x68: {  	s11 =	simm.s32 $0x17A0;
	[sflag:s31] =	ssyncset.done $0x0  }
0x69: {  	s11 =	simm.s32 @!p0 $0x0;
	[sflag:s31] =	ssyncadd.s32 $0xFFFF8300  }
0x6a: {  	[tilespmem:s11], [sflag:$0x5] =	stream.linear.gather [hbm4b:s22+s3], $0x17A0, $0x38;
	[tilespmem:$0x1E4C0] =	vst v63  }
0x6b: {  	s12 =	sadd.s32 $0xBD0, s13  }
0x6c: {  	[tilespmem:s25], [sflag:$0x1] =	stream.indirect.gather [hbm4b:s4+s24], $0x40, s12, s24, $0xb8;
	[tilespmem:$0x1E4C0] =	vst v63  }
0x6d: {  	_ =	swait.ge [sflag:s2], $0x7D00  }
0x6e: {  	[sflag:s2] =	ssyncset.done $0x0  }
0x6f: {  	s15 =	sadd.s32 $0x9D8, s9;
	[sflag:s2] =	ssyncadd.s32 $0xFFFF8300  }
0x70: {  	[spmem:s1] =	stream.indirect.scatter.add.f32 [tilespmem:s28], [sflag:$0x4], $0x40, s15, s24, $0xb8;
	[tilespmem:$0x1E4C0] =	vst v63  }
0x71: {  	_ =	swait.ge [sflag:s0], $0x7D00  }
0x72: {  	[sflag:s0] =	ssyncset.done $0x0  }
0x73: {  	s10 =	sadd.s32 $0x11B8, s13;
	[sflag:s0] =	ssyncadd.s32 $0xFFFF8300  }
0x74: {  	[tilespmem:s28], [sflag:$0x2] =	stream.indirect.gather [hbm4b:s4+s24], $0x40, s10, s24, $0xb8;
	[tilespmem:$0x1E4C0] =	vst v63  }
0x75: {  	_ =	swait.ge [sflag:s29], $0x7D00  }
0x76: {  	[sflag:s29] =	ssyncset.done $0x0  }
0x77: {  	s13 =	sadd.s32 $0xFC0, s9;
	[sflag:s29] =	ssyncadd.s32 $0xFFFF8300  }
0x78: {  	[spmem:s1] =	stream.indirect.scatter.add.f32 [tilespmem:s25], [sflag:$0x3], $0x40, s13, s24, $0xb8;
	[tilespmem:$0x1E4C0] =	vst v63  }
0x79: {  	_ =	swait.ge [sflag:s31], $0x7D00  }
0x7a: {  	[sflag:s31] =	ssyncset.done $0x0  }
0x7b: {  	[sflag:s31] =	ssyncadd.s32 $0xFFFF8300  }
0x7c: {  	s14 =	sadd.s32 s11, s6;
	_ =	swait.ge [sflag:s30], $0x17A0  }
0x7d: {  	s11 =	simm.s32 $0x4;
	s15 =	simm.s32 $0x3;
	[sflag:s30] =	ssyncset.done $0x0  }
0x7e: {  	s12 =	sand.u32 $0x1, s15;
	s10 =	sadd.s32 $0x2F4, s22;
	[sflag:s30] =	ssyncadd.s32 $0xFFFFE860  }
0x7f: {  	[tilespmem:s25], [sflag:$0x1] =	stream.indirect.gather [hbm4b:s4+s24], $0x40, s14, s24, $0xb8;
	[tilespmem:$0x1E4C0] =	vst v63  }
.LBB2_4:
0x80: {  	p1 =	seq.s32 s12, $0x1;
	_ =	swait.ge [sflag:s2], $0x7D00;
	s12 =	smov.u32 s11  }
0x81: {  	s13 =	sadd.s32 $0x1, s11;
	s14 =	sadd.s32 $0x15A8, s9;
	s9 =	simm.s32 $0x0  }
0x82: {  	[sflag:s2] =	ssyncset.done $0x0;
	s9 =	simm.s32 @!p1 $0x17A0  }
0x83: {  	p0 =	sne.s32 s11, $0x9;
	s11 =	sadd.s32 s9, s6;
	[sflag:s2] =	ssyncadd.s32 $0xFFFF8300  }
0x84: {  	[spmem:s1] =	stream.indirect.scatter.add.f32 [tilespmem:s28], [sflag:$0x4], $0x40, s14, s24, $0xb8;
	[tilespmem:$0x1E4C0] =	vst v63  }
0x85: {  	_ =	swait.ge [sflag:s0], $0x7D00  }
0x86: {  	[sflag:s0] =	ssyncset.done $0x0  }
0x87: {  	s14 =	sadd.s32 $0x5E8, s11;
	[sflag:s0] =	ssyncadd.s32 $0xFFFF8300  }
0x88: {  	[tilespmem:s28], [sflag:$0x2] =	stream.indirect.gather [hbm4b:s4+s24], $0x40, s14, s24, $0xb8;
	[tilespmem:$0x1E4C0] =	vst v63  }
0x89: {  	_ =	swait.ge [sflag:s29], $0x7D00  }
0x8a: {  	[sflag:s29] =	ssyncset.done $0x0  }
0x8b: {  	s14 =	sadd.s32 $0x3F0, s9;
	[sflag:s29] =	ssyncadd.s32 $0xFFFF8300  }
0x8c: {  	[spmem:s1] =	stream.indirect.scatter.add.f32 [tilespmem:s25], [sflag:$0x3], $0x40, s14, s24, $0xb8;
	[tilespmem:$0x1E4C0] =	vst v63  }
0x8d: {  	_ =	swait.ge [sflag:s31], $0x7D00  }
0x8e: {  	s14 =	simm.s32 $0x17A0;
	[sflag:s31] =	ssyncset.done $0x0  }
0x8f: {  	s14 =	simm.s32 @!p1 $0x0;
	[sflag:s31] =	ssyncadd.s32 $0xFFFF8300  }
0x90: {  	[tilespmem:s14], [sflag:$0x5] =	stream.linear.gather [hbm4b:s10+s3], $0x17A0, $0x38;
	[tilespmem:$0x1E4C0] =	vst v63  }
0x91: {  	s15 =	sadd.s32 $0xBD0, s11  }
0x92: {  	[tilespmem:s25], [sflag:$0x1] =	stream.indirect.gather [hbm4b:s4+s24], $0x40, s15, s24, $0xb8;
	[tilespmem:$0x1E4C0] =	vst v63  }
0x93: {  	_ =	swait.ge [sflag:s2], $0x7D00  }
0x94: {  	[sflag:s2] =	ssyncset.done $0x0  }
0x95: {  	s15 =	sadd.s32 $0x9D8, s9;
	[sflag:s2] =	ssyncadd.s32 $0xFFFF8300  }
0x96: {  	[spmem:s1] =	stream.indirect.scatter.add.f32 [tilespmem:s28], [sflag:$0x4], $0x40, s15, s24, $0xb8;
	[tilespmem:$0x1E4C0] =	vst v63  }
0x97: {  	_ =	swait.ge [sflag:s0], $0x7D00  }
0x98: {  	[sflag:s0] =	ssyncset.done $0x0  }
0x99: {  	s11 =	sadd.s32 $0x11B8, s11;
	[sflag:s0] =	ssyncadd.s32 $0xFFFF8300  }
0x9a: {  	[tilespmem:s28], [sflag:$0x2] =	stream.indirect.gather [hbm4b:s4+s24], $0x40, s11, s24, $0xb8;
	[tilespmem:$0x1E4C0] =	vst v63  }
0x9b: {  	_ =	swait.ge [sflag:s29], $0x7D00  }
0x9c: {  	[sflag:s29] =	ssyncset.done $0x0  }
0x9d: {  	s11 =	sadd.s32 $0xFC0, s9;
	[sflag:s29] =	ssyncadd.s32 $0xFFFF8300  }
0x9e: {  	[spmem:s1] =	stream.indirect.scatter.add.f32 [tilespmem:s25], [sflag:$0x3], $0x40, s11, s24, $0xb8;
	[tilespmem:$0x1E4C0] =	vst v63  }
0x9f: {  	_ =	swait.ge [sflag:s31], $0x7D00  }
0xa0: {  	[sflag:s31] =	ssyncset.done $0x0  }
0xa1: {  	[sflag:s31] =	ssyncadd.s32 $0xFFFF8300  }
.Ltmp1:
0xa2: {  	_ =	swait.ge [sflag:s30], $0x17A0;
	(pc) =	sbr.rel @p0 .LBB2_4-.Ltmp1, $4  }
0xa3: {  	s10 =	sadd.s32 $0x2F4, s10;
	[sflag:s30] =	ssyncset.done $0x0  }
0xa4: {  	s12 =	sand.u32 $0x1, s12;
	s11 =	sadd.s32 s14, s6;
	[sflag:s30] =	ssyncadd.s32 $0xFFFFE860  }
0xa5: {  	[tilespmem:s25], [sflag:$0x1] =	stream.indirect.gather [hbm4b:s4+s24], $0x40, s11, s24, $0xb8;
	[tilespmem:$0x1E4C0] =	vst v63  }
0xa6: {  	s11 =	smov.u32 s13  }
0xa7: {  	_ =	swait.ge [sflag:s2], $0x7D00  }
0xa8: {  	p0 =	seq.s32 s12, $0x1;
	[sflag:s2] =	ssyncset.done $0x0  }
0xa9: {  	s11 =	simm.s32 $0x0;
	s9 =	sadd.s32 $0x15A8, s9;
	[sflag:s2] =	ssyncadd.s32 $0xFFFF8300  }
0xaa: {  	[spmem:s1] =	stream.indirect.scatter.add.f32 [tilespmem:s28], [sflag:$0x4], $0x40, s9, s24, $0xb8;
	[tilespmem:$0x1E4C0] =	vst v63  }
0xab: {  	s11 =	simm.s32 @!p0 $0x17A0;
	_ =	swait.ge [sflag:s0], $0x7D00  }
0xac: {  	s9 =	sadd.s32 s11, s6;
	[sflag:s0] =	ssyncset.done $0x0  }
0xad: {  	s15 =	sadd.s32 $0x5E8, s9;
	[sflag:s0] =	ssyncadd.s32 $0xFFFF8300  }
0xae: {  	[tilespmem:s28], [sflag:$0x2] =	stream.indirect.gather [hbm4b:s4+s24], $0x40, s15, s24, $0xb8;
	[tilespmem:$0x1E4C0] =	vst v63  }
0xaf: {  	_ =	swait.ge [sflag:s29], $0x7D00  }
0xb0: {  	[sflag:s29] =	ssyncset.done $0x0  }
0xb1: {  	s13 =	sadd.s32 $0x3F0, s11;
	[sflag:s29] =	ssyncadd.s32 $0xFFFF8300  }
0xb2: {  	[spmem:s1] =	stream.indirect.scatter.add.f32 [tilespmem:s25], [sflag:$0x3], $0x40, s13, s24, $0xb8;
	[tilespmem:$0x1E4C0] =	vst v63  }
0xb3: {  	_ =	swait.ge [sflag:s31], $0x7D00  }
0xb4: {  	s12 =	simm.s32 $0x17A0;
	[sflag:s31] =	ssyncset.done $0x0  }
0xb5: {  	s12 =	simm.s32 @!p0 $0x0;
	[sflag:s31] =	ssyncadd.s32 $0xFFFF8300  }
0xb6: {  	[tilespmem:s12], [sflag:$0x5] =	stream.linear.gather [hbm4b:s10+s3], $0x17A0, $0x38;
	[tilespmem:$0x1E4C0] =	vst v63  }
0xb7: {  	s14 =	sadd.s32 $0xBD0, s9  }
0xb8: {  	[tilespmem:s25], [sflag:$0x1] =	stream.indirect.gather [hbm4b:s4+s24], $0x40, s14, s24, $0xb8;
	[tilespmem:$0x1E4C0] =	vst v63  }
0xb9: {  	_ =	swait.ge [sflag:s2], $0x7D00  }
0xba: {  	[sflag:s2] =	ssyncset.done $0x0  }
0xbb: {  	s15 =	sadd.s32 $0x9D8, s11;
	[sflag:s2] =	ssyncadd.s32 $0xFFFF8300  }
0xbc: {  	[spmem:s1] =	stream.indirect.scatter.add.f32 [tilespmem:s28], [sflag:$0x4], $0x40, s15, s24, $0xb8;
	[tilespmem:$0x1E4C0] =	vst v63  }
0xbd: {  	_ =	swait.ge [sflag:s0], $0x7D00  }
0xbe: {  	[sflag:s0] =	ssyncset.done $0x0  }
0xbf: {  	s9 =	sadd.s32 $0x11B8, s9;
	[sflag:s0] =	ssyncadd.s32 $0xFFFF8300  }
0xc0: {  	[tilespmem:s28], [sflag:$0x2] =	stream.indirect.gather [hbm4b:s4+s24], $0x40, s9, s24, $0xb8;
	[tilespmem:$0x1E4C0] =	vst v63  }
0xc1: {  	_ =	swait.ge [sflag:s29], $0x7D00  }
0xc2: {  	[sflag:s29] =	ssyncset.done $0x0  }
0xc3: {  	s10 =	sadd.s32 $0xFC0, s11;
	[sflag:s29] =	ssyncadd.s32 $0xFFFF8300  }
0xc4: {  	[spmem:s1] =	stream.indirect.scatter.add.f32 [tilespmem:s25], [sflag:$0x3], $0x40, s10, s24, $0xb8;
	[tilespmem:$0x1E4C0] =	vst v63  }
0xc5: {  	_ =	swait.ge [sflag:s31], $0x7D00  }
0xc6: {  	[sflag:s31] =	ssyncset.done $0x0  }
0xc7: {  	[sflag:s31] =	ssyncadd.s32 $0xFFFF8300  }
0xc8: {  	_ =	swait.ge [sflag:s30], $0x17A0  }
0xc9: {  	[sflag:s30] =	ssyncset.done $0x0  }
0xca: {  	s12 =	sadd.s32 s12, s6;
	[sflag:s30] =	ssyncadd.s32 $0xFFFFE860  }
0xcb: {  	[tilespmem:s25], [sflag:$0x1] =	stream.indirect.gather [hbm4b:s4+s24], $0x40, s12, s24, $0xb8;
	[tilespmem:$0x1E4C0] =	vst v63  }
0xcc: {  	_ =	swait.ge [sflag:s2], $0x7D00  }
0xcd: {  	[sflag:s2] =	ssyncset.done $0x0  }
0xce: {  	s13 =	sadd.s32 $0x15A8, s11;
	[sflag:s2] =	ssyncadd.s32 $0xFFFF8300  }
0xcf: {  	[spmem:s1] =	stream.indirect.scatter.add.f32 [tilespmem:s28], [sflag:$0x4], $0x40, s13, s24, $0xb8;
	[tilespmem:$0x1E4C0] =	vst v63  }
0xd0: {  	_ =	swait.ge [sflag:s0], $0x7D00  }
0xd1: {  	[sflag:s0] =	ssyncset.done $0x0  }
0xd2: {  	[sflag:s0] =	ssyncadd.s32 $0xFFFF8300  }
0xd3: {  	[tilespmem:s28], [sflag:$0x2] =	stream.indirect.gather [hbm4b:s4+s24], $0x40, s19, s24, $0xb8;
	[tilespmem:$0x1E4C0] =	vst v63  }
0xd4: {  	_ =	swait.ge [sflag:s29], $0x7D00  }
0xd5: {  	[sflag:s29] =	ssyncset.done $0x0  }
0xd6: {  	s14 =	simm.s32 $0x1B90;
	[sflag:s29] =	ssyncadd.s32 $0xFFFF8300  }
0xd7: {  	[spmem:s1] =	stream.indirect.scatter.add.f32 [tilespmem:s25], [sflag:$0x3], $0x40, s14, s24, $0xb8;
	[tilespmem:$0x1E4C0] =	vst v63  }
0xd8: {  	_ =	swait.ge [sflag:s31], $0x7D00  }
0xd9: {  	[sflag:s31] =	ssyncset.done $0x0  }
0xda: {  	[sflag:s31] =	ssyncadd.s32 $0xFFFF8300  }
0xdb: {  	[tilespmem:s25], [sflag:$0x1] =	stream.indirect.gather [hbm4b:s4+s24], $0x40, s20, s24, $0xb8;
	[tilespmem:$0x1E4C0] =	vst v63  }
0xdc: {  	_ =	swait.ge [sflag:s2], $0x7D00  }
0xdd: {  	[sflag:s2] =	ssyncset.done $0x0  }
0xde: {  	s15 =	simm.s32 $0x2178;
	[sflag:s2] =	ssyncadd.s32 $0xFFFF8300  }
0xdf: {  	[spmem:s1] =	stream.indirect.scatter.add.f32 [tilespmem:s28], [sflag:$0x4], $0x40, s15, s24, $0xb8;
	[tilespmem:$0x1E4C0] =	vst v63  }
0xe0: {  	_ =	swait.ge [sflag:s0], $0x7D00  }
0xe1: {  	[sflag:s0] =	ssyncset.done $0x0  }
0xe2: {  	[sflag:s0] =	ssyncadd.s32 $0xFFFF8300  }
0xe3: {  	[tilespmem:s28], [sflag:$0x2] =	stream.indirect.gather [hbm4b:s4+s24], $0x40, s21, s24, $0xb8;
	[tilespmem:$0x1E4C0] =	vst v63  }
0xe4: {  	_ =	swait.ge [sflag:s29], $0x7D00  }
0xe5: {  	[sflag:s29] =	ssyncset.done $0x0  }
0xe6: {  	s10 =	simm.s32 $0x2760;
	[sflag:s29] =	ssyncadd.s32 $0xFFFF8300  }
0xe7: {  	[spmem:s1] =	stream.indirect.scatter.add.f32 [tilespmem:s25], [sflag:$0x3], $0x40, s10, s24, $0xb8;
	[tilespmem:$0x1E4C0] =	vst v63  }
0xe8: {  	_ =	swait.ge [sflag:s31], $0x7D00  }
0xe9: {  	[sflag:s31] =	ssyncset.done $0x0  }
0xea: {  	[sflag:s31] =	ssyncadd.s32 $0xFFFF8300  }
0xeb: {  	_ =	swait.ge [sflag:s2], $0x7D00  }
0xec: {  	[sflag:s2] =	ssyncset.done $0x0  }
0xed: {  	s11 =	simm.s32 $0x2D48;
	[sflag:s2] =	ssyncadd.s32 $0xFFFF8300  }
0xee: {  	[spmem:s1] =	stream.indirect.scatter.add.f32 [tilespmem:s28], [sflag:$0x4], $0x40, s11, s24, $0xb8;
	[tilespmem:$0x1E4C0] =	vst v63  }
0xef: {  	_ =	swait.ge [sflag:s0], $0x7D00  }
0xf0: {  	[sflag:s0] =	ssyncset.done $0x0  }
0xf1: {  	s12 =	stileid.u32;
	[sflag:s0] =	ssyncadd.s32 $0xFFFF8300  }
0xf2: {  	s9 =	sshll.u32 s12, $0x6;
	[bflag:$0x0] =	sbarrier.arrive $0xFFFF  }
0xf3: {  	s9 =	sor.u32 $0x1C06, s9;
	s13 =	sshrl.u32 s8, $0x3;
	s14 =	rddreg [dreg:$0x3]  }
0xf4: {  	[hbm:s14], [sflag:s9] =	dma.local [spmem:s13], $0x1388  }
0xf5: {  	_ =	swait.ge [sflag:s23], $0x1388  }
0xf6: {  	s7 =	sadd.s32 $0x1, s7;
	s15 =	rddreg [dreg:$0x4]  }
0xf7: {  	p0 =	sne.s32 s7, s15  }
.Ltmp2:
0xf8: {  	_ = 	snop;
	(pc) =	sbr.rel @p0 .LBB2_1-.Ltmp2, $3  }
0xf9: {  	_ =	sdelay $0x1  }
0xfa: {  	[sflag:s23] =	ssyncset.done $0x0  }
0xfb: {  	[sflag:s23] =	ssyncadd.s32 $0xFFFFEC78  }
0xfc: {  	_ =	sfence.sel $0x180000  }
0xfd: {  	[bflag:$0x0] =	sbarrier.arrive $0xFFFF  }
0xfe: {  	_ =	strace $0x9000004D  }
0xff: {  	s0 =	stileid.u32;
	[bflag:$0x2] =	sbarrier.arrive $0xFFFF  }
0x100: {  	p0 =	sne.s32 s0, $0x0;
	s0 =	rddreg [dreg:$0x2]  }
0x101: {  	s0 =	sadd.s32 @!p0 $0x100000, s0  }
0x102: {  	[sflag:s0] =	ssyncadd.tile.s32 @!p0 $0x1;
	_ =	shalt  }
.Lfunc_end2:
_tile_overlayer_lowered:
.L_overlay_start_2:
0x103: {  	(tag) =	ssettag $0x2  }
0x104: {  	s0 =	rddreg [dreg:$0x0];
	s2 =	stileid.u32  }
0x105: {  	s1 =	rddreg [dreg:$0x1];
	p0 =	sne.s32 s2, $0x0  }
0x106: {  	s3 =	rddreg [dreg:$0x2];
	[bflag:$0x3] =	sbarrier.arrive $0xFFFF;
	s2 =	simm.s32 @!p0 $0x1C06  }
0x107: {  	[timem:s3], [sflag:s2] =	dma.local @!p0 [hbm:s0], s1  }
0x108: {  	s0 =	simm.s32 @!p0 $0x6  }
0x109: {  	_ =	swait.ge @!p0 [sflag:s0], s1  }
0x10a: {  	s1 =	ssub.s32 @!p0 $0x0, s1;
	[sflag:s0] =	ssyncset.done @!p0 $0x0  }
0x10b: {  	[sflag:s0] =	ssyncadd.s32 @!p0 s1  }
0x10c: {  	[bflag:$0x3] =	sbarrier.arrive $0xFFFF  }
0x10d: {  	_ =	shalt  }

// kernel: kernel.9.cloned.1.call-start
scs
__scs_entry_jumppad:
0x0: {  	(pc) =	sbr.rel $0x88, $3  }
0x1: {  	(tag) =	ssettag $0x0;
	lr =	simm.s32 $0x1  }
0x2: {  	[smem:$0x3F94] =	sst lr;
	_ =	strace $0xD0000000  }
0x3: {  	_ = 	snop  }
0x4: {  	_ = 	snop  }
0x5: {  	_ = 	snop  }
0x6: {  	_ = 	snop  }
0x7: {  	_ = 	snop  }
__scs_overlays_trampoline_lowered:
0x8: {  	[smem:$0x3FA3] =	sst s0  }
0x9: {  	[smem:$0x3FA4] =	sst s1  }
0xa: {  	[smem:$0x3FA5] =	sst s2  }
0xb: {  	[smem:$0x3FA6] =	sst s3  }
0xc: {  	[smem:$0x3FA7] =	sst s4  }
0xd: {  	[smem:$0x3FA8] =	sst s5  }
0xe: {  	[smem:$0x3FA9] =	sst s6  }
0xf: {  	[smem:$0x3FAA] =	sst s7  }
0x10: {  	[smem:$0x3FAB] =	sst s8  }
0x11: {  	[smem:$0x3FAC] =	sst s9;
	s0 =	simm.s32 @!p0 $0x0  }
0x12: {  	s1 =	sld [smem:$0x3F92];
	s0 =	simm.s32 @p0 $0x1  }
0x13: {  	[smem:$0x3FAD] =	sst s0;
	s0 =	simm.s32 @!p1 $0x0  }
0x14: {  	s2 =	sld [smem:$0x3F91];
	s0 =	simm.s32 @p1 $0x1  }
0x15: {  	[smem:$0x3FAE] =	sst s0;
	s0 =	simm.s32 @!p2 $0x0  }
0x16: {  	s3 =	sld [smem:$0x3FDB];
	s0 =	simm.s32 @p2 $0x1  }
0x17: {  	s4 =	simm.s32 $0x1BF5;
	[smem:$0x3FB0] =	sst s0  }
0x18: {  	s0 =	sld [smem:$0x3F93];
	_ =	swait.ge [sflag:s4], $0x0  }
0x19: {  	s7 =	sld [smem:$0x3F94]  }
0x1a: {  	s8 =	sadd.s32 $0xFFFFE003, lr  }
0x1b: {  	s9 =	sadd.s32 $0xFFFFFEF7, lr;
	s5 =	simm.s32 $0xFFFFFFFF;
	p2 =	slt.u32 s8, $0xFFFFF086  }
0x1c: {  	p1 =	slt.u32 s9, $0xF7A;
	s5 =	simm.s32 @!p2 $0x0  }
0x1d: {  	s5 =	simm.s32 @p1 $0x1;
	p0 =	seq.s32 s7, s2  }
0x1e: {  	s7 =	smul.u32 @!p0 $0xF7A, s2;
	p2 =	seq.s32 @!p0 s5, $0x0  }
0x1f: {  	s9 =	smul.u32 $0xF7A, s1;
	s8 =	simm.s32 @!p0 $0x1BF5;
	p2 =	por !p2, p0  }
0x20: {  	[sflag:s8] =	ssyncset.s32 @!p0 $0xFFFFF086;
	s6 =	sadd.s32 @!p0 s3, s7;
	s7 =	simm.s32 @!p0 $0x108  }
0x21: {  	s3 =	sadd.s32 s3, s9;
	s6 =	sadd.s32 @!p0 $0x88, s6;
	s7 =	simm.s32 @p2 $0x1082  }
0x22: {  	[simem:s7], [sflag:s8] =	dma.local @!p0 [hbm:s6], $0xF7A  }
0x23: {  	s9 =	sor.u32 $0xD0000000, s2;
	s6 =	simm.s32 $0x108;
	_ =	swait.ge @!p0 [sflag:s8], $0x0  }
0x24: {  	s3 =	sadd.s32 $0x88, s3;
	s6 =	simm.s32 @!p1 $0x1082;
	[sflag:s4] =	ssyncset.s32 $0xFFFFF086  }
0x25: {  	[simem:s6], [sflag:s4] =	dma.local [hbm:s3], $0xF7A  }
0x26: {  	[smem:$0x3F94] =	sst s1;
	(tag) =	ssettag s2;
	_ =	strace s9  }
0x27: {  	s1 =	sld [smem:$0x3FA4]  }
0x28: {  	s2 =	sld [smem:$0x3FA5]  }
0x29: {  	s4 =	sld [smem:$0x3FA7]  }
0x2a: {  	p0 =	seq.s32 s5, $0x0;
	s5 =	sld [smem:$0x3FA8]  }
0x2b: {  	s6 =	sld [smem:$0x3FA9]  }
0x2c: {  	s7 =	sld [smem:$0x3FAA]  }
0x2d: {  	s3 =	simm.s32 $0x108;
	s8 =	sld [smem:$0x3FAB]  }
0x2e: {  	s3 =	simm.s32 @!p0 $0x1082;
	s9 =	sld [smem:$0x3FAC]  }
0x2f: {  	lr =	sadd.s32 s0, s3;
	s0 =	sld [smem:$0x3FA3]  }
0x30: {  	s3 =	sld [smem:$0x3FA6]  }
0x31: {  	[smem:$0x3FAF] =	sst s10  }
0x32: {  	s10 =	sld [smem:$0x3FAD];
	_ =	sdelay $0x3  }
0x33: {  	p0 =	seq.s32 s10, $0x1;
	s10 =	sld [smem:$0x3FAF];
	_ =	sdelay $0x3  }
0x34: {  	[smem:$0x3FAF] =	sst s10  }
0x35: {  	s10 =	sld [smem:$0x3FAE];
	_ =	sdelay $0x3  }
0x36: {  	p1 =	seq.s32 s10, $0x1;
	s10 =	sld [smem:$0x3FAF];
	_ =	sdelay $0x3  }
0x37: {  	[smem:$0x3FAF] =	sst s10  }
0x38: {  	s10 =	sld [smem:$0x3FB0]  }
0x39: {  	_ = 	snop;
	(pc) =	sbr.ind lr, $3  }
0x3a: {  	_ = 	snop  }
0x3b: {  	_ = 	snop  }
0x3c: {  	p2 =	seq.s32 s10, $0x1;
	s10 =	sld [smem:$0x3FAF]  }
0x3d: {  	_ =	shalt  }
0x3e: {  	_ =	shalt  }
0x3f: {  	_ =	shalt  }
0x40: {  	_ =	shalt  }
0x41: {  	_ =	shalt  }
0x42: {  	_ =	shalt  }
0x43: {  	_ =	shalt  }
0x44: {  	_ =	shalt  }
0x45: {  	_ =	shalt  }
0x46: {  	_ =	shalt  }
0x47: {  	_ =	shalt  }
0x48: {  	_ =	shalt  }
0x49: {  	_ =	shalt  }
0x4a: {  	_ =	shalt  }
0x4b: {  	_ =	shalt  }
0x4c: {  	_ =	shalt  }
0x4d: {  	_ =	shalt  }
0x4e: {  	_ =	shalt  }
0x4f: {  	_ =	shalt  }
0x50: {  	_ =	shalt  }
0x51: {  	_ =	shalt  }
0x52: {  	_ =	shalt  }
0x53: {  	_ =	shalt  }
0x54: {  	_ =	shalt  }
0x55: {  	_ =	shalt  }
0x56: {  	_ =	shalt  }
0x57: {  	_ =	shalt  }
0x58: {  	_ =	shalt  }
0x59: {  	_ =	shalt  }
0x5a: {  	_ =	shalt  }
0x5b: {  	_ =	shalt  }
0x5c: {  	_ =	shalt  }
0x5d: {  	_ =	shalt  }
0x5e: {  	_ =	shalt  }
0x5f: {  	_ =	shalt  }
0x60: {  	_ =	shalt  }
0x61: {  	_ =	shalt  }
0x62: {  	_ =	shalt  }
0x63: {  	_ =	shalt  }
0x64: {  	_ =	shalt  }
0x65: {  	_ =	shalt  }
0x66: {  	_ =	shalt  }
0x67: {  	_ =	shalt  }
0x68: {  	_ =	shalt  }
0x69: {  	_ =	shalt  }
0x6a: {  	_ =	shalt  }
0x6b: {  	_ =	shalt  }
0x6c: {  	_ =	shalt  }
0x6d: {  	_ =	shalt  }
0x6e: {  	_ =	shalt  }
0x6f: {  	_ =	shalt  }
0x70: {  	_ =	shalt  }
0x71: {  	_ =	shalt  }
0x72: {  	_ =	shalt  }
0x73: {  	_ =	shalt  }
0x74: {  	_ =	shalt  }
0x75: {  	_ =	shalt  }
0x76: {  	_ =	shalt  }
0x77: {  	_ =	shalt  }
0x78: {  	_ =	shalt  }
0x79: {  	_ =	shalt  }
0x7a: {  	_ =	shalt  }
0x7b: {  	_ =	shalt  }
0x7c: {  	_ =	shalt  }
0x7d: {  	_ =	shalt  }
0x7e: {  	_ =	shalt  }
0x7f: {  	_ =	shalt  }
0x80: {  	_ =	shalt  }
0x81: {  	_ =	shalt  }
0x82: {  	_ =	shalt  }
0x83: {  	_ =	shalt  }
0x84: {  	_ =	shalt  }
0x85: {  	_ =	shalt  }
0x86: {  	_ =	shalt  }
0x87: {  	_ =	shalt  }
.Lfunc_end0:
.L_simem_size_0:
called_computation_lowered:
.L_overlay_start_0:
0x88: {  	s2 =	sld [smem:$0x3FD9]  }
0x89: {  	s3 =	sld [smem:$0x3FFE];
	_ =	sdelay $0x1  }
0x8a: {  	s1 =	srdreg.scid  }
0x8b: {  	s0 =	sand.u32 $0x1, s1  }
0x8c: {  	s16 =	sshll.u32 s0, $0xA;
	s2 =	sadd.s32 s3, s2  }
0x8d: {  	s2 =	sadd.s32 s2, s16  }
0x8e: {  	[smem:$0x3FBB] =	sst s2  }
0x8f: {  	_ = 	snop  }
0x90: {  	(tm) =	ssettm $0x1  }
0x91: {  	s17 =	sld [smem:$0x3FFB];
	_ =	sdelay $0x3  }
0x92: {  	_ =	strace s17  }
0x93: {  	s2 =	sld [smem:$0x3FFC];
	_ =	sdelay $0x3  }
0x94: {  	_ =	strace s2  }
0x95: {  	s2 =	sld [smem:$0x3FFD];
	_ =	sdelay $0x3  }
0x96: {  	_ =	strace s2  }
0x97: {  	_ =	strace $0x8FFFFFFF  }
0x98: {  	s18 =	sld [smem:$0x3FDB];
	_ =	sdelay $0x1  }
0x99: {  	s19 =	simm.s32 $_scs_section_size  }
0x9a: {  	s4 =	simm.s32 $_size__tile_overlayer_lowered;
	s5 =	simm.s32 $_tile_overlayer_lowered  }
0x9b: {  	s22 =	simm.s32 $0x1BFF;
	s21 =	sshll.u32 s5, $0x1;
	s2 =	sadd.s32 s19, s18  }
0x9c: {  	s6 =	simm.s32 $0x0;
	s20 =	sshll.u32 s4, $0x1;
	s4 =	sadd.s32 s21, s2  }
0x9d: {  	[timem:s6], [sflag:s22] =	dma.local [hbm:s4], s20  }
0x9e: {  	_ =	swait.ge [sflag:s22], s20  }
0x9f: {  	s3 =	ssub.s32 $0x0, s20;
	[sflag:s22] =	ssyncset.done $0x0  }
0xa0: {  	[sflag:s22] =	ssyncadd.s32 s3;
	_ =	sdelay $0x1  }
0xa1: {  	s23 =	simm.s32 $0x1B8B  }
0xa2: {  	_ =	swait.ge [sflag:s23], $0x1  }
0xa3: {  	[sflag:s23] =	ssyncset.done $0x0  }
0xa4: {  	s25 =	simm.s32 $0x1B8E;
	s24 =	sld [smem:$0x3FFE];
	[sflag:s23] =	ssyncadd.s32 $0xFFFFFFFF  }
0xa5: {  	s26 =	simm.s32 $execute0_lowered;
	[smem:$0x3FD2] =	sst s25  }
0xa6: {  	s4 =	sshll.u32 s26, $0x1;
	_ =	strace $0x80000046;
	[dreg:$0x1] =	wrdreg $0xFFFFFFFF  }
0xa7: {  	s28 =	simm.s32 $_size_execute0_lowered;
	s2 =	sadd.s32 s2, s4;
	[dreg:$0x0] =	wrdreg $0x0  }
0xa8: {  	s4 =	sshll.u32 s28, $0x1;
	[dreg:$0x2] =	wrdreg s2  }
0xa9: {  	[dreg:$0x3] =	wrdreg s4  }
0xaa: {  	[dreg:$0x4] =	wrdreg $0xC0  }
0xab: {  	_ =	task [dreg:s6], $0x5FFFF  }
0xac: {  	[dreg:$0x1] =	wrdreg $0xFFFFFFFF  }
0xad: {  	[dreg:$0x0] =	wrdreg $0x60  }
0xae: {  	[dreg:$0x2] =	wrdreg s24  }
0xaf: {  	[dreg:$0x3] =	wrdreg $0x148800  }
0xb0: {  	[dreg:$0x4] =	wrdreg $0x9  }
0xb1: {  	_ =	task.clear_ibuf [dreg:s6], $0x5FFFF;
	_ =	strace $0x90000046  }
0xb2: {  	s29 =	simm.s32 $0x9;
	_ =	strace $0x80000048  }
0xb3: {  	_ =	swait.ge [sflag:s29], $0x1  }
0xb4: {  	[sflag:s29] =	ssyncadd.s32 $0xFFFFFFFF  }
0xb5: {  	_ =	strace $0x90000048  }
0xb6: {  	_ =	sfence  }
0xb7: {  	s30 =	sld [smem:$0x0];
	_ =	sdelay $0x2  }
0xb8: {  	s31 =	sshll.u32 s1, $0xD;
	s1 =	sshrl.u32 s1, $0x2  }
0xb9: {  	s3 =	sand.u32 $0x4000, s31;
	s1 =	sadd.s32 s1, s30  }
0xba: {  	s0 =	sor.u32 s3, s0;
	s1 =	sshll.u32 s1, $0x11  }
0xbb: {  	s0 =	sor.u32 s1, s0  }
0xbc: {  	s0 =	sadd.s32 $0x8F2B, s0  }
0xbd: {  	[sflag:s0] =	ssyncadd.remote.s32 $0x1  }
0xbe: {  	_ =	sfence.sel $0xFFFF  }
0xbf: {  	[dreg:$0x0] =	wrdreg $0xFFFFFFFF;
	(pc) =	sbr.abs _section_cstart, $3  }
0xc0: {  	[dreg:$0x1] =	wrdreg $0xFFFFFFFF  }
0xc1: {  	_ =	task.clear_ibuf [dreg:s6], $0x2FFFF;
	_ =	strace $0x9FFFFFFF  }
0xc2: {  	(tm) =	ssettm $0x7FFFFFFF  }
0xc3: {  	_ =	shalt  }
tec
execute0_lowered:
.L_overlay_start_1:
0x0: {  	(tag) =	ssettag $0x1  }
0x1: {  	s0 =	rddreg [dreg:$0x0]  }
0x2: {  	s1 =	rddreg [dreg:$0x1]  }
0x3: {  	s2 =	srdreg.scid;
	s10 =	stileid.u32  }
0x4: {  	s3 =	simm.s32 $0x0;
	s28 =	simm.s32 $0xAC40;
	s6 =	smul.u32 $0x1388, s10  }
0x5: {  	s29 =	simm.s32 $0x1;
	s31 =	simm.s32 $0x3;
	s17 =	smul.u32 $0xEC40, s10  }
0x6: {  	s30 =	simm.s32 $0x5;
	s2 =	sand.u32 $0x1, s2;
	s8 =	smul.u32 $0x27100, s10  }
0x7: {  	[smem:$0x7FF] =	sst s3;
	s4 =	sadd.s32 $0x20800, s0;
	s26 =	smul.u32 $0x1D88, s10  }
0x8: {  	s7 =	sadd.s32 $0x2E00, s0;
	s5 =	smul.u32 $0x13880, s2;
	s18 =	ssub.s32 $0x2, s2  }
0x9: {  	_ =	strace $0x80000047;
	s2 =	smul.u32 $0x7E0, s2;
	s9 =	sshrl.u32 s18, $0x1  }
0xa: {  	s8 =	sshrl.u32 s8, $0x2;
	s5 =	sadd.s32 s6, s5;
	s9 =	ssub.s32 s18, s9  }
0xb: {  	s6 =	sshrl.u32 s17, $0x3;
	s8 =	sadd.s32 s8, s1;
	s19 =	smax.u32 s9, $0x1  }
0xc: {  	s0 =	sadd.s32 s5, s0;
	s20 =	sadd.s32 $0x1F40, s8;
	[dreg:$0x4] =	wrdreg s19  }
0xd: {  	s5 =	sadd.s32 s7, s6;
	s21 =	sadd.s32 $0x3E80, s8;
	[dreg:$0x5] =	wrdreg s20  }
0xe: {  	s6 =	sshrl.u32 s2, $0x2;
	s22 =	sadd.s32 $0x5DC0, s8;
	[dreg:$0x6] =	wrdreg s21  }
0xf: {  	s23 =	sadd.s32 $0x7D00, s8;
	s2 =	simm.s32 $0x2;
	[dreg:$0x7] =	wrdreg s22  }
0x10: {  	s0 =	sadd.s32 $0x47A00, s0;
	[dreg:$0x8] =	wrdreg s23;
	s24 =	sadd.s32 $0x5E8, s6  }
0x11: {  	s25 =	sadd.s32 $0x2F4, s5;
	s16 =	sadd.s32 $0xBD0, s6;
	s17 =	sadd.s32 $0x11B8, s6  }
0x12: {  	s18 =	sadd.s32 $0x17A0, s6;
	s19 =	sadd.s32 $0x1D88, s6;
	[dreg:$0x3] =	wrdreg s0  }
0x13: {  	s20 =	sadd.s32 $0x2370, s6;
	s21 =	sadd.s32 $0x2958, s6;
	[dreg:$0x9] =	wrdreg s24  }
0x14: {  	s23 =	simm.s32 $0x6;
	[dreg:$0xa] =	wrdreg s25;
	s0 =	sadd.s32 s26, s7  }
0x15: {  	s24 =	simm.s32 $0x1F4;
	s25 =	simm.s32 $0x2F40;
	s26 =	simm.s32 $0x12940  }
0x16: {  	v0 =	vimm.f32 $0.0e+00;
	s7 =	simm.s32 $0x0;
	s22 =	sadd.s32 $0x5E8, s0;
	s0 =	simm.s32 $0x4  }
.LBB2_1:
0x17: {  	s10 =	simm.s32 $0x100;
	s9 =	simm.s32 $0x0  }
.LBB2_2:
0x18: {  	p0 =	sne.s32 s10, $0x7C00;
	[tilespmem:s9+$0x12970] =	vst v0;
	s11 =	smov.u32 s10;
	s10 =	sadd.s32 $0x100, s10  }
.Ltmp0:
0x19: {  	[tilespmem:s9+$0x12960] =	vst v0;
	(pc) =	sbr.rel @p0 .LBB2_2-.Ltmp0, $3  }
0x1a: {  	[tilespmem:s9+$0x12940] =	vst v0  }
0x1b: {  	[tilespmem:s9+$0x12950] =	vst v0;
	_ =	sdelay $0x1  }
0x1c: {  	s9 =	sshra.s32 s11, $0x2  }
0x1d: {  	[tilespmem:s9+$0x12970] =	vst v0  }
0x1e: {  	[tilespmem:s9+$0x12960] =	vst v0  }
0x1f: {  	[tilespmem:s9+$0x12940] =	vst v0  }
0x20: {  	[tilespmem:s9+$0x12950] =	vst v0  }
0x21: {  	[tilespmem:s3], [sflag:$0x6] =	stream.linear.gather [hbm4b:s5+s3], $0x17A0, $0x38;
	[tilespmem:$0x1E4C0] =	vst v63  }
0x22: {  	_ =	swait.ge [sflag:s23], $0x17A0  }
0x23: {  	[sflag:s23] =	ssyncset.done $0x0  }
0x24: {  	[sflag:s23] =	ssyncadd.s32 $0xFFFFE860  }
0x25: {  	[tilespmem:s25], [sflag:$0x1] =	stream.indirect.gather [hbm4b:s4+s24], $0x40, s6, s24, $0xb8;
	[tilespmem:$0x1E4C0] =	vst v63  }
0x26: {  	_ = 	snop  }
0x27: {  	[spmem:s8] =	stream.linear.scatter [tilespmem:s26], [sflag:$0x6], $0x1F40, $0x38;
	[tilespmem:$0x1E4C0] =	vst v63  }
0x28: {  	_ =	swait.ge [sflag:s23], $0x1F40  }
0x29: {  	[sflag:s23] =	ssyncset.done $0x0  }
0x2a: {  	s13 =	rddreg [dreg:$0x5];
	[sflag:s23] =	ssyncadd.s32 $0xFFFFE0C0  }
0x2b: {  	[spmem:s13] =	stream.linear.scatter [tilespmem:s26], [sflag:$0x6], $0x1F40, $0x38;
	[tilespmem:$0x1E4C0] =	vst v63  }
0x2c: {  	_ =	swait.ge [sflag:s23], $0x1F40  }
0x2d: {  	[sflag:s23] =	ssyncset.done $0x0  }
0x2e: {  	s14 =	rddreg [dreg:$0x6];
	[sflag:s23] =	ssyncadd.s32 $0xFFFFE0C0  }
0x2f: {  	[spmem:s14] =	stream.linear.scatter [tilespmem:s26], [sflag:$0x6], $0x1F40, $0x38;
	[tilespmem:$0x1E4C0] =	vst v63  }
0x30: {  	_ =	swait.ge [sflag:s23], $0x1F40  }
0x31: {  	[sflag:s23] =	ssyncset.done $0x0  }
0x32: {  	s15 =	rddreg [dreg:$0x7];
	[sflag:s23] =	ssyncadd.s32 $0xFFFFE0C0  }
0x33: {  	[spmem:s15] =	stream.linear.scatter [tilespmem:s26], [sflag:$0x6], $0x1F40, $0x38;
	[tilespmem:$0x1E4C0] =	vst v63  }
0x34: {  	_ =	swait.ge [sflag:s23], $0x1F40  }
0x35: {  	[sflag:s23] =	ssyncset.done $0x0  }
0x36: {  	s10 =	rddreg [dreg:$0x8];
	[sflag:s23] =	ssyncadd.s32 $0xFFFFE0C0  }
0x37: {  	[spmem:s10] =	stream.linear.scatter [tilespmem:s26], [sflag:$0x6], $0x1F40, $0x38;
	[tilespmem:$0x1E4C0] =	vst v63  }
0x38: {  	_ =	swait.ge [sflag:s23], $0x1F40  }
0x39: {  	[sflag:s23] =	ssyncset.done $0x0  }
0x3a: {  	[sflag:s23] =	ssyncadd.s32 $0xFFFFE0C0  }
0x3b: {  	[bflag:$0x0] =	sbarrier.arrive $0xFFFF  }
0x3c: {  	s11 =	rddreg [dreg:$0x9]  }
0x3d: {  	[tilespmem:s28], [sflag:$0x2] =	stream.indirect.gather [hbm4b:s4+s24], $0x40, s11, s24, $0xb8;
	[tilespmem:$0x1E4C0] =	vst v63  }
0x3e: {  	_ =	swait.ge [sflag:s29], $0x7D00  }
0x3f: {  	[sflag:s29] =	ssyncset.done $0x0  }
0x40: {  	s12 =	simm.s32 $0x3F0;
	[sflag:s29] =	ssyncadd.s32 $0xFFFF8300  }
0x41: {  	[spmem:s1] =	stream.indirect.scatter.add.f32 [tilespmem:s25], [sflag:$0x3], $0x40, s12, s24, $0xb8;
	[tilespmem:$0x1E4C0] =	vst v63  }
0x42: {  	_ =	swait.ge [sflag:s31], $0x7D00  }
0x43: {  	[sflag:s31] =	ssyncset.done $0x0  }
0x44: {  	s10 =	simm.s32 $0x17A0;
	s13 =	rddreg [dreg:$0xa];
	[sflag:s31] =	ssyncadd.s32 $0xFFFF8300  }
0x45: {  	[tilespmem:s10], [sflag:$0x5] =	stream.linear.gather [hbm4b:s13+s3], $0x17A0, $0x38;
	[tilespmem:$0x1E4C0] =	vst v63  }
0x46: {  	s14 =	simm.s32 $0x2  }
0x47: {  	[tilespmem:s25], [sflag:$0x1] =	stream.indirect.gather [hbm4b:s4+s24], $0x40, s16, s24, $0xb8;
	[tilespmem:$0x1E4C0] =	vst v63  }
0x48: {  	_ =	swait.ge [sflag:s14], $0x7D00  }
0x49: {  	[sflag:s14] =	ssyncset.done $0x0  }
0x4a: {  	s15 =	simm.s32 $0x9D8;
	[sflag:s14] =	ssyncadd.s32 $0xFFFF8300  }
0x4b: {  	[spmem:s1] =	stream.indirect.scatter.add.f32 [tilespmem:s28], [sflag:$0x4], $0x40, s15, s24, $0xb8;
	[tilespmem:$0x1E4C0] =	vst v63  }
0x4c: {  	_ =	swait.ge [sflag:s0], $0x7D00  }
0x4d: {  	[sflag:s0] =	ssyncset.done $0x0  }
0x4e: {  	[sflag:s0] =	ssyncadd.s32 $0xFFFF8300  }
0x4f: {  	[tilespmem:s28], [sflag:$0x2] =	stream.indirect.gather [hbm4b:s4+s24], $0x40, s17, s24, $0xb8;
	[tilespmem:$0x1E4C0] =	vst v63  }
0x50: {  	_ =	swait.ge [sflag:s29], $0x7D00  }
0x51: {  	[sflag:s29] =	ssyncset.done $0x0  }
0x52: {  	s11 =	simm.s32 $0xFC0;
	[sflag:s29] =	ssyncadd.s32 $0xFFFF8300  }
0x53: {  	[spmem:s1] =	stream.indirect.scatter.add.f32 [tilespmem:s25], [sflag:$0x3], $0x40, s11, s24, $0xb8;
	[tilespmem:$0x1E4C0] =	vst v63  }
0x54: {  	_ =	swait.ge [sflag:s31], $0x7D00  }
0x55: {  	[sflag:s31] =	ssyncset.done $0x0  }
0x56: {  	[sflag:s31] =	ssyncadd.s32 $0xFFFF8300  }
0x57: {  	_ =	swait.ge [sflag:s30], $0x17A0  }
0x58: {  	[sflag:s30] =	ssyncset.done $0x0  }
0x59: {  	[sflag:s30] =	ssyncadd.s32 $0xFFFFE860  }
0x5a: {  	[tilespmem:s25], [sflag:$0x1] =	stream.indirect.gather [hbm4b:s4+s24], $0x40, s18, s24, $0xb8;
	[tilespmem:$0x1E4C0] =	vst v63  }
0x5b: {  	s9 =	sand.u32 $0x1, s14;
	_ =	swait.ge [sflag:s14], $0x7D00  }
0x5c: {  	p0 =	seq.s32 s9, $0x1;
	[sflag:s14] =	ssyncset.done $0x0  }
0x5d: {  	s9 =	simm.s32 $0x0;
	s12 =	simm.s32 $0x15A8;
	[sflag:s14] =	ssyncadd.s32 $0xFFFF8300  }
0x5e: {  	[spmem:s1] =	stream.indirect.scatter.add.f32 [tilespmem:s28], [sflag:$0x4], $0x40, s12, s24, $0xb8;
	[tilespmem:$0x1E4C0] =	vst v63  }
0x5f: {  	s9 =	simm.s32 @!p0 $0x17A0;
	_ =	swait.ge [sflag:s0], $0x7D00  }
0x60: {  	s13 =	sadd.s32 s9, s6;
	[sflag:s0] =	ssyncset.done $0x0  }
0x61: {  	s11 =	sadd.s32 $0x5E8, s13;
	[sflag:s0] =	ssyncadd.s32 $0xFFFF8300  }
0x62: {  	[tilespmem:s28], [sflag:$0x2] =	stream.indirect.gather [hbm4b:s4+s24], $0x40, s11, s24, $0xb8;
	[tilespmem:$0x1E4C0] =	vst v63  }
0x63: {  	_ =	swait.ge [sflag:s29], $0x7D00  }
0x64: {  	[sflag:s29] =	ssyncset.done $0x0  }
0x65: {  	s14 =	sadd.s32 $0x3F0, s9;
	[sflag:s29] =	ssyncadd.s32 $0xFFFF8300  }
0x66: {  	[spmem:s1] =	stream.indirect.scatter.add.f32 [tilespmem:s25], [sflag:$0x3], $0x40, s14, s24, $0xb8;
	[tilespmem:$0x1E4C0] =	vst v63  }
0x67: {  	_ =	swait.ge [sflag:s31], $0x7D00  }
0x68: {  	s11 =	simm.s32 $0x17A0;
	[sflag:s31] =	ssyncset.done $0x0  }
0x69: {  	s11 =	simm.s32 @!p0 $0x0;
	[sflag:s31] =	ssyncadd.s32 $0xFFFF8300  }
0x6a: {  	[tilespmem:s11], [sflag:$0x5] =	stream.linear.gather [hbm4b:s22+s3], $0x17A0, $0x38;
	[tilespmem:$0x1E4C0] =	vst v63  }
0x6b: {  	s12 =	sadd.s32 $0xBD0, s13  }
0x6c: {  	[tilespmem:s25], [sflag:$0x1] =	stream.indirect.gather [hbm4b:s4+s24], $0x40, s12, s24, $0xb8;
	[tilespmem:$0x1E4C0] =	vst v63  }
0x6d: {  	_ =	swait.ge [sflag:s2], $0x7D00  }
0x6e: {  	[sflag:s2] =	ssyncset.done $0x0  }
0x6f: {  	s15 =	sadd.s32 $0x9D8, s9;
	[sflag:s2] =	ssyncadd.s32 $0xFFFF8300  }
0x70: {  	[spmem:s1] =	stream.indirect.scatter.add.f32 [tilespmem:s28], [sflag:$0x4], $0x40, s15, s24, $0xb8;
	[tilespmem:$0x1E4C0] =	vst v63  }
0x71: {  	_ =	swait.ge [sflag:s0], $0x7D00  }
0x72: {  	[sflag:s0] =	ssyncset.done $0x0  }
0x73: {  	s10 =	sadd.s32 $0x11B8, s13;
	[sflag:s0] =	ssyncadd.s32 $0xFFFF8300  }
0x74: {  	[tilespmem:s28], [sflag:$0x2] =	stream.indirect.gather [hbm4b:s4+s24], $0x40, s10, s24, $0xb8;
	[tilespmem:$0x1E4C0] =	vst v63  }
0x75: {  	_ =	swait.ge [sflag:s29], $0x7D00  }
0x76: {  	[sflag:s29] =	ssyncset.done $0x0  }
0x77: {  	s13 =	sadd.s32 $0xFC0, s9;
	[sflag:s29] =	ssyncadd.s32 $0xFFFF8300  }
0x78: {  	[spmem:s1] =	stream.indirect.scatter.add.f32 [tilespmem:s25], [sflag:$0x3], $0x40, s13, s24, $0xb8;
	[tilespmem:$0x1E4C0] =	vst v63  }
0x79: {  	_ =	swait.ge [sflag:s31], $0x7D00  }
0x7a: {  	[sflag:s31] =	ssyncset.done $0x0  }
0x7b: {  	[sflag:s31] =	ssyncadd.s32 $0xFFFF8300  }
0x7c: {  	s14 =	sadd.s32 s11, s6;
	_ =	swait.ge [sflag:s30], $0x17A0  }
0x7d: {  	s11 =	simm.s32 $0x4;
	s15 =	simm.s32 $0x3;
	[sflag:s30] =	ssyncset.done $0x0  }
0x7e: {  	s12 =	sand.u32 $0x1, s15;
	s10 =	sadd.s32 $0x2F4, s22;
	[sflag:s30] =	ssyncadd.s32 $0xFFFFE860  }
0x7f: {  	[tilespmem:s25], [sflag:$0x1] =	stream.indirect.gather [hbm4b:s4+s24], $0x40, s14, s24, $0xb8;
	[tilespmem:$0x1E4C0] =	vst v63  }
.LBB2_4:
0x80: {  	p1 =	seq.s32 s12, $0x1;
	_ =	swait.ge [sflag:s2], $0x7D00;
	s12 =	smov.u32 s11  }
0x81: {  	s13 =	sadd.s32 $0x1, s11;
	s14 =	sadd.s32 $0x15A8, s9;
	s9 =	simm.s32 $0x0  }
0x82: {  	[sflag:s2] =	ssyncset.done $0x0;
	s9 =	simm.s32 @!p1 $0x17A0  }
0x83: {  	p0 =	sne.s32 s11, $0x9;
	s11 =	sadd.s32 s9, s6;
	[sflag:s2] =	ssyncadd.s32 $0xFFFF8300  }
0x84: {  	[spmem:s1] =	stream.indirect.scatter.add.f32 [tilespmem:s28], [sflag:$0x4], $0x40, s14, s24, $0xb8;
	[tilespmem:$0x1E4C0] =	vst v63  }
0x85: {  	_ =	swait.ge [sflag:s0], $0x7D00  }
0x86: {  	[sflag:s0] =	ssyncset.done $0x0  }
0x87: {  	s14 =	sadd.s32 $0x5E8, s11;
	[sflag:s0] =	ssyncadd.s32 $0xFFFF8300  }
0x88: {  	[tilespmem:s28], [sflag:$0x2] =	stream.indirect.gather [hbm4b:s4+s24], $0x40, s14, s24, $0xb8;
	[tilespmem:$0x1E4C0] =	vst v63  }
0x89: {  	_ =	swait.ge [sflag:s29], $0x7D00  }
0x8a: {  	[sflag:s29] =	ssyncset.done $0x0  }
0x8b: {  	s14 =	sadd.s32 $0x3F0, s9;
	[sflag:s29] =	ssyncadd.s32 $0xFFFF8300  }
0x8c: {  	[spmem:s1] =	stream.indirect.scatter.add.f32 [tilespmem:s25], [sflag:$0x3], $0x40, s14, s24, $0xb8;
	[tilespmem:$0x1E4C0] =	vst v63  }
0x8d: {  	_ =	swait.ge [sflag:s31], $0x7D00  }
0x8e: {  	s14 =	simm.s32 $0x17A0;
	[sflag:s31] =	ssyncset.done $0x0  }
0x8f: {  	s14 =	simm.s32 @!p1 $0x0;
	[sflag:s31] =	ssyncadd.s32 $0xFFFF8300  }
0x90: {  	[tilespmem:s14], [sflag:$0x5] =	stream.linear.gather [hbm4b:s10+s3], $0x17A0, $0x38;
	[tilespmem:$0x1E4C0] =	vst v63  }
0x91: {  	s15 =	sadd.s32 $0xBD0, s11  }
0x92: {  	[tilespmem:s25], [sflag:$0x1] =	stream.indirect.gather [hbm4b:s4+s24], $0x40, s15, s24, $0xb8;
	[tilespmem:$0x1E4C0] =	vst v63  }
0x93: {  	_ =	swait.ge [sflag:s2], $0x7D00  }
0x94: {  	[sflag:s2] =	ssyncset.done $0x0  }
0x95: {  	s15 =	sadd.s32 $0x9D8, s9;
	[sflag:s2] =	ssyncadd.s32 $0xFFFF8300  }
0x96: {  	[spmem:s1] =	stream.indirect.scatter.add.f32 [tilespmem:s28], [sflag:$0x4], $0x40, s15, s24, $0xb8;
	[tilespmem:$0x1E4C0] =	vst v63  }
0x97: {  	_ =	swait.ge [sflag:s0], $0x7D00  }
0x98: {  	[sflag:s0] =	ssyncset.done $0x0  }
0x99: {  	s11 =	sadd.s32 $0x11B8, s11;
	[sflag:s0] =	ssyncadd.s32 $0xFFFF8300  }
0x9a: {  	[tilespmem:s28], [sflag:$0x2] =	stream.indirect.gather [hbm4b:s4+s24], $0x40, s11, s24, $0xb8;
	[tilespmem:$0x1E4C0] =	vst v63  }
0x9b: {  	_ =	swait.ge [sflag:s29], $0x7D00  }
0x9c: {  	[sflag:s29] =	ssyncset.done $0x0  }
0x9d: {  	s11 =	sadd.s32 $0xFC0, s9;
	[sflag:s29] =	ssyncadd.s32 $0xFFFF8300  }
0x9e: {  	[spmem:s1] =	stream.indirect.scatter.add.f32 [tilespmem:s25], [sflag:$0x3], $0x40, s11, s24, $0xb8;
	[tilespmem:$0x1E4C0] =	vst v63  }
0x9f: {  	_ =	swait.ge [sflag:s31], $0x7D00  }
0xa0: {  	[sflag:s31] =	ssyncset.done $0x0  }
0xa1: {  	[sflag:s31] =	ssyncadd.s32 $0xFFFF8300  }
.Ltmp1:
0xa2: {  	_ =	swait.ge [sflag:s30], $0x17A0;
	(pc) =	sbr.rel @p0 .LBB2_4-.Ltmp1, $4  }
0xa3: {  	s10 =	sadd.s32 $0x2F4, s10;
	[sflag:s30] =	ssyncset.done $0x0  }
0xa4: {  	s12 =	sand.u32 $0x1, s12;
	s11 =	sadd.s32 s14, s6;
	[sflag:s30] =	ssyncadd.s32 $0xFFFFE860  }
0xa5: {  	[tilespmem:s25], [sflag:$0x1] =	stream.indirect.gather [hbm4b:s4+s24], $0x40, s11, s24, $0xb8;
	[tilespmem:$0x1E4C0] =	vst v63  }
0xa6: {  	s11 =	smov.u32 s13  }
0xa7: {  	_ =	swait.ge [sflag:s2], $0x7D00  }
0xa8: {  	p0 =	seq.s32 s12, $0x1;
	[sflag:s2] =	ssyncset.done $0x0  }
0xa9: {  	s11 =	simm.s32 $0x0;
	s9 =	sadd.s32 $0x15A8, s9;
	[sflag:s2] =	ssyncadd.s32 $0xFFFF8300  }
0xaa: {  	[spmem:s1] =	stream.indirect.scatter.add.f32 [tilespmem:s28], [sflag:$0x4], $0x40, s9, s24, $0xb8;
	[tilespmem:$0x1E4C0] =	vst v63  }
0xab: {  	s11 =	simm.s32 @!p0 $0x17A0;
	_ =	swait.ge [sflag:s0], $0x7D00  }
0xac: {  	s9 =	sadd.s32 s11, s6;
	[sflag:s0] =	ssyncset.done $0x0  }
0xad: {  	s15 =	sadd.s32 $0x5E8, s9;
	[sflag:s0] =	ssyncadd.s32 $0xFFFF8300  }
0xae: {  	[tilespmem:s28], [sflag:$0x2] =	stream.indirect.gather [hbm4b:s4+s24], $0x40, s15, s24, $0xb8;
	[tilespmem:$0x1E4C0] =	vst v63  }
0xaf: {  	_ =	swait.ge [sflag:s29], $0x7D00  }
0xb0: {  	[sflag:s29] =	ssyncset.done $0x0  }
0xb1: {  	s13 =	sadd.s32 $0x3F0, s11;
	[sflag:s29] =	ssyncadd.s32 $0xFFFF8300  }
0xb2: {  	[spmem:s1] =	stream.indirect.scatter.add.f32 [tilespmem:s25], [sflag:$0x3], $0x40, s13, s24, $0xb8;
	[tilespmem:$0x1E4C0] =	vst v63  }
0xb3: {  	_ =	swait.ge [sflag:s31], $0x7D00  }
0xb4: {  	s12 =	simm.s32 $0x17A0;
	[sflag:s31] =	ssyncset.done $0x0  }
0xb5: {  	s12 =	simm.s32 @!p0 $0x0;
	[sflag:s31] =	ssyncadd.s32 $0xFFFF8300  }
0xb6: {  	[tilespmem:s12], [sflag:$0x5] =	stream.linear.gather [hbm4b:s10+s3], $0x17A0, $0x38;
	[tilespmem:$0x1E4C0] =	vst v63  }
0xb7: {  	s14 =	sadd.s32 $0xBD0, s9  }
0xb8: {  	[tilespmem:s25], [sflag:$0x1] =	stream.indirect.gather [hbm4b:s4+s24], $0x40, s14, s24, $0xb8;
	[tilespmem:$0x1E4C0] =	vst v63  }
0xb9: {  	_ =	swait.ge [sflag:s2], $0x7D00  }
0xba: {  	[sflag:s2] =	ssyncset.done $0x0  }
0xbb: {  	s15 =	sadd.s32 $0x9D8, s11;
	[sflag:s2] =	ssyncadd.s32 $0xFFFF8300  }
0xbc: {  	[spmem:s1] =	stream.indirect.scatter.add.f32 [tilespmem:s28], [sflag:$0x4], $0x40, s15, s24, $0xb8;
	[tilespmem:$0x1E4C0] =	vst v63  }
0xbd: {  	_ =	swait.ge [sflag:s0], $0x7D00  }
0xbe: {  	[sflag:s0] =	ssyncset.done $0x0  }
0xbf: {  	s9 =	sadd.s32 $0x11B8, s9;
	[sflag:s0] =	ssyncadd.s32 $0xFFFF8300  }
0xc0: {  	[tilespmem:s28], [sflag:$0x2] =	stream.indirect.gather [hbm4b:s4+s24], $0x40, s9, s24, $0xb8;
	[tilespmem:$0x1E4C0] =	vst v63  }
0xc1: {  	_ =	swait.ge [sflag:s29], $0x7D00  }
0xc2: {  	[sflag:s29] =	ssyncset.done $0x0  }
0xc3: {  	s10 =	sadd.s32 $0xFC0, s11;
	[sflag:s29] =	ssyncadd.s32 $0xFFFF8300  }
0xc4: {  	[spmem:s1] =	stream.indirect.scatter.add.f32 [tilespmem:s25], [sflag:$0x3], $0x40, s10, s24, $0xb8;
	[tilespmem:$0x1E4C0] =	vst v63  }
0xc5: {  	_ =	swait.ge [sflag:s31], $0x7D00  }
0xc6: {  	[sflag:s31] =	ssyncset.done $0x0  }
0xc7: {  	[sflag:s31] =	ssyncadd.s32 $0xFFFF8300  }
0xc8: {  	_ =	swait.ge [sflag:s30], $0x17A0  }
0xc9: {  	[sflag:s30] =	ssyncset.done $0x0  }
0xca: {  	s12 =	sadd.s32 s12, s6;
	[sflag:s30] =	ssyncadd.s32 $0xFFFFE860  }
0xcb: {  	[tilespmem:s25], [sflag:$0x1] =	stream.indirect.gather [hbm4b:s4+s24], $0x40, s12, s24, $0xb8;
	[tilespmem:$0x1E4C0] =	vst v63  }
0xcc: {  	_ =	swait.ge [sflag:s2], $0x7D00  }
0xcd: {  	[sflag:s2] =	ssyncset.done $0x0  }
0xce: {  	s13 =	sadd.s32 $0x15A8, s11;
	[sflag:s2] =	ssyncadd.s32 $0xFFFF8300  }
0xcf: {  	[spmem:s1] =	stream.indirect.scatter.add.f32 [tilespmem:s28], [sflag:$0x4], $0x40, s13, s24, $0xb8;
	[tilespmem:$0x1E4C0] =	vst v63  }
0xd0: {  	_ =	swait.ge [sflag:s0], $0x7D00  }
0xd1: {  	[sflag:s0] =	ssyncset.done $0x0  }
0xd2: {  	[sflag:s0] =	ssyncadd.s32 $0xFFFF8300  }
0xd3: {  	[tilespmem:s28], [sflag:$0x2] =	stream.indirect.gather [hbm4b:s4+s24], $0x40, s19, s24, $0xb8;
	[tilespmem:$0x1E4C0] =	vst v63  }
0xd4: {  	_ =	swait.ge [sflag:s29], $0x7D00  }
0xd5: {  	[sflag:s29] =	ssyncset.done $0x0  }
0xd6: {  	s14 =	simm.s32 $0x1B90;
	[sflag:s29] =	ssyncadd.s32 $0xFFFF8300  }
0xd7: {  	[spmem:s1] =	stream.indirect.scatter.add.f32 [tilespmem:s25], [sflag:$0x3], $0x40, s14, s24, $0xb8;
	[tilespmem:$0x1E4C0] =	vst v63  }
0xd8: {  	_ =	swait.ge [sflag:s31], $0x7D00  }
0xd9: {  	[sflag:s31] =	ssyncset.done $0x0  }
0xda: {  	[sflag:s31] =	ssyncadd.s32 $0xFFFF8300  }
0xdb: {  	[tilespmem:s25], [sflag:$0x1] =	stream.indirect.gather [hbm4b:s4+s24], $0x40, s20, s24, $0xb8;
	[tilespmem:$0x1E4C0] =	vst v63  }
0xdc: {  	_ =	swait.ge [sflag:s2], $0x7D00  }
0xdd: {  	[sflag:s2] =	ssyncset.done $0x0  }
0xde: {  	s15 =	simm.s32 $0x2178;
	[sflag:s2] =	ssyncadd.s32 $0xFFFF8300  }
0xdf: {  	[spmem:s1] =	stream.indirect.scatter.add.f32 [tilespmem:s28], [sflag:$0x4], $0x40, s15, s24, $0xb8;
	[tilespmem:$0x1E4C0] =	vst v63  }
0xe0: {  	_ =	swait.ge [sflag:s0], $0x7D00  }
0xe1: {  	[sflag:s0] =	ssyncset.done $0x0  }
0xe2: {  	[sflag:s0] =	ssyncadd.s32 $0xFFFF8300  }
0xe3: {  	[tilespmem:s28], [sflag:$0x2] =	stream.indirect.gather [hbm4b:s4+s24], $0x40, s21, s24, $0xb8;
	[tilespmem:$0x1E4C0] =	vst v63  }
0xe4: {  	_ =	swait.ge [sflag:s29], $0x7D00  }
0xe5: {  	[sflag:s29] =	ssyncset.done $0x0  }
0xe6: {  	s10 =	simm.s32 $0x2760;
	[sflag:s29] =	ssyncadd.s32 $0xFFFF8300  }
0xe7: {  	[spmem:s1] =	stream.indirect.scatter.add.f32 [tilespmem:s25], [sflag:$0x3], $0x40, s10, s24, $0xb8;
	[tilespmem:$0x1E4C0] =	vst v63  }
0xe8: {  	_ =	swait.ge [sflag:s31], $0x7D00  }
0xe9: {  	[sflag:s31] =	ssyncset.done $0x0  }
0xea: {  	[sflag:s31] =	ssyncadd.s32 $0xFFFF8300  }
0xeb: {  	_ =	swait.ge [sflag:s2], $0x7D00  }
0xec: {  	[sflag:s2] =	ssyncset.done $0x0  }
0xed: {  	s11 =	simm.s32 $0x2D48;
	[sflag:s2] =	ssyncadd.s32 $0xFFFF8300  }
0xee: {  	[spmem:s1] =	stream.indirect.scatter.add.f32 [tilespmem:s28], [sflag:$0x4], $0x40, s11, s24, $0xb8;
	[tilespmem:$0x1E4C0] =	vst v63  }
0xef: {  	_ =	swait.ge [sflag:s0], $0x7D00  }
0xf0: {  	[sflag:s0] =	ssyncset.done $0x0  }
0xf1: {  	s12 =	stileid.u32;
	[sflag:s0] =	ssyncadd.s32 $0xFFFF8300  }
0xf2: {  	s9 =	sshll.u32 s12, $0x6;
	[bflag:$0x0] =	sbarrier.arrive $0xFFFF  }
0xf3: {  	s9 =	sor.u32 $0x1C06, s9;
	s13 =	sshrl.u32 s8, $0x3;
	s14 =	rddreg [dreg:$0x3]  }
0xf4: {  	[hbm:s14], [sflag:s9] =	dma.local [spmem:s13], $0x1388  }
0xf5: {  	_ =	swait.ge [sflag:s23], $0x1388  }
0xf6: {  	s7 =	sadd.s32 $0x1, s7;
	s15 =	rddreg [dreg:$0x4]  }
0xf7: {  	p0 =	sne.s32 s7, s15  }
.Ltmp2:
0xf8: {  	_ = 	snop;
	(pc) =	sbr.rel @p0 .LBB2_1-.Ltmp2, $3  }
0xf9: {  	_ =	sdelay $0x1  }
0xfa: {  	[sflag:s23] =	ssyncset.done $0x0  }
0xfb: {  	[sflag:s23] =	ssyncadd.s32 $0xFFFFEC78  }
0xfc: {  	_ =	sfence.sel $0x180000  }
0xfd: {  	[bflag:$0x0] =	sbarrier.arrive $0xFFFF  }
0xfe: {  	_ =	strace $0x90000047  }
0xff: {  	s0 =	stileid.u32;
	[bflag:$0x2] =	sbarrier.arrive $0xFFFF  }
0x100: {  	p0 =	sne.s32 s0, $0x0;
	s0 =	rddreg [dreg:$0x2]  }
0x101: {  	s0 =	sadd.s32 @!p0 $0x100000, s0  }
0x102: {  	[sflag:s0] =	ssyncadd.tile.s32 @!p0 $0x1;
	_ =	shalt  }
.Lfunc_end2:
_tile_overlayer_lowered:
.L_overlay_start_2:
0x103: {  	(tag) =	ssettag $0x2  }
0x104: {  	s0 =	rddreg [dreg:$0x0];
	s2 =	stileid.u32  }
0x105: {  	s1 =	rddreg [dreg:$0x1];
	p0 =	sne.s32 s2, $0x0  }
0x106: {  	s3 =	rddreg [dreg:$0x2];
	[bflag:$0x3] =	sbarrier.arrive $0xFFFF;
	s2 =	simm.s32 @!p0 $0x1C06  }
0x107: {  	[timem:s3], [sflag:s2] =	dma.local @!p0 [hbm:s0], s1  }
0x108: {  	s0 =	simm.s32 @!p0 $0x6  }
0x109: {  	_ =	swait.ge @!p0 [sflag:s0], s1  }
0x10a: {  	s1 =	ssub.s32 @!p0 $0x0, s1;
	[sflag:s0] =	ssyncset.done @!p0 $0x0  }
0x10b: {  	[sflag:s0] =	ssyncadd.s32 @!p0 s1  }
0x10c: {  	[bflag:$0x3] =	sbarrier.arrive $0xFFFF  }
0x10d: {  	_ =	shalt  }

</sc_bundles>
